<compile_context>
chip_gen: v7x
topology: tpu7x:2x2x1
jax: 0.10.2.dev20260603
libtpu: 0.0.44.dev20260713+nightly
codegen_flags: <defaults>
</compile_context>

<pallas_src>
import functools

import jax
import jax.numpy as jnp
from jax import lax
from jax.experimental import pallas as pl
from jax.experimental.pallas import tpu as pltpu
from jax.experimental.pallas import tpu_sc as plsc

_N = 10000
_D = 128
_E = 320000
_NC = 2
_NS = 16
_NW = _NC * _NS
_CHUNK = 128
_WCH = 80
_NCH = _E // _CHUNK
_EP = _NW * _WCH * _CHUNK
_DW = 128
_RPS = 624
_TAIL0 = _RPS * _NS
_TAILN = _N - _TAIL0
_R = 1000

_mesh = plsc.VectorSubcoreMesh(core_axis_name="c", subcore_axis_name="s")



def _zero_acc(z_hbm, acc, sid):
    r0 = sid * _RPS
    pltpu.sync_copy(z_hbm.at[pl.ds(r0, _RPS)], acc.at[pl.ds(r0, _RPS)])

    @pl.when(sid == _NS - 1)
    def _():
        pltpu.sync_copy(z_hbm.at[pl.ds(_TAIL0, _TAILN)],
                        acc.at[pl.ds(_TAIL0, _TAILN)])


def _writeback(acc, out_hbm, cid, sid):
    r0 = sid * _RPS
    pltpu.sync_copy(acc.at[pl.ds(r0, _RPS)], out_hbm.at[cid, pl.ds(r0, _RPS)])

    @pl.when(sid == _NS - 1)
    def _():
        pltpu.sync_copy(acc.at[pl.ds(_TAIL0, _TAILN)],
                        out_hbm.at[cid, pl.ds(_TAIL0, _TAILN)])


@functools.partial(
    pl.kernel,
    out_type=jax.ShapeDtypeStruct((_NC, _N, _DW), jnp.float32),
    mesh=_mesh,
    scratch_types=[
        pltpu.VMEM((_WCH, _CHUNK), jnp.int32),
        pltpu.VMEM((_CHUNK, _DW), jnp.float32),
        pltpu.VMEM_SHARED((_N, _DW), jnp.float32),
    ],
)
def _sc_degree(dst_hbm, ones_hbm, z_hbm, out_hbm, dbuf, ones_v, acc):
    cid = lax.axis_index("c")
    sid = lax.axis_index("s")
    wid = cid * _NS + sid
    nch = jnp.minimum(_WCH, _NCH - wid * _WCH)
    pltpu.sync_copy(dst_hbm.at[pl.ds(wid * _WCH, _WCH)], dbuf)
    _zero_acc(z_hbm, acc, sid)
    pltpu.sync_copy(ones_hbm, ones_v)
    plsc.subcore_barrier()

    @pl.loop(0, _WCH)
    def _(j):
        @pl.when(j < nch)
        def _():
            pltpu.sync_copy(ones_v, acc.at[dbuf.at[j]], add=True)

    plsc.subcore_barrier()
    _writeback(acc, out_hbm, cid, sid)


@functools.partial(
    pl.kernel,
    out_type=jax.ShapeDtypeStruct((_NC, _N, _D), jnp.float32),
    mesh=_mesh,
    scratch_types=[
        pltpu.VMEM((_WCH // 2, _CHUNK), jnp.int32),
        pltpu.VMEM((_WCH // 2, _CHUNK), jnp.int32),
        pltpu.VMEM((2, _CHUNK, _D), jnp.float32),
        pltpu.VMEM_SHARED((_N, _D), jnp.float32),
        pltpu.SemaphoreType.DMA,
        pltpu.SemaphoreType.DMA,
    ],
)
def _sc_agg(hs_hbm, src_hbm, dst_hbm, z_hbm, out_hbm, sbuf, dbuf, rbuf, acc,
            sem0, sem1):
    cid = lax.axis_index("c")
    sid = lax.axis_index("s")
    wid = cid * _NS + sid
    nch = jnp.minimum(_WCH, _NCH - wid * _WCH)
    _zero_acc(z_hbm, acc, sid)
    plsc.subcore_barrier()

    hw = _WCH // 2
    for p in range(2):
        cnt = jnp.clip(nch - p * hw, 0, hw)

        @pl.when(cnt > 0)
        def _():
            base = wid * _WCH + p * hw
            pltpu.sync_copy(src_hbm.at[pl.ds(base, hw)], sbuf)
            pltpu.sync_copy(dst_hbm.at[pl.ds(base, hw)], dbuf)
            pltpu.async_copy(hs_hbm.at[sbuf.at[0]], rbuf.at[0], sem0)

            @pl.loop(0, hw // 2)
            def _(k):
                @pl.when(k < cnt // 2)
                def _():
                    j = 2 * k
                    c1 = pltpu.async_copy(hs_hbm.at[sbuf.at[j + 1]],
                                          rbuf.at[1], sem1)
                    pltpu.make_async_copy(hs_hbm.at[sbuf.at[j]], rbuf.at[0],
                                          sem0).wait()
                    pltpu.sync_copy(rbuf.at[0], acc.at[dbuf.at[j]], add=True)

                    @pl.when(j + 2 < cnt)
                    def _():
                        pltpu.async_copy(hs_hbm.at[sbuf.at[j + 2]],
                                         rbuf.at[0], sem0)

                    c1.wait()
                    pltpu.sync_copy(rbuf.at[1], acc.at[dbuf.at[j + 1]],
                                    add=True)

    plsc.subcore_barrier()
    _writeback(acc, out_hbm, cid, sid)



def _dis_from(d_ref):
    deg = 1.0 + d_ref[0, :, 0:1] + d_ref[1, :, 0:1]
    return lax.rsqrt(deg)


def _k1_body(x_ref, w_ref, d_ref, o_ref):
    dis = _dis_from(d_ref)
    o_ref[...] = dis * jnp.dot(x_ref[...], w_ref[...],
                               preferred_element_type=jnp.float32)


def _k2_body(p_ref, hs_ref, d_ref, b1_ref, w2_ref, o_ref):
    dis = _dis_from(d_ref)
    s = p_ref[0] + p_ref[1] + hs_ref[...]
    h = jnp.maximum(dis * s + b1_ref[...], 0.0)
    o_ref[...] = dis * jnp.dot(h, w2_ref[...],
                               preferred_element_type=jnp.float32)


def _k3_body(q_ref, hs_ref, d_ref, b2_ref, wu_ref, bu_ref, ws_ref, bs_ref,
             u_ref, s_ref):
    dis = _dis_from(d_ref)
    hh = dis * (q_ref[0] + q_ref[1] + hs_ref[...]) + b2_ref[...]
    u_ref[...] = jnp.dot(hh, wu_ref[...],
                         preferred_element_type=jnp.float32) + bu_ref[...]
    sg = jnp.dot(hh, ws_ref[...],
                 preferred_element_type=jnp.float32) + bs_ref[...]
    s_ref[...] = jnp.maximum(sg, 0.01)


_row = pl.BlockSpec((_R, _D), lambda i: (i, 0))
_full = pl.BlockSpec((_D, _D), lambda i: (0, 0))
_bias = pl.BlockSpec((1, _D), lambda i: (0, 0))
_part = pl.BlockSpec((_NC, _R, _D), lambda i: (0, i, 0))
_degs = pl.BlockSpec((_NC, _R, _DW), lambda i: (0, i, 0))
_out = jax.ShapeDtypeStruct((_N, _D), jnp.float32)


def _k1(x, W1, degs):
    return pl.pallas_call(
        _k1_body, grid=(_N // _R,),
        in_specs=[_row, _full, _degs],
        out_specs=_row, out_shape=_out,
    )(x, W1, degs)


def _k2(p, hs1, degs, b1, W2):
    return pl.pallas_call(
        _k2_body, grid=(_N // _R,),
        in_specs=[_part, _row, _degs, _bias, _full],
        out_specs=_row, out_shape=_out,
    )(p, hs1, degs, b1, W2)


def _k3(q, hs2, degs, b2, Wu, bu, Ws, bs):
    return pl.pallas_call(
        _k3_body, grid=(_N // _R,),
        in_specs=[_part, _row, _degs, _bias, _full, _bias, _full, _bias],
        out_specs=(_row, _row), out_shape=(_out, _out),
    )(q, hs2, degs, b2, Wu, bu, Ws, bs)


def kernel(initial_e_emb, edge_index, W1, b1, W2, b2, Wu, bu, Ws, bs):
    ei = edge_index.astype(jnp.int32)
    npad = _EP - _E
    pad = jnp.zeros((npad,), jnp.int32)
    src = jnp.concatenate([ei[0], pad]).reshape(_EP // _CHUNK, _CHUNK)
    dst = jnp.concatenate([ei[1], pad]).reshape(_EP // _CHUNK, _CHUNK)
    zeros = jnp.zeros((_N, _D), jnp.float32)
    zeros_dw = jnp.zeros((_N, _DW), jnp.float32)
    ones = jnp.ones((_CHUNK, _DW), jnp.float32)

    degs = _sc_degree(dst, ones, zeros_dw)
    hs1 = _k1(initial_e_emb, W1, degs)
    p = _sc_agg(hs1, src, dst, zeros)
    hs2 = _k2(p, hs1, degs, b1.reshape(1, _D), W2)
    q = _sc_agg(hs2, src, dst, zeros)
    u, sigma = _k3(q, hs2, degs, b2.reshape(1, _D),
                   Wu, bu.reshape(1, _D), Ws, bs.reshape(1, _D))
    return (u, sigma)

# --- scband reference (transcript-rebuilt; emitter-appended) ---
"""Pipeline reference for scband-m1-step-model-55645596287312 (READ-ONLY COPY).

The authoritative reference and input builder live on the scoring server;
editing this copy changes nothing except your own understanding.
"""

import jax, jax.numpy as jnp
import numpy as np

N_NODES = 10000
D_IN = 128
D_LAT = 128
N_EDGES = 320000


def gcn_conv(x, edge_index, W, b):
    # PyG GCNConv: linear transform, add self-loops, symmetric normalization, scatter-add
    src = edge_index[0]
    dst = edge_index[1]
    loop = jnp.arange(N_NODES, dtype=edge_index.dtype)
    src = jnp.concatenate([src, loop])
    dst = jnp.concatenate([dst, loop])
    h = x @ W
    deg = jnp.zeros((N_NODES,), dtype=h.dtype).at[dst].add(1.0)
    deg_inv_sqrt = jnp.where(deg > 0, 1.0 / jnp.sqrt(deg), 0.0)
    norm = deg_inv_sqrt[src] * deg_inv_sqrt[dst]
    msg = h[src] * norm[:, None]
    out = jnp.zeros((N_NODES, W.shape[1]), dtype=h.dtype).at[dst].add(msg)
    return out + b


def setup_inputs(seed: int = 0) -> dict:
    key = jax.random.key(seed)
    ks = jax.random.split(key, 10)
    x = jax.random.normal(ks[0], (N_NODES, D_IN), dtype=jnp.float32)
    edge_index = jax.random.randint(ks[1], (2, N_EDGES), 0, N_NODES, dtype=jnp.int64)
    s1 = 1.0 / np.sqrt(D_IN)
    s2 = 1.0 / np.sqrt(D_LAT)
    W1 = jax.random.uniform(ks[2], (D_IN, D_LAT), jnp.float32, -s1, s1)
    b1 = jnp.zeros((D_LAT,), jnp.float32)
    W2 = jax.random.uniform(ks[3], (D_LAT, D_LAT), jnp.float32, -s2, s2)
    b2 = jnp.zeros((D_LAT,), jnp.float32)
    Wu = jax.random.uniform(ks[4], (D_LAT, D_LAT), jnp.float32, -s2, s2)
    bu = jax.random.uniform(ks[5], (D_LAT,), jnp.float32, -s2, s2)
    Ws = jax.random.uniform(ks[6], (D_LAT, D_LAT), jnp.float32, -s2, s2)
    bs = jax.random.uniform(ks[7], (D_LAT,), jnp.float32, -s2, s2)
    return {"initial_e_emb": x, "edge_index": edge_index, "W1": W1, "b1": b1,
            "W2": W2, "b2": b2, "Wu": Wu, "bu": bu, "Ws": Ws, "bs": bs}


def reference(initial_e_emb, edge_index, W1, b1, W2, b2, Wu, bu, Ws, bs):
    h = jax.nn.relu(gcn_conv(initial_e_emb, edge_index, W1, b1))
    # dropout is identity in eval mode
    h = gcn_conv(h, edge_index, W2, b2)
    u = h @ Wu + bu
    sigma = h @ Ws + bs
    sigma = jnp.clip(jax.nn.relu(sigma), 0.01, None)
    return (u, sigma)

if __name__ == "__main__":
    import jax
    _d = setup_inputs()
    print(jax.jit(kernel)(*tuple(_d.values())))

</pallas_src>

<mosaic_0001>
#map = affine_map<(d0, d1) -> (0, 0)>
#map1 = affine_map<(d0, d1) -> (0, 0, 0)>
module attributes {stable_mosaic.version = 14 : i64} {
  func.func @_sc_agg(%arg0: i32, %arg1: i32, %arg2: memref<10000x128xf32, #tpu.memory_space<hbm>>, %arg3: memref<2560x128xi32, #tpu.memory_space<hbm>>, %arg4: memref<2560x128xi32, #tpu.memory_space<hbm>>, %arg5: memref<10000x128xf32, #tpu.memory_space<hbm>>, %arg6: memref<2x10000x128xf32, #tpu.memory_space<hbm>>, %arg7: memref<40x128xi32, #tpu.memory_space<vmem>>, %arg8: memref<40x128xi32, #tpu.memory_space<vmem>>, %arg9: memref<2x128x128xf32, #tpu.memory_space<vmem>>, %arg10: memref<10000x128xf32, #tpu.memory_space<vmem_shared>>, %arg11: memref<!tpu.dma_semaphore, #tpu.memory_space<semaphore_mem>>, %arg12: memref<!tpu.dma_semaphore, #tpu.memory_space<semaphore_mem>>) attributes {dimension_semantics = [#tpu.dimension_semantics<core_parallel>, #tpu.dimension_semantics<subcore_parallel>], iteration_bounds = array<i64: 2, 16>, scalar_prefetch = 0 : i64, scratch_operands = 6 : i64, tpu.core_type = #tpu.core_type<sc_vector_subcore>, window_params = [{transform_indices = #map}, {transform_indices = #map}, {transform_indices = #map}, {transform_indices = #map}, {transform_indices = #map1}]} {
    %mul3A = arith.constant 16 : i32
    %mul3A_0 = arith.muli %arg0, %mul3A : i32
    %add3A = arith.addi %mul3A_0, %arg1 : i32
    %mul3A_1 = arith.constant 80 : i32
    %mul3A_2 = arith.muli %add3A, %mul3A_1 : i32
    %sub3A = arith.constant 2500 : i32
    %sub3A_3 = arith.subi %sub3A, %mul3A_2 : i32
    %min3A = arith.constant 80 : i32
    %min3A_4 = arith.minsi %min3A, %sub3A_3 : i32
    %mul3A_5 = arith.constant 624 : i32
    %mul3A_6 = arith.muli %arg1, %mul3A_5 : i32
    "tpu.region"() ({
      %run_scoped3A = tpu.sem_alloc : memref<!tpu.dma_semaphore, #tpu.memory_space<semaphore_mem>>
      %dma_start3A = arith.constant 0 : i32
      %dma_start3A_36 = tpu.memref_slice %arg10[%mul3A_6, %dma_start3A] : memref<10000x128xf32, #tpu.memory_space<vmem_shared>> -> memref<624x128xf32, #tpu.memory_space<vmem_shared>>
      %dma_start3A_37 = arith.constant 0 : i32
      %dma_start3A_38 = tpu.memref_slice %arg5[%mul3A_6, %dma_start3A_37] : memref<10000x128xf32, #tpu.memory_space<hbm>> -> memref<624x128xf32, #tpu.memory_space<hbm>>
      tpu.enqueue_dma source(%dma_start3A_38 : memref<624x128xf32, #tpu.memory_space<hbm>>) target(%dma_start3A_36 : memref<624x128xf32, #tpu.memory_space<vmem_shared>>) target_semaphore(%run_scoped3A : memref<!tpu.dma_semaphore, #tpu.memory_space<semaphore_mem>>)
      %dma_wait3A = arith.constant 0 : i32
      %dma_wait3A_39 = tpu.memref_slice %arg10[%mul3A_6, %dma_wait3A] : memref<10000x128xf32, #tpu.memory_space<vmem_shared>> -> memref<624x128xf32, #tpu.memory_space<vmem_shared>>
      %dma_wait3A_40 = arith.constant 0 : i32
      %dma_wait3A_41 = tpu.memref_slice %arg5[%mul3A_6, %dma_wait3A_40] : memref<10000x128xf32, #tpu.memory_space<hbm>> -> memref<624x128xf32, #tpu.memory_space<hbm>>
      tpu.wait_dma2 semaphore(%run_scoped3A : memref<!tpu.dma_semaphore, #tpu.memory_space<semaphore_mem>>) src(%dma_wait3A_41 : memref<624x128xf32, #tpu.memory_space<hbm>>) dst(%dma_wait3A_39 : memref<624x128xf32, #tpu.memory_space<vmem_shared>>)
      tpu.yield
    }) : () -> ()
    %eq3A = arith.constant 15 : i32
    %eq3A_7 = arith.cmpi eq, %arg1, %eq3A : i32
    %convert_element_type3A = arith.extui %eq3A_7 : i1 to i32
    %cond3A = arith.constant 0 : i32
    %cond3A_8 = arith.cmpi ne, %convert_element_type3A, %cond3A : i32
    scf.if %cond3A_8 {
      "tpu.region"() ({
        %run_scoped3A = tpu.sem_alloc : memref<!tpu.dma_semaphore, #tpu.memory_space<semaphore_mem>>
        %dma_start3A = arith.constant 9984 : i32
        %dma_start3A_36 = arith.constant 0 : i32
        %dma_start3A_37 = tpu.memref_slice %arg10[%dma_start3A, %dma_start3A_36] : memref<10000x128xf32, #tpu.memory_space<vmem_shared>> -> memref<16x128xf32, #tpu.memory_space<vmem_shared>>
        %dma_start3A_38 = arith.constant 9984 : i32
        %dma_start3A_39 = arith.constant 0 : i32
        %dma_start3A_40 = tpu.memref_slice %arg5[%dma_start3A_38, %dma_start3A_39] : memref<10000x128xf32, #tpu.memory_space<hbm>> -> memref<16x128xf32, #tpu.memory_space<hbm>>
        tpu.enqueue_dma source(%dma_start3A_40 : memref<16x128xf32, #tpu.memory_space<hbm>>) target(%dma_start3A_37 : memref<16x128xf32, #tpu.memory_space<vmem_shared>>) target_semaphore(%run_scoped3A : memref<!tpu.dma_semaphore, #tpu.memory_space<semaphore_mem>>)
        %dma_wait3A = arith.constant 9984 : i32
        %dma_wait3A_41 = arith.constant 0 : i32
        %dma_wait3A_42 = tpu.memref_slice %arg10[%dma_wait3A, %dma_wait3A_41] : memref<10000x128xf32, #tpu.memory_space<vmem_shared>> -> memref<16x128xf32, #tpu.memory_space<vmem_shared>>
        %dma_wait3A_43 = arith.constant 9984 : i32
        %dma_wait3A_44 = arith.constant 0 : i32
        %dma_wait3A_45 = tpu.memref_slice %arg5[%dma_wait3A_43, %dma_wait3A_44] : memref<10000x128xf32, #tpu.memory_space<hbm>> -> memref<16x128xf32, #tpu.memory_space<hbm>>
        tpu.wait_dma2 semaphore(%run_scoped3A : memref<!tpu.dma_semaphore, #tpu.memory_space<semaphore_mem>>) src(%dma_wait3A_45 : memref<16x128xf32, #tpu.memory_space<hbm>>) dst(%dma_wait3A_42 : memref<16x128xf32, #tpu.memory_space<vmem_shared>>)
        tpu.yield
      }) : () -> ()
    } else {
    }
    %barrier3A = arith.constant 0 : index
    tpu.barrier barrier_id(%barrier3A)
    %sub3A_9 = arith.constant 0 : i32
    %sub3A_10 = arith.subi %min3A_4, %sub3A_9 : i32
    %jit3A = arith.constant 0 : i32
    %jit3A_11 = arith.constant 40 : i32
    %max3A = arith.maxsi %jit3A, %sub3A_10 : i32
    %min3A_12 = arith.minsi %jit3A_11, %max3A : i32
    %gt3A = arith.constant 0 : i32
    %gt3A_13 = arith.cmpi sgt, %min3A_12, %gt3A : i32
    %convert_element_type3A_14 = arith.extui %gt3A_13 : i1 to i32
    %cond3A_15 = arith.constant 0 : i32
    %cond3A_16 = arith.cmpi ne, %convert_element_type3A_14, %cond3A_15 : i32
    scf.if %cond3A_16 {
      %mul3A_36 = arith.constant 80 : i32
      %mul3A_37 = arith.muli %add3A, %mul3A_36 : i32
      %add3A_38 = arith.constant 0 : i32
      %add3A_39 = arith.addi %mul3A_37, %add3A_38 : i32
      "tpu.region"() ({
        %run_scoped3A = tpu.sem_alloc : memref<!tpu.dma_semaphore, #tpu.memory_space<semaphore_mem>>
        %dma_start3A_55 = arith.constant 0 : i32
        %dma_start3A_56 = tpu.memref_slice %arg3[%add3A_39, %dma_start3A_55] : memref<2560x128xi32, #tpu.memory_space<hbm>> -> memref<40x128xi32, #tpu.memory_space<hbm>>
        %dma_start3A_57 = arith.constant 0 : i32
        %dma_start3A_58 = tpu.memref_slice %arg3[%add3A_39, %dma_start3A_57] : memref<2560x128xi32, #tpu.memory_space<hbm>> -> memref<40x128xi32, #tpu.memory_space<hbm>>
        tpu.enqueue_dma source(%dma_start3A_58 : memref<40x128xi32, #tpu.memory_space<hbm>>) target(%arg7 : memref<40x128xi32, #tpu.memory_space<vmem>>) target_semaphore(%run_scoped3A : memref<!tpu.dma_semaphore, #tpu.memory_space<semaphore_mem>>)
        %dma_wait3A = arith.constant 0 : i32
        %dma_wait3A_59 = tpu.memref_slice %arg3[%add3A_39, %dma_wait3A] : memref<2560x128xi32, #tpu.memory_space<hbm>> -> memref<40x128xi32, #tpu.memory_space<hbm>>
        %dma_wait3A_60 = arith.constant 0 : i32
        %dma_wait3A_61 = tpu.memref_slice %arg3[%add3A_39, %dma_wait3A_60] : memref<2560x128xi32, #tpu.memory_space<hbm>> -> memref<40x128xi32, #tpu.memory_space<hbm>>
        tpu.wait_dma2 semaphore(%run_scoped3A : memref<!tpu.dma_semaphore, #tpu.memory_space<semaphore_mem>>) src(%dma_wait3A_61 : memref<40x128xi32, #tpu.memory_space<hbm>>) dst(%arg7 : memref<40x128xi32, #tpu.memory_space<vmem>>)
        tpu.yield
      }) : () -> ()
      "tpu.region"() ({
        %run_scoped3A = tpu.sem_alloc : memref<!tpu.dma_semaphore, #tpu.memory_space<semaphore_mem>>
        %dma_start3A_55 = arith.constant 0 : i32
        %dma_start3A_56 = tpu.memref_slice %arg4[%add3A_39, %dma_start3A_55] : memref<2560x128xi32, #tpu.memory_space<hbm>> -> memref<40x128xi32, #tpu.memory_space<hbm>>
        %dma_start3A_57 = arith.constant 0 : i32
        %dma_start3A_58 = tpu.memref_slice %arg4[%add3A_39, %dma_start3A_57] : memref<2560x128xi32, #tpu.memory_space<hbm>> -> memref<40x128xi32, #tpu.memory_space<hbm>>
        tpu.enqueue_dma source(%dma_start3A_58 : memref<40x128xi32, #tpu.memory_space<hbm>>) target(%arg8 : memref<40x128xi32, #tpu.memory_space<vmem>>) target_semaphore(%run_scoped3A : memref<!tpu.dma_semaphore, #tpu.memory_space<semaphore_mem>>)
        %dma_wait3A = arith.constant 0 : i32
        %dma_wait3A_59 = tpu.memref_slice %arg4[%add3A_39, %dma_wait3A] : memref<2560x128xi32, #tpu.memory_space<hbm>> -> memref<40x128xi32, #tpu.memory_space<hbm>>
        %dma_wait3A_60 = arith.constant 0 : i32
        %dma_wait3A_61 = tpu.memref_slice %arg4[%add3A_39, %dma_wait3A_60] : memref<2560x128xi32, #tpu.memory_space<hbm>> -> memref<40x128xi32, #tpu.memory_space<hbm>>
        tpu.wait_dma2 semaphore(%run_scoped3A : memref<!tpu.dma_semaphore, #tpu.memory_space<semaphore_mem>>) src(%dma_wait3A_61 : memref<40x128xi32, #tpu.memory_space<hbm>>) dst(%arg8 : memref<40x128xi32, #tpu.memory_space<vmem>>)
        tpu.yield
      }) : () -> ()
      %dma_start3A = arith.constant 0 : i32
      %dma_start3A_40 = arith.constant 0 : i32
      %dma_start3A_41 = arith.constant 0 : i32
      %dma_start3A_42 = arith.constant 0 : i32
      %dma_start3A_43 = tpu.memref_slice %arg9[%dma_start3A_40, %dma_start3A_41, %dma_start3A_42] : memref<2x128x128xf32, #tpu.memory_space<vmem>> -> memref<1x128x128xf32, #tpu.memory_space<vmem>>
      %dma_start3A_44 = tpu.memref_squeeze %dma_start3A_43 : memref<1x128x128xf32, #tpu.memory_space<vmem>> -> memref<128x128xf32, #tpu.memory_space<vmem>>
      %dma_start3A_45 = arith.constant 0 : i32
      %dma_start3A_46 = tpu.memref_slice %arg7[%dma_start3A, %dma_start3A_45] : memref<40x128xi32, #tpu.memory_space<vmem>> -> memref<1x128xi32, #tpu.memory_space<vmem>>
      %dma_start3A_47 = tpu.memref_squeeze %dma_start3A_46 : memref<1x128xi32, #tpu.memory_space<vmem>> -> memref<128xi32, #tpu.memory_space<vmem>>
      %dma_start3A_48 = arith.constant 0 : i32
      %dma_start3A_49 = arith.constant 0 : i32
      %dma_start3A_50 = tpu.memref_slice %arg2[%dma_start3A_48, %dma_start3A_49] : memref<10000x128xf32, #tpu.memory_space<hbm>> -> memref<10000x128xf32, #tpu.memory_space<hbm>>
      tpu.enqueue_indirect_dma source(%dma_start3A_50 : memref<10000x128xf32, #tpu.memory_space<hbm>>) target(%dma_start3A_44 : memref<128x128xf32, #tpu.memory_space<vmem>>) offsets(%dma_start3A_47 : memref<128xi32, #tpu.memory_space<vmem>>) semaphore(%arg11 : memref<!tpu.dma_semaphore, #tpu.memory_space<semaphore_mem>>)
      %scan3A = arith.constant 0 : i32
      %scan3A_51 = arith.constant 20 : i32
      %scan3A_52 = arith.addi %scan3A, %scan3A_51 : i32
      %scan3A_53 = arith.constant 1 : i32
      scf.for %scan3A_55 = %scan3A to %scan3A_52 step %scan3A_53  : i32 {
        %mul3A_56 = arith.constant 1 : i32
        %mul3A_57 = arith.muli %scan3A_55, %mul3A_56 : i32
        %add3A_58 = arith.constant 0 : i32
        %add3A_59 = arith.addi %add3A_58, %mul3A_57 : i32
        %jit3A_60 = arith.constant 2 : i32
        %div3A = arith.divsi %min3A_12, %jit3A_60 : i32
        %sign3A = arith.constant 0 : i32
        %sign3A_61 = arith.cmpi sgt, %min3A_12, %sign3A : i32
        %sign3A_62 = arith.extui %sign3A_61 : i1 to i32
        %sign3A_63 = arith.constant 0 : i32
        %sign3A_64 = arith.cmpi slt, %min3A_12, %sign3A_63 : i32
        %sign3A_65 = arith.extui %sign3A_64 : i1 to i32
        %sign3A_66 = arith.subi %sign3A_62, %sign3A_65 : i32
        %sign3A_67 = arith.constant 0 : i32
        %sign3A_68 = arith.cmpi sgt, %jit3A_60, %sign3A_67 : i32
        %sign3A_69 = arith.extui %sign3A_68 : i1 to i32
        %sign3A_70 = arith.constant 0 : i32
        %sign3A_71 = arith.cmpi slt, %jit3A_60, %sign3A_70 : i32
        %sign3A_72 = arith.extui %sign3A_71 : i1 to i32
        %sign3A_73 = arith.subi %sign3A_69, %sign3A_72 : i32
        %ne3A = arith.cmpi ne, %sign3A_66, %sign3A_73 : i32
        %rem3A = arith.remsi %min3A_12, %jit3A_60 : i32
        %ne3A_74 = arith.constant 0 : i32
        %ne3A_75 = arith.cmpi ne, %rem3A, %ne3A_74 : i32
        %and3A = arith.andi %ne3A, %ne3A_75 : i1
        %sub3A_76 = arith.constant 1 : i32
        %sub3A_77 = arith.subi %div3A, %sub3A_76 : i32
        %select_n3A = arith.select %and3A, %sub3A_77, %div3A : i32
        %lt3A = arith.cmpi slt, %add3A_59, %select_n3A : i32
        %convert_element_type3A_78 = arith.extui %lt3A : i1 to i32
        %cond3A_79 = arith.constant 0 : i32
        %cond3A_80 = arith.cmpi ne, %convert_element_type3A_78, %cond3A_79 : i32
        scf.if %cond3A_80 {
          %mul3A_81 = arith.constant 2 : i32
          %mul3A_82 = arith.muli %mul3A_81, %add3A_59 : i32
          %add3A_83 = arith.constant 1 : i32
          %add3A_84 = arith.addi %mul3A_82, %add3A_83 : i32
          %dma_start3A_85 = arith.constant 1 : i32
          %dma_start3A_86 = arith.constant 0 : i32
          %dma_start3A_87 = arith.constant 0 : i32
          %dma_start3A_88 = tpu.memref_slice %arg9[%dma_start3A_85, %dma_start3A_86, %dma_start3A_87] : memref<2x128x128xf32, #tpu.memory_space<vmem>> -> memref<1x128x128xf32, #tpu.memory_space<vmem>>
          %dma_start3A_89 = tpu.memref_squeeze %dma_start3A_88 : memref<1x128x128xf32, #tpu.memory_space<vmem>> -> memref<128x128xf32, #tpu.memory_space<vmem>>
          %dma_start3A_90 = arith.constant 0 : i32
          %dma_start3A_91 = tpu.memref_slice %arg7[%add3A_84, %dma_start3A_90] : memref<40x128xi32, #tpu.memory_space<vmem>> -> memref<1x128xi32, #tpu.memory_space<vmem>>
          %dma_start3A_92 = tpu.memref_squeeze %dma_start3A_91 : memref<1x128xi32, #tpu.memory_space<vmem>> -> memref<128xi32, #tpu.memory_space<vmem>>
          %dma_start3A_93 = arith.constant 0 : i32
          %dma_start3A_94 = arith.constant 0 : i32
          %dma_start3A_95 = tpu.memref_slice %arg2[%dma_start3A_93, %dma_start3A_94] : memref<10000x128xf32, #tpu.memory_space<hbm>> -> memref<10000x128xf32, #tpu.memory_space<hbm>>
          tpu.enqueue_indirect_dma source(%dma_start3A_95 : memref<10000x128xf32, #tpu.memory_space<hbm>>) target(%dma_start3A_89 : memref<128x128xf32, #tpu.memory_space<vmem>>) offsets(%dma_start3A_92 : memref<128xi32, #tpu.memory_space<vmem>>) semaphore(%arg12 : memref<!tpu.dma_semaphore, #tpu.memory_space<semaphore_mem>>)
          %dma_wait3A = arith.constant 0 : i32
          %dma_wait3A_96 = arith.constant 0 : i32
          %dma_wait3A_97 = arith.constant 0 : i32
          %dma_wait3A_98 = tpu.memref_slice %arg9[%dma_wait3A, %dma_wait3A_96, %dma_wait3A_97] : memref<2x128x128xf32, #tpu.memory_space<vmem>> -> memref<1x128x128xf32, #tpu.memory_space<vmem>>
          %dma_wait3A_99 = tpu.memref_squeeze %dma_wait3A_98 : memref<1x128x128xf32, #tpu.memory_space<vmem>> -> memref<128x128xf32, #tpu.memory_space<vmem>>
          %dma_wait3A_100 = arith.constant 0 : i32
          %dma_wait3A_101 = tpu.memref_slice %arg7[%mul3A_82, %dma_wait3A_100] : memref<40x128xi32, #tpu.memory_space<vmem>> -> memref<1x128xi32, #tpu.memory_space<vmem>>
          %dma_wait3A_102 = tpu.memref_squeeze %dma_wait3A_101 : memref<1x128xi32, #tpu.memory_space<vmem>> -> memref<128xi32, #tpu.memory_space<vmem>>
          %dma_wait3A_103 = arith.constant 0 : i32
          %dma_wait3A_104 = arith.constant 0 : i32
          %dma_wait3A_105 = tpu.memref_slice %arg2[%dma_wait3A_103, %dma_wait3A_104] : memref<10000x128xf32, #tpu.memory_space<hbm>> -> memref<10000x128xf32, #tpu.memory_space<hbm>>
          tpu.wait_indirect_dma semaphore(%arg11 : memref<!tpu.dma_semaphore, #tpu.memory_space<semaphore_mem>>) src(%dma_wait3A_105 : memref<10000x128xf32, #tpu.memory_space<hbm>>) dst(%dma_wait3A_99 : memref<128x128xf32, #tpu.memory_space<vmem>>)
          %run_scoped3A = arith.constant 0 : i32
          "tpu.region"() ({
            %run_scoped3A_126 = tpu.sem_alloc : memref<!tpu.dma_semaphore, #tpu.memory_space<semaphore_mem>>
            %dma_start3A_127 = arith.constant 0 : i32
            %dma_start3A_128 = arith.constant 0 : i32
            %dma_start3A_129 = tpu.memref_slice %arg9[%run_scoped3A, %dma_start3A_127, %dma_start3A_128] : memref<2x128x128xf32, #tpu.memory_space<vmem>> -> memref<1x128x128xf32, #tpu.memory_space<vmem>>
            %dma_start3A_130 = tpu.memref_squeeze %dma_start3A_129 : memref<1x128x128xf32, #tpu.memory_space<vmem>> -> memref<128x128xf32, #tpu.memory_space<vmem>>
            %dma_start3A_131 = arith.constant 0 : i32
            %dma_start3A_132 = tpu.memref_slice %arg8[%mul3A_82, %dma_start3A_131] : memref<40x128xi32, #tpu.memory_space<vmem>> -> memref<1x128xi32, #tpu.memory_space<vmem>>
            %dma_start3A_133 = tpu.memref_squeeze %dma_start3A_132 : memref<1x128xi32, #tpu.memory_space<vmem>> -> memref<128xi32, #tpu.memory_space<vmem>>
            %dma_start3A_134 = arith.constant 0 : i32
            %dma_start3A_135 = arith.constant 0 : i32
            %dma_start3A_136 = tpu.memref_slice %arg10[%dma_start3A_134, %dma_start3A_135] : memref<10000x128xf32, #tpu.memory_space<vmem_shared>> -> memref<10000x128xf32, #tpu.memory_space<vmem_shared>>
            tpu.enqueue_indirect_dma source(%dma_start3A_130 : memref<128x128xf32, #tpu.memory_space<vmem>>) target(%dma_start3A_136 : memref<10000x128xf32, #tpu.memory_space<vmem_shared>>) offsets(%dma_start3A_133 : memref<128xi32, #tpu.memory_space<vmem>>) semaphore(%run_scoped3A_126 : memref<!tpu.dma_semaphore, #tpu.memory_space<semaphore_mem>>) {add = true}
            %dma_wait3A_137 = arith.constant 0 : i32
            %dma_wait3A_138 = arith.constant 0 : i32
            %dma_wait3A_139 = tpu.memref_slice %arg9[%run_scoped3A, %dma_wait3A_137, %dma_wait3A_138] : memref<2x128x128xf32, #tpu.memory_space<vmem>> -> memref<1x128x128xf32, #tpu.memory_space<vmem>>
            %dma_wait3A_140 = tpu.memref_squeeze %dma_wait3A_139 : memref<1x128x128xf32, #tpu.memory_space<vmem>> -> memref<128x128xf32, #tpu.memory_space<vmem>>
            %dma_wait3A_141 = arith.constant 0 : i32
            %dma_wait3A_142 = tpu.memref_slice %arg8[%mul3A_82, %dma_wait3A_141] : memref<40x128xi32, #tpu.memory_space<vmem>> -> memref<1x128xi32, #tpu.memory_space<vmem>>
            %dma_wait3A_143 = tpu.memref_squeeze %dma_wait3A_142 : memref<1x128xi32, #tpu.memory_space<vmem>> -> memref<128xi32, #tpu.memory_space<vmem>>
            %dma_wait3A_144 = arith.constant 0 : i32
            %dma_wait3A_145 = arith.constant 0 : i32
            %dma_wait3A_146 = tpu.memref_slice %arg10[%dma_wait3A_144, %dma_wait3A_145] : memref<10000x128xf32, #tpu.memory_space<vmem_shared>> -> memref<10000x128xf32, #tpu.memory_space<vmem_shared>>
            tpu.wait_indirect_dma semaphore(%run_scoped3A_126 : memref<!tpu.dma_semaphore, #tpu.memory_space<semaphore_mem>>) src(%dma_wait3A_140 : memref<128x128xf32, #tpu.memory_space<vmem>>) dst(%dma_wait3A_146 : memref<10000x128xf32, #tpu.memory_space<vmem_shared>>)
            tpu.yield
          }) : () -> ()
          %add3A_106 = arith.constant 2 : i32
          %add3A_107 = arith.addi %mul3A_82, %add3A_106 : i32
          %lt3A_108 = arith.cmpi slt, %add3A_107, %min3A_12 : i32
          %convert_element_type3A_109 = arith.extui %lt3A_108 : i1 to i32
          %cond3A_110 = arith.constant 0 : i32
          %cond3A_111 = arith.cmpi ne, %convert_element_type3A_109, %cond3A_110 : i32
          scf.if %cond3A_111 {
            %add3A_126 = arith.constant 2 : i32
            %add3A_127 = arith.addi %mul3A_82, %add3A_126 : i32
            %dma_start3A_128 = arith.constant 0 : i32
            %dma_start3A_129 = arith.constant 0 : i32
            %dma_start3A_130 = arith.constant 0 : i32
            %dma_start3A_131 = tpu.memref_slice %arg9[%dma_start3A_128, %dma_start3A_129, %dma_start3A_130] : memref<2x128x128xf32, #tpu.memory_space<vmem>> -> memref<1x128x128xf32, #tpu.memory_space<vmem>>
            %dma_start3A_132 = tpu.memref_squeeze %dma_start3A_131 : memref<1x128x128xf32, #tpu.memory_space<vmem>> -> memref<128x128xf32, #tpu.memory_space<vmem>>
            %dma_start3A_133 = arith.constant 0 : i32
            %dma_start3A_134 = tpu.memref_slice %arg7[%add3A_127, %dma_start3A_133] : memref<40x128xi32, #tpu.memory_space<vmem>> -> memref<1x128xi32, #tpu.memory_space<vmem>>
            %dma_start3A_135 = tpu.memref_squeeze %dma_start3A_134 : memref<1x128xi32, #tpu.memory_space<vmem>> -> memref<128xi32, #tpu.memory_space<vmem>>
            %dma_start3A_136 = arith.constant 0 : i32
            %dma_start3A_137 = arith.constant 0 : i32
            %dma_start3A_138 = tpu.memref_slice %arg2[%dma_start3A_136, %dma_start3A_137] : memref<10000x128xf32, #tpu.memory_space<hbm>> -> memref<10000x128xf32, #tpu.memory_space<hbm>>
            tpu.enqueue_indirect_dma source(%dma_start3A_138 : memref<10000x128xf32, #tpu.memory_space<hbm>>) target(%dma_start3A_132 : memref<128x128xf32, #tpu.memory_space<vmem>>) offsets(%dma_start3A_135 : memref<128xi32, #tpu.memory_space<vmem>>) semaphore(%arg11 : memref<!tpu.dma_semaphore, #tpu.memory_space<semaphore_mem>>)
          } else {
          }
          %dma_wait3A_112 = arith.constant 1 : i32
          %dma_wait3A_113 = arith.constant 0 : i32
          %dma_wait3A_114 = arith.constant 0 : i32
          %dma_wait3A_115 = tpu.memref_slice %arg9[%dma_wait3A_112, %dma_wait3A_113, %dma_wait3A_114] : memref<2x128x128xf32, #tpu.memory_space<vmem>> -> memref<1x128x128xf32, #tpu.memory_space<vmem>>
          %dma_wait3A_116 = tpu.memref_squeeze %dma_wait3A_115 : memref<1x128x128xf32, #tpu.memory_space<vmem>> -> memref<128x128xf32, #tpu.memory_space<vmem>>
          %dma_wait3A_117 = arith.constant 0 : i32
          %dma_wait3A_118 = tpu.memref_slice %arg7[%add3A_84, %dma_wait3A_117] : memref<40x128xi32, #tpu.memory_space<vmem>> -> memref<1x128xi32, #tpu.memory_space<vmem>>
          %dma_wait3A_119 = tpu.memref_squeeze %dma_wait3A_118 : memref<1x128xi32, #tpu.memory_space<vmem>> -> memref<128xi32, #tpu.memory_space<vmem>>
          %dma_wait3A_120 = arith.constant 0 : i32
          %dma_wait3A_121 = arith.constant 0 : i32
          %dma_wait3A_122 = tpu.memref_slice %arg2[%dma_wait3A_120, %dma_wait3A_121] : memref<10000x128xf32, #tpu.memory_space<hbm>> -> memref<10000x128xf32, #tpu.memory_space<hbm>>
          tpu.wait_indirect_dma semaphore(%arg12 : memref<!tpu.dma_semaphore, #tpu.memory_space<semaphore_mem>>) src(%dma_wait3A_122 : memref<10000x128xf32, #tpu.memory_space<hbm>>) dst(%dma_wait3A_116 : memref<128x128xf32, #tpu.memory_space<vmem>>)
          %add3A_123 = arith.constant 1 : i32
          %add3A_124 = arith.addi %mul3A_82, %add3A_123 : i32
          %run_scoped3A_125 = arith.constant 1 : i32
          "tpu.region"() ({
            %run_scoped3A_126 = tpu.sem_alloc : memref<!tpu.dma_semaphore, #tpu.memory_space<semaphore_mem>>
            %dma_start3A_127 = arith.constant 0 : i32
            %dma_start3A_128 = arith.constant 0 : i32
            %dma_start3A_129 = tpu.memref_slice %arg9[%run_scoped3A_125, %dma_start3A_127, %dma_start3A_128] : memref<2x128x128xf32, #tpu.memory_space<vmem>> -> memref<1x128x128xf32, #tpu.memory_space<vmem>>
            %dma_start3A_130 = tpu.memref_squeeze %dma_start3A_129 : memref<1x128x128xf32, #tpu.memory_space<vmem>> -> memref<128x128xf32, #tpu.memory_space<vmem>>
            %dma_start3A_131 = arith.constant 0 : i32
            %dma_start3A_132 = tpu.memref_slice %arg8[%add3A_124, %dma_start3A_131] : memref<40x128xi32, #tpu.memory_space<vmem>> -> memref<1x128xi32, #tpu.memory_space<vmem>>
            %dma_start3A_133 = tpu.memref_squeeze %dma_start3A_132 : memref<1x128xi32, #tpu.memory_space<vmem>> -> memref<128xi32, #tpu.memory_space<vmem>>
            %dma_start3A_134 = arith.constant 0 : i32
            %dma_start3A_135 = arith.constant 0 : i32
            %dma_start3A_136 = tpu.memref_slice %arg10[%dma_start3A_134, %dma_start3A_135] : memref<10000x128xf32, #tpu.memory_space<vmem_shared>> -> memref<10000x128xf32, #tpu.memory_space<vmem_shared>>
            tpu.enqueue_indirect_dma source(%dma_start3A_130 : memref<128x128xf32, #tpu.memory_space<vmem>>) target(%dma_start3A_136 : memref<10000x128xf32, #tpu.memory_space<vmem_shared>>) offsets(%dma_start3A_133 : memref<128xi32, #tpu.memory_space<vmem>>) semaphore(%run_scoped3A_126 : memref<!tpu.dma_semaphore, #tpu.memory_space<semaphore_mem>>) {add = true}
            %dma_wait3A_137 = arith.constant 0 : i32
            %dma_wait3A_138 = arith.constant 0 : i32
            %dma_wait3A_139 = tpu.memref_slice %arg9[%run_scoped3A_125, %dma_wait3A_137, %dma_wait3A_138] : memref<2x128x128xf32, #tpu.memory_space<vmem>> -> memref<1x128x128xf32, #tpu.memory_space<vmem>>
            %dma_wait3A_140 = tpu.memref_squeeze %dma_wait3A_139 : memref<1x128x128xf32, #tpu.memory_space<vmem>> -> memref<128x128xf32, #tpu.memory_space<vmem>>
            %dma_wait3A_141 = arith.constant 0 : i32
            %dma_wait3A_142 = tpu.memref_slice %arg8[%add3A_124, %dma_wait3A_141] : memref<40x128xi32, #tpu.memory_space<vmem>> -> memref<1x128xi32, #tpu.memory_space<vmem>>
            %dma_wait3A_143 = tpu.memref_squeeze %dma_wait3A_142 : memref<1x128xi32, #tpu.memory_space<vmem>> -> memref<128xi32, #tpu.memory_space<vmem>>
            %dma_wait3A_144 = arith.constant 0 : i32
            %dma_wait3A_145 = arith.constant 0 : i32
            %dma_wait3A_146 = tpu.memref_slice %arg10[%dma_wait3A_144, %dma_wait3A_145] : memref<10000x128xf32, #tpu.memory_space<vmem_shared>> -> memref<10000x128xf32, #tpu.memory_space<vmem_shared>>
            tpu.wait_indirect_dma semaphore(%run_scoped3A_126 : memref<!tpu.dma_semaphore, #tpu.memory_space<semaphore_mem>>) src(%dma_wait3A_140 : memref<128x128xf32, #tpu.memory_space<vmem>>) dst(%dma_wait3A_146 : memref<10000x128xf32, #tpu.memory_space<vmem_shared>>)
            tpu.yield
          }) : () -> ()
        } else {
        }
      }
      %scan3A_54 = arith.constant 20 : i32
    } else {
    }
    %sub3A_17 = arith.constant 40 : i32
    %sub3A_18 = arith.subi %min3A_4, %sub3A_17 : i32
    %jit3A_19 = arith.constant 0 : i32
    %jit3A_20 = arith.constant 40 : i32
    %max3A_21 = arith.maxsi %jit3A_19, %sub3A_18 : i32
    %min3A_22 = arith.minsi %jit3A_20, %max3A_21 : i32
    %gt3A_23 = arith.constant 0 : i32
    %gt3A_24 = arith.cmpi sgt, %min3A_22, %gt3A_23 : i32
    %convert_element_type3A_25 = arith.extui %gt3A_24 : i1 to i32
    %cond3A_26 = arith.constant 0 : i32
    %cond3A_27 = arith.cmpi ne, %convert_element_type3A_25, %cond3A_26 : i32
    scf.if %cond3A_27 {
      %mul3A_36 = arith.constant 80 : i32
      %mul3A_37 = arith.muli %add3A, %mul3A_36 : i32
      %add3A_38 = arith.constant 40 : i32
      %add3A_39 = arith.addi %mul3A_37, %add3A_38 : i32
      "tpu.region"() ({
        %run_scoped3A = tpu.sem_alloc : memref<!tpu.dma_semaphore, #tpu.memory_space<semaphore_mem>>
        %dma_start3A_55 = arith.constant 0 : i32
        %dma_start3A_56 = tpu.memref_slice %arg3[%add3A_39, %dma_start3A_55] : memref<2560x128xi32, #tpu.memory_space<hbm>> -> memref<40x128xi32, #tpu.memory_space<hbm>>
        %dma_start3A_57 = arith.constant 0 : i32
        %dma_start3A_58 = tpu.memref_slice %arg3[%add3A_39, %dma_start3A_57] : memref<2560x128xi32, #tpu.memory_space<hbm>> -> memref<40x128xi32, #tpu.memory_space<hbm>>
        tpu.enqueue_dma source(%dma_start3A_58 : memref<40x128xi32, #tpu.memory_space<hbm>>) target(%arg7 : memref<40x128xi32, #tpu.memory_space<vmem>>) target_semaphore(%run_scoped3A : memref<!tpu.dma_semaphore, #tpu.memory_space<semaphore_mem>>)
        %dma_wait3A = arith.constant 0 : i32
        %dma_wait3A_59 = tpu.memref_slice %arg3[%add3A_39, %dma_wait3A] : memref<2560x128xi32, #tpu.memory_space<hbm>> -> memref<40x128xi32, #tpu.memory_space<hbm>>
        %dma_wait3A_60 = arith.constant 0 : i32
        %dma_wait3A_61 = tpu.memref_slice %arg3[%add3A_39, %dma_wait3A_60] : memref<2560x128xi32, #tpu.memory_space<hbm>> -> memref<40x128xi32, #tpu.memory_space<hbm>>
        tpu.wait_dma2 semaphore(%run_scoped3A : memref<!tpu.dma_semaphore, #tpu.memory_space<semaphore_mem>>) src(%dma_wait3A_61 : memref<40x128xi32, #tpu.memory_space<hbm>>) dst(%arg7 : memref<40x128xi32, #tpu.memory_space<vmem>>)
        tpu.yield
      }) : () -> ()
      "tpu.region"() ({
        %run_scoped3A = tpu.sem_alloc : memref<!tpu.dma_semaphore, #tpu.memory_space<semaphore_mem>>
        %dma_start3A_55 = arith.constant 0 : i32
        %dma_start3A_56 = tpu.memref_slice %arg4[%add3A_39, %dma_start3A_55] : memref<2560x128xi32, #tpu.memory_space<hbm>> -> memref<40x128xi32, #tpu.memory_space<hbm>>
        %dma_start3A_57 = arith.constant 0 : i32
        %dma_start3A_58 = tpu.memref_slice %arg4[%add3A_39, %dma_start3A_57] : memref<2560x128xi32, #tpu.memory_space<hbm>> -> memref<40x128xi32, #tpu.memory_space<hbm>>
        tpu.enqueue_dma source(%dma_start3A_58 : memref<40x128xi32, #tpu.memory_space<hbm>>) target(%arg8 : memref<40x128xi32, #tpu.memory_space<vmem>>) target_semaphore(%run_scoped3A : memref<!tpu.dma_semaphore, #tpu.memory_space<semaphore_mem>>)
        %dma_wait3A = arith.constant 0 : i32
        %dma_wait3A_59 = tpu.memref_slice %arg4[%add3A_39, %dma_wait3A] : memref<2560x128xi32, #tpu.memory_space<hbm>> -> memref<40x128xi32, #tpu.memory_space<hbm>>
        %dma_wait3A_60 = arith.constant 0 : i32
        %dma_wait3A_61 = tpu.memref_slice %arg4[%add3A_39, %dma_wait3A_60] : memref<2560x128xi32, #tpu.memory_space<hbm>> -> memref<40x128xi32, #tpu.memory_space<hbm>>
        tpu.wait_dma2 semaphore(%run_scoped3A : memref<!tpu.dma_semaphore, #tpu.memory_space<semaphore_mem>>) src(%dma_wait3A_61 : memref<40x128xi32, #tpu.memory_space<hbm>>) dst(%arg8 : memref<40x128xi32, #tpu.memory_space<vmem>>)
        tpu.yield
      }) : () -> ()
      %dma_start3A = arith.constant 0 : i32
      %dma_start3A_40 = arith.constant 0 : i32
      %dma_start3A_41 = arith.constant 0 : i32
      %dma_start3A_42 = arith.constant 0 : i32
      %dma_start3A_43 = tpu.memref_slice %arg9[%dma_start3A_40, %dma_start3A_41, %dma_start3A_42] : memref<2x128x128xf32, #tpu.memory_space<vmem>> -> memref<1x128x128xf32, #tpu.memory_space<vmem>>
      %dma_start3A_44 = tpu.memref_squeeze %dma_start3A_43 : memref<1x128x128xf32, #tpu.memory_space<vmem>> -> memref<128x128xf32, #tpu.memory_space<vmem>>
      %dma_start3A_45 = arith.constant 0 : i32
      %dma_start3A_46 = tpu.memref_slice %arg7[%dma_start3A, %dma_start3A_45] : memref<40x128xi32, #tpu.memory_space<vmem>> -> memref<1x128xi32, #tpu.memory_space<vmem>>
      %dma_start3A_47 = tpu.memref_squeeze %dma_start3A_46 : memref<1x128xi32, #tpu.memory_space<vmem>> -> memref<128xi32, #tpu.memory_space<vmem>>
      %dma_start3A_48 = arith.constant 0 : i32
      %dma_start3A_49 = arith.constant 0 : i32
      %dma_start3A_50 = tpu.memref_slice %arg2[%dma_start3A_48, %dma_start3A_49] : memref<10000x128xf32, #tpu.memory_space<hbm>> -> memref<10000x128xf32, #tpu.memory_space<hbm>>
      tpu.enqueue_indirect_dma source(%dma_start3A_50 : memref<10000x128xf32, #tpu.memory_space<hbm>>) target(%dma_start3A_44 : memref<128x128xf32, #tpu.memory_space<vmem>>) offsets(%dma_start3A_47 : memref<128xi32, #tpu.memory_space<vmem>>) semaphore(%arg11 : memref<!tpu.dma_semaphore, #tpu.memory_space<semaphore_mem>>)
      %scan3A = arith.constant 0 : i32
      %scan3A_51 = arith.constant 20 : i32
      %scan3A_52 = arith.addi %scan3A, %scan3A_51 : i32
      %scan3A_53 = arith.constant 1 : i32
      scf.for %scan3A_55 = %scan3A to %scan3A_52 step %scan3A_53  : i32 {
        %mul3A_56 = arith.constant 1 : i32
        %mul3A_57 = arith.muli %scan3A_55, %mul3A_56 : i32
        %add3A_58 = arith.constant 0 : i32
        %add3A_59 = arith.addi %add3A_58, %mul3A_57 : i32
        %jit3A_60 = arith.constant 2 : i32
        %div3A = arith.divsi %min3A_22, %jit3A_60 : i32
        %sign3A = arith.constant 0 : i32
        %sign3A_61 = arith.cmpi sgt, %min3A_22, %sign3A : i32
        %sign3A_62 = arith.extui %sign3A_61 : i1 to i32
        %sign3A_63 = arith.constant 0 : i32
        %sign3A_64 = arith.cmpi slt, %min3A_22, %sign3A_63 : i32
        %sign3A_65 = arith.extui %sign3A_64 : i1 to i32
        %sign3A_66 = arith.subi %sign3A_62, %sign3A_65 : i32
        %sign3A_67 = arith.constant 0 : i32
        %sign3A_68 = arith.cmpi sgt, %jit3A_60, %sign3A_67 : i32
        %sign3A_69 = arith.extui %sign3A_68 : i1 to i32
        %sign3A_70 = arith.constant 0 : i32
        %sign3A_71 = arith.cmpi slt, %jit3A_60, %sign3A_70 : i32
        %sign3A_72 = arith.extui %sign3A_71 : i1 to i32
        %sign3A_73 = arith.subi %sign3A_69, %sign3A_72 : i32
        %ne3A = arith.cmpi ne, %sign3A_66, %sign3A_73 : i32
        %rem3A = arith.remsi %min3A_22, %jit3A_60 : i32
        %ne3A_74 = arith.constant 0 : i32
        %ne3A_75 = arith.cmpi ne, %rem3A, %ne3A_74 : i32
        %and3A = arith.andi %ne3A, %ne3A_75 : i1
        %sub3A_76 = arith.constant 1 : i32
        %sub3A_77 = arith.subi %div3A, %sub3A_76 : i32
        %select_n3A = arith.select %and3A, %sub3A_77, %div3A : i32
        %lt3A = arith.cmpi slt, %add3A_59, %select_n3A : i32
        %convert_element_type3A_78 = arith.extui %lt3A : i1 to i32
        %cond3A_79 = arith.constant 0 : i32
        %cond3A_80 = arith.cmpi ne, %convert_element_type3A_78, %cond3A_79 : i32
        scf.if %cond3A_80 {
          %mul3A_81 = arith.constant 2 : i32
          %mul3A_82 = arith.muli %mul3A_81, %add3A_59 : i32
          %add3A_83 = arith.constant 1 : i32
          %add3A_84 = arith.addi %mul3A_82, %add3A_83 : i32
          %dma_start3A_85 = arith.constant 1 : i32
          %dma_start3A_86 = arith.constant 0 : i32
          %dma_start3A_87 = arith.constant 0 : i32
          %dma_start3A_88 = tpu.memref_slice %arg9[%dma_start3A_85, %dma_start3A_86, %dma_start3A_87] : memref<2x128x128xf32, #tpu.memory_space<vmem>> -> memref<1x128x128xf32, #tpu.memory_space<vmem>>
          %dma_start3A_89 = tpu.memref_squeeze %dma_start3A_88 : memref<1x128x128xf32, #tpu.memory_space<vmem>> -> memref<128x128xf32, #tpu.memory_space<vmem>>
          %dma_start3A_90 = arith.constant 0 : i32
          %dma_start3A_91 = tpu.memref_slice %arg7[%add3A_84, %dma_start3A_90] : memref<40x128xi32, #tpu.memory_space<vmem>> -> memref<1x128xi32, #tpu.memory_space<vmem>>
          %dma_start3A_92 = tpu.memref_squeeze %dma_start3A_91 : memref<1x128xi32, #tpu.memory_space<vmem>> -> memref<128xi32, #tpu.memory_space<vmem>>
          %dma_start3A_93 = arith.constant 0 : i32
          %dma_start3A_94 = arith.constant 0 : i32
          %dma_start3A_95 = tpu.memref_slice %arg2[%dma_start3A_93, %dma_start3A_94] : memref<10000x128xf32, #tpu.memory_space<hbm>> -> memref<10000x128xf32, #tpu.memory_space<hbm>>
          tpu.enqueue_indirect_dma source(%dma_start3A_95 : memref<10000x128xf32, #tpu.memory_space<hbm>>) target(%dma_start3A_89 : memref<128x128xf32, #tpu.memory_space<vmem>>) offsets(%dma_start3A_92 : memref<128xi32, #tpu.memory_space<vmem>>) semaphore(%arg12 : memref<!tpu.dma_semaphore, #tpu.memory_space<semaphore_mem>>)
          %dma_wait3A = arith.constant 0 : i32
          %dma_wait3A_96 = arith.constant 0 : i32
          %dma_wait3A_97 = arith.constant 0 : i32
          %dma_wait3A_98 = tpu.memref_slice %arg9[%dma_wait3A, %dma_wait3A_96, %dma_wait3A_97] : memref<2x128x128xf32, #tpu.memory_space<vmem>> -> memref<1x128x128xf32, #tpu.memory_space<vmem>>
          %dma_wait3A_99 = tpu.memref_squeeze %dma_wait3A_98 : memref<1x128x128xf32, #tpu.memory_space<vmem>> -> memref<128x128xf32, #tpu.memory_space<vmem>>
          %dma_wait3A_100 = arith.constant 0 : i32
          %dma_wait3A_101 = tpu.memref_slice %arg7[%mul3A_82, %dma_wait3A_100] : memref<40x128xi32, #tpu.memory_space<vmem>> -> memref<1x128xi32, #tpu.memory_space<vmem>>
          %dma_wait3A_102 = tpu.memref_squeeze %dma_wait3A_101 : memref<1x128xi32, #tpu.memory_space<vmem>> -> memref<128xi32, #tpu.memory_space<vmem>>
          %dma_wait3A_103 = arith.constant 0 : i32
          %dma_wait3A_104 = arith.constant 0 : i32
          %dma_wait3A_105 = tpu.memref_slice %arg2[%dma_wait3A_103, %dma_wait3A_104] : memref<10000x128xf32, #tpu.memory_space<hbm>> -> memref<10000x128xf32, #tpu.memory_space<hbm>>
          tpu.wait_indirect_dma semaphore(%arg11 : memref<!tpu.dma_semaphore, #tpu.memory_space<semaphore_mem>>) src(%dma_wait3A_105 : memref<10000x128xf32, #tpu.memory_space<hbm>>) dst(%dma_wait3A_99 : memref<128x128xf32, #tpu.memory_space<vmem>>)
          %run_scoped3A = arith.constant 0 : i32
          "tpu.region"() ({
            %run_scoped3A_126 = tpu.sem_alloc : memref<!tpu.dma_semaphore, #tpu.memory_space<semaphore_mem>>
            %dma_start3A_127 = arith.constant 0 : i32
            %dma_start3A_128 = arith.constant 0 : i32
            %dma_start3A_129 = tpu.memref_slice %arg9[%run_scoped3A, %dma_start3A_127, %dma_start3A_128] : memref<2x128x128xf32, #tpu.memory_space<vmem>> -> memref<1x128x128xf32, #tpu.memory_space<vmem>>
            %dma_start3A_130 = tpu.memref_squeeze %dma_start3A_129 : memref<1x128x128xf32, #tpu.memory_space<vmem>> -> memref<128x128xf32, #tpu.memory_space<vmem>>
            %dma_start3A_131 = arith.constant 0 : i32
            %dma_start3A_132 = tpu.memref_slice %arg8[%mul3A_82, %dma_start3A_131] : memref<40x128xi32, #tpu.memory_space<vmem>> -> memref<1x128xi32, #tpu.memory_space<vmem>>
            %dma_start3A_133 = tpu.memref_squeeze %dma_start3A_132 : memref<1x128xi32, #tpu.memory_space<vmem>> -> memref<128xi32, #tpu.memory_space<vmem>>
            %dma_start3A_134 = arith.constant 0 : i32
            %dma_start3A_135 = arith.constant 0 : i32
            %dma_start3A_136 = tpu.memref_slice %arg10[%dma_start3A_134, %dma_start3A_135] : memref<10000x128xf32, #tpu.memory_space<vmem_shared>> -> memref<10000x128xf32, #tpu.memory_space<vmem_shared>>
            tpu.enqueue_indirect_dma source(%dma_start3A_130 : memref<128x128xf32, #tpu.memory_space<vmem>>) target(%dma_start3A_136 : memref<10000x128xf32, #tpu.memory_space<vmem_shared>>) offsets(%dma_start3A_133 : memref<128xi32, #tpu.memory_space<vmem>>) semaphore(%run_scoped3A_126 : memref<!tpu.dma_semaphore, #tpu.memory_space<semaphore_mem>>) {add = true}
            %dma_wait3A_137 = arith.constant 0 : i32
            %dma_wait3A_138 = arith.constant 0 : i32
            %dma_wait3A_139 = tpu.memref_slice %arg9[%run_scoped3A, %dma_wait3A_137, %dma_wait3A_138] : memref<2x128x128xf32, #tpu.memory_space<vmem>> -> memref<1x128x128xf32, #tpu.memory_space<vmem>>
            %dma_wait3A_140 = tpu.memref_squeeze %dma_wait3A_139 : memref<1x128x128xf32, #tpu.memory_space<vmem>> -> memref<128x128xf32, #tpu.memory_space<vmem>>
            %dma_wait3A_141 = arith.constant 0 : i32
            %dma_wait3A_142 = tpu.memref_slice %arg8[%mul3A_82, %dma_wait3A_141] : memref<40x128xi32, #tpu.memory_space<vmem>> -> memref<1x128xi32, #tpu.memory_space<vmem>>
            %dma_wait3A_143 = tpu.memref_squeeze %dma_wait3A_142 : memref<1x128xi32, #tpu.memory_space<vmem>> -> memref<128xi32, #tpu.memory_space<vmem>>
            %dma_wait3A_144 = arith.constant 0 : i32
            %dma_wait3A_145 = arith.constant 0 : i32
            %dma_wait3A_146 = tpu.memref_slice %arg10[%dma_wait3A_144, %dma_wait3A_145] : memref<10000x128xf32, #tpu.memory_space<vmem_shared>> -> memref<10000x128xf32, #tpu.memory_space<vmem_shared>>
            tpu.wait_indirect_dma semaphore(%run_scoped3A_126 : memref<!tpu.dma_semaphore, #tpu.memory_space<semaphore_mem>>) src(%dma_wait3A_140 : memref<128x128xf32, #tpu.memory_space<vmem>>) dst(%dma_wait3A_146 : memref<10000x128xf32, #tpu.memory_space<vmem_shared>>)
            tpu.yield
          }) : () -> ()
          %add3A_106 = arith.constant 2 : i32
          %add3A_107 = arith.addi %mul3A_82, %add3A_106 : i32
          %lt3A_108 = arith.cmpi slt, %add3A_107, %min3A_22 : i32
          %convert_element_type3A_109 = arith.extui %lt3A_108 : i1 to i32
          %cond3A_110 = arith.constant 0 : i32
          %cond3A_111 = arith.cmpi ne, %convert_element_type3A_109, %cond3A_110 : i32
          scf.if %cond3A_111 {
            %add3A_126 = arith.constant 2 : i32
            %add3A_127 = arith.addi %mul3A_82, %add3A_126 : i32
            %dma_start3A_128 = arith.constant 0 : i32
            %dma_start3A_129 = arith.constant 0 : i32
            %dma_start3A_130 = arith.constant 0 : i32
            %dma_start3A_131 = tpu.memref_slice %arg9[%dma_start3A_128, %dma_start3A_129, %dma_start3A_130] : memref<2x128x128xf32, #tpu.memory_space<vmem>> -> memref<1x128x128xf32, #tpu.memory_space<vmem>>
            %dma_start3A_132 = tpu.memref_squeeze %dma_start3A_131 : memref<1x128x128xf32, #tpu.memory_space<vmem>> -> memref<128x128xf32, #tpu.memory_space<vmem>>
            %dma_start3A_133 = arith.constant 0 : i32
            %dma_start3A_134 = tpu.memref_slice %arg7[%add3A_127, %dma_start3A_133] : memref<40x128xi32, #tpu.memory_space<vmem>> -> memref<1x128xi32, #tpu.memory_space<vmem>>
            %dma_start3A_135 = tpu.memref_squeeze %dma_start3A_134 : memref<1x128xi32, #tpu.memory_space<vmem>> -> memref<128xi32, #tpu.memory_space<vmem>>
            %dma_start3A_136 = arith.constant 0 : i32
            %dma_start3A_137 = arith.constant 0 : i32
            %dma_start3A_138 = tpu.memref_slice %arg2[%dma_start3A_136, %dma_start3A_137] : memref<10000x128xf32, #tpu.memory_space<hbm>> -> memref<10000x128xf32, #tpu.memory_space<hbm>>
            tpu.enqueue_indirect_dma source(%dma_start3A_138 : memref<10000x128xf32, #tpu.memory_space<hbm>>) target(%dma_start3A_132 : memref<128x128xf32, #tpu.memory_space<vmem>>) offsets(%dma_start3A_135 : memref<128xi32, #tpu.memory_space<vmem>>) semaphore(%arg11 : memref<!tpu.dma_semaphore, #tpu.memory_space<semaphore_mem>>)
          } else {
          }
          %dma_wait3A_112 = arith.constant 1 : i32
          %dma_wait3A_113 = arith.constant 0 : i32
          %dma_wait3A_114 = arith.constant 0 : i32
          %dma_wait3A_115 = tpu.memref_slice %arg9[%dma_wait3A_112, %dma_wait3A_113, %dma_wait3A_114] : memref<2x128x128xf32, #tpu.memory_space<vmem>> -> memref<1x128x128xf32, #tpu.memory_space<vmem>>
          %dma_wait3A_116 = tpu.memref_squeeze %dma_wait3A_115 : memref<1x128x128xf32, #tpu.memory_space<vmem>> -> memref<128x128xf32, #tpu.memory_space<vmem>>
          %dma_wait3A_117 = arith.constant 0 : i32
          %dma_wait3A_118 = tpu.memref_slice %arg7[%add3A_84, %dma_wait3A_117] : memref<40x128xi32, #tpu.memory_space<vmem>> -> memref<1x128xi32, #tpu.memory_space<vmem>>
          %dma_wait3A_119 = tpu.memref_squeeze %dma_wait3A_118 : memref<1x128xi32, #tpu.memory_space<vmem>> -> memref<128xi32, #tpu.memory_space<vmem>>
          %dma_wait3A_120 = arith.constant 0 : i32
          %dma_wait3A_121 = arith.constant 0 : i32
          %dma_wait3A_122 = tpu.memref_slice %arg2[%dma_wait3A_120, %dma_wait3A_121] : memref<10000x128xf32, #tpu.memory_space<hbm>> -> memref<10000x128xf32, #tpu.memory_space<hbm>>
          tpu.wait_indirect_dma semaphore(%arg12 : memref<!tpu.dma_semaphore, #tpu.memory_space<semaphore_mem>>) src(%dma_wait3A_122 : memref<10000x128xf32, #tpu.memory_space<hbm>>) dst(%dma_wait3A_116 : memref<128x128xf32, #tpu.memory_space<vmem>>)
          %add3A_123 = arith.constant 1 : i32
          %add3A_124 = arith.addi %mul3A_82, %add3A_123 : i32
          %run_scoped3A_125 = arith.constant 1 : i32
          "tpu.region"() ({
            %run_scoped3A_126 = tpu.sem_alloc : memref<!tpu.dma_semaphore, #tpu.memory_space<semaphore_mem>>
            %dma_start3A_127 = arith.constant 0 : i32
            %dma_start3A_128 = arith.constant 0 : i32
            %dma_start3A_129 = tpu.memref_slice %arg9[%run_scoped3A_125, %dma_start3A_127, %dma_start3A_128] : memref<2x128x128xf32, #tpu.memory_space<vmem>> -> memref<1x128x128xf32, #tpu.memory_space<vmem>>
            %dma_start3A_130 = tpu.memref_squeeze %dma_start3A_129 : memref<1x128x128xf32, #tpu.memory_space<vmem>> -> memref<128x128xf32, #tpu.memory_space<vmem>>
            %dma_start3A_131 = arith.constant 0 : i32
            %dma_start3A_132 = tpu.memref_slice %arg8[%add3A_124, %dma_start3A_131] : memref<40x128xi32, #tpu.memory_space<vmem>> -> memref<1x128xi32, #tpu.memory_space<vmem>>
            %dma_start3A_133 = tpu.memref_squeeze %dma_start3A_132 : memref<1x128xi32, #tpu.memory_space<vmem>> -> memref<128xi32, #tpu.memory_space<vmem>>
            %dma_start3A_134 = arith.constant 0 : i32
            %dma_start3A_135 = arith.constant 0 : i32
            %dma_start3A_136 = tpu.memref_slice %arg10[%dma_start3A_134, %dma_start3A_135] : memref<10000x128xf32, #tpu.memory_space<vmem_shared>> -> memref<10000x128xf32, #tpu.memory_space<vmem_shared>>
            tpu.enqueue_indirect_dma source(%dma_start3A_130 : memref<128x128xf32, #tpu.memory_space<vmem>>) target(%dma_start3A_136 : memref<10000x128xf32, #tpu.memory_space<vmem_shared>>) offsets(%dma_start3A_133 : memref<128xi32, #tpu.memory_space<vmem>>) semaphore(%run_scoped3A_126 : memref<!tpu.dma_semaphore, #tpu.memory_space<semaphore_mem>>) {add = true}
            %dma_wait3A_137 = arith.constant 0 : i32
            %dma_wait3A_138 = arith.constant 0 : i32
            %dma_wait3A_139 = tpu.memref_slice %arg9[%run_scoped3A_125, %dma_wait3A_137, %dma_wait3A_138] : memref<2x128x128xf32, #tpu.memory_space<vmem>> -> memref<1x128x128xf32, #tpu.memory_space<vmem>>
            %dma_wait3A_140 = tpu.memref_squeeze %dma_wait3A_139 : memref<1x128x128xf32, #tpu.memory_space<vmem>> -> memref<128x128xf32, #tpu.memory_space<vmem>>
            %dma_wait3A_141 = arith.constant 0 : i32
            %dma_wait3A_142 = tpu.memref_slice %arg8[%add3A_124, %dma_wait3A_141] : memref<40x128xi32, #tpu.memory_space<vmem>> -> memref<1x128xi32, #tpu.memory_space<vmem>>
            %dma_wait3A_143 = tpu.memref_squeeze %dma_wait3A_142 : memref<1x128xi32, #tpu.memory_space<vmem>> -> memref<128xi32, #tpu.memory_space<vmem>>
            %dma_wait3A_144 = arith.constant 0 : i32
            %dma_wait3A_145 = arith.constant 0 : i32
            %dma_wait3A_146 = tpu.memref_slice %arg10[%dma_wait3A_144, %dma_wait3A_145] : memref<10000x128xf32, #tpu.memory_space<vmem_shared>> -> memref<10000x128xf32, #tpu.memory_space<vmem_shared>>
            tpu.wait_indirect_dma semaphore(%run_scoped3A_126 : memref<!tpu.dma_semaphore, #tpu.memory_space<semaphore_mem>>) src(%dma_wait3A_140 : memref<128x128xf32, #tpu.memory_space<vmem>>) dst(%dma_wait3A_146 : memref<10000x128xf32, #tpu.memory_space<vmem_shared>>)
            tpu.yield
          }) : () -> ()
        } else {
        }
      }
      %scan3A_54 = arith.constant 20 : i32
    } else {
    }
    %barrier3A_28 = arith.constant 0 : index
    tpu.barrier barrier_id(%barrier3A_28)
    %mul3A_29 = arith.constant 624 : i32
    %mul3A_30 = arith.muli %arg1, %mul3A_29 : i32
    "tpu.region"() ({
      %run_scoped3A = tpu.sem_alloc : memref<!tpu.dma_semaphore, #tpu.memory_space<semaphore_mem>>
      %dma_start3A = arith.constant 0 : i32
      %dma_start3A_36 = tpu.memref_slice %arg6[%arg0, %mul3A_30, %dma_start3A] : memref<2x10000x128xf32, #tpu.memory_space<hbm>> -> memref<1x624x128xf32, #tpu.memory_space<hbm>>
      %dma_start3A_37 = tpu.memref_squeeze %dma_start3A_36 : memref<1x624x128xf32, #tpu.memory_space<hbm>> -> memref<624x128xf32, #tpu.memory_space<hbm>>
      %dma_start3A_38 = arith.constant 0 : i32
      %dma_start3A_39 = tpu.memref_slice %arg10[%mul3A_30, %dma_start3A_38] : memref<10000x128xf32, #tpu.memory_space<vmem_shared>> -> memref<624x128xf32, #tpu.memory_space<vmem_shared>>
      tpu.enqueue_dma source(%dma_start3A_39 : memref<624x128xf32, #tpu.memory_space<vmem_shared>>) target(%dma_start3A_37 : memref<624x128xf32, #tpu.memory_space<hbm>>) target_semaphore(%run_scoped3A : memref<!tpu.dma_semaphore, #tpu.memory_space<semaphore_mem>>)
      %dma_wait3A = arith.constant 0 : i32
      %dma_wait3A_40 = tpu.memref_slice %arg6[%arg0, %mul3A_30, %dma_wait3A] : memref<2x10000x128xf32, #tpu.memory_space<hbm>> -> memref<1x624x128xf32, #tpu.memory_space<hbm>>
      %dma_wait3A_41 = tpu.memref_squeeze %dma_wait3A_40 : memref<1x624x128xf32, #tpu.memory_space<hbm>> -> memref<624x128xf32, #tpu.memory_space<hbm>>
      %dma_wait3A_42 = arith.constant 0 : i32
      %dma_wait3A_43 = tpu.memref_slice %arg10[%mul3A_30, %dma_wait3A_42] : memref<10000x128xf32, #tpu.memory_space<vmem_shared>> -> memref<624x128xf32, #tpu.memory_space<vmem_shared>>
      tpu.wait_dma2 semaphore(%run_scoped3A : memref<!tpu.dma_semaphore, #tpu.memory_space<semaphore_mem>>) src(%dma_wait3A_43 : memref<624x128xf32, #tpu.memory_space<vmem_shared>>) dst(%dma_wait3A_41 : memref<624x128xf32, #tpu.memory_space<hbm>>)
      tpu.yield
    }) : () -> ()
    %eq3A_31 = arith.constant 15 : i32
    %eq3A_32 = arith.cmpi eq, %arg1, %eq3A_31 : i32
    %convert_element_type3A_33 = arith.extui %eq3A_32 : i1 to i32
    %cond3A_34 = arith.constant 0 : i32
    %cond3A_35 = arith.cmpi ne, %convert_element_type3A_33, %cond3A_34 : i32
    scf.if %cond3A_35 {
      "tpu.region"() ({
        %run_scoped3A = tpu.sem_alloc : memref<!tpu.dma_semaphore, #tpu.memory_space<semaphore_mem>>
        %dma_start3A = arith.constant 9984 : i32
        %dma_start3A_36 = arith.constant 0 : i32
        %dma_start3A_37 = tpu.memref_slice %arg6[%arg0, %dma_start3A, %dma_start3A_36] : memref<2x10000x128xf32, #tpu.memory_space<hbm>> -> memref<1x16x128xf32, #tpu.memory_space<hbm>>
        %dma_start3A_38 = tpu.memref_squeeze %dma_start3A_37 : memref<1x16x128xf32, #tpu.memory_space<hbm>> -> memref<16x128xf32, #tpu.memory_space<hbm>>
        %dma_start3A_39 = arith.constant 9984 : i32
        %dma_start3A_40 = arith.constant 0 : i32
        %dma_start3A_41 = tpu.memref_slice %arg10[%dma_start3A_39, %dma_start3A_40] : memref<10000x128xf32, #tpu.memory_space<vmem_shared>> -> memref<16x128xf32, #tpu.memory_space<vmem_shared>>
        tpu.enqueue_dma source(%dma_start3A_41 : memref<16x128xf32, #tpu.memory_space<vmem_shared>>) target(%dma_start3A_38 : memref<16x128xf32, #tpu.memory_space<hbm>>) target_semaphore(%run_scoped3A : memref<!tpu.dma_semaphore, #tpu.memory_space<semaphore_mem>>)
        %dma_wait3A = arith.constant 9984 : i32
        %dma_wait3A_42 = arith.constant 0 : i32
        %dma_wait3A_43 = tpu.memref_slice %arg6[%arg0, %dma_wait3A, %dma_wait3A_42] : memref<2x10000x128xf32, #tpu.memory_space<hbm>> -> memref<1x16x128xf32, #tpu.memory_space<hbm>>
        %dma_wait3A_44 = tpu.memref_squeeze %dma_wait3A_43 : memref<1x16x128xf32, #tpu.memory_space<hbm>> -> memref<16x128xf32, #tpu.memory_space<hbm>>
        %dma_wait3A_45 = arith.constant 9984 : i32
        %dma_wait3A_46 = arith.constant 0 : i32
        %dma_wait3A_47 = tpu.memref_slice %arg10[%dma_wait3A_45, %dma_wait3A_46] : memref<10000x128xf32, #tpu.memory_space<vmem_shared>> -> memref<16x128xf32, #tpu.memory_space<vmem_shared>>
        tpu.wait_dma2 semaphore(%run_scoped3A : memref<!tpu.dma_semaphore, #tpu.memory_space<semaphore_mem>>) src(%dma_wait3A_47 : memref<16x128xf32, #tpu.memory_space<vmem_shared>>) dst(%dma_wait3A_44 : memref<16x128xf32, #tpu.memory_space<hbm>>)
        tpu.yield
      }) : () -> ()
    } else {
    }
    return
  }
}

#map = affine_map<(d0, d1) -> (0, 0)>
#map1 = affine_map<(d0, d1) -> (0, 0, 0)>
module attributes {stable_mosaic.version = 14 : i64} {
  func.func @_sc_agg(%arg0: i32, %arg1: i32, %arg2: memref<10000x128xf32, #tpu.memory_space<hbm>>, %arg3: memref<2560x128xi32, #tpu.memory_space<hbm>>, %arg4: memref<2560x128xi32, #tpu.memory_space<hbm>>, %arg5: memref<10000x128xf32, #tpu.memory_space<hbm>>, %arg6: memref<2x10000x128xf32, #tpu.memory_space<hbm>>, %arg7: memref<40x128xi32, #tpu.memory_space<vmem>>, %arg8: memref<40x128xi32, #tpu.memory_space<vmem>>, %arg9: memref<2x128x128xf32, #tpu.memory_space<vmem>>, %arg10: memref<10000x128xf32, #tpu.memory_space<vmem_shared>>, %arg11: memref<!tpu.dma_semaphore, #tpu.memory_space<semaphore_mem>>, %arg12: memref<!tpu.dma_semaphore, #tpu.memory_space<semaphore_mem>>) attributes {dimension_semantics = [#tpu.dimension_semantics<core_parallel>, #tpu.dimension_semantics<subcore_parallel>], iteration_bounds = array<i64: 2, 16>, scalar_prefetch = 0 : i64, scratch_operands = 6 : i64, tpu.core_type = #tpu.core_type<sc_vector_subcore>, window_params = [{transform_indices = #map}, {transform_indices = #map}, {transform_indices = #map}, {transform_indices = #map}, {transform_indices = #map1}]} {
    %mul3A = arith.constant 16 : i32
    %mul3A_0 = arith.muli %arg0, %mul3A : i32
    %add3A = arith.addi %mul3A_0, %arg1 : i32
    %mul3A_1 = arith.constant 80 : i32
    %mul3A_2 = arith.muli %add3A, %mul3A_1 : i32
    %sub3A = arith.constant 2500 : i32
    %sub3A_3 = arith.subi %sub3A, %mul3A_2 : i32
    %min3A = arith.constant 80 : i32
    %min3A_4 = arith.minsi %min3A, %sub3A_3 : i32
    %mul3A_5 = arith.constant 624 : i32
    %mul3A_6 = arith.muli %arg1, %mul3A_5 : i32
    "tpu.region"() ({
      %run_scoped3A = tpu.sem_alloc : memref<!tpu.dma_semaphore, #tpu.memory_space<semaphore_mem>>
      %dma_start3A = arith.constant 0 : i32
      %dma_start3A_36 = tpu.memref_slice %arg10[%mul3A_6, %dma_start3A] : memref<10000x128xf32, #tpu.memory_space<vmem_shared>> -> memref<624x128xf32, #tpu.memory_space<vmem_shared>>
      %dma_start3A_37 = arith.constant 0 : i32
      %dma_start3A_38 = tpu.memref_slice %arg5[%mul3A_6, %dma_start3A_37] : memref<10000x128xf32, #tpu.memory_space<hbm>> -> memref<624x128xf32, #tpu.memory_space<hbm>>
      tpu.enqueue_dma source(%dma_start3A_38 : memref<624x128xf32, #tpu.memory_space<hbm>>) target(%dma_start3A_36 : memref<624x128xf32, #tpu.memory_space<vmem_shared>>) target_semaphore(%run_scoped3A : memref<!tpu.dma_semaphore, #tpu.memory_space<semaphore_mem>>)
      %dma_wait3A = arith.constant 0 : i32
      %dma_wait3A_39 = tpu.memref_slice %arg10[%mul3A_6, %dma_wait3A] : memref<10000x128xf32, #tpu.memory_space<vmem_shared>> -> memref<624x128xf32, #tpu.memory_space<vmem_shared>>
      %dma_wait3A_40 = arith.constant 0 : i32
      %dma_wait3A_41 = tpu.memref_slice %arg5[%mul3A_6, %dma_wait3A_40] : memref<10000x128xf32, #tpu.memory_space<hbm>> -> memref<624x128xf32, #tpu.memory_space<hbm>>
      tpu.wait_dma2 semaphore(%run_scoped3A : memref<!tpu.dma_semaphore, #tpu.memory_space<semaphore_mem>>) src(%dma_wait3A_41 : memref<624x128xf32, #tpu.memory_space<hbm>>) dst(%dma_wait3A_39 : memref<624x128xf32, #tpu.memory_space<vmem_shared>>)
      tpu.yield
    }) : () -> ()
    %eq3A = arith.constant 15 : i32
    %eq3A_7 = arith.cmpi eq, %arg1, %eq3A : i32
    %convert_element_type3A = arith.extui %eq3A_7 : i1 to i32
    %cond3A = arith.constant 0 : i32
    %cond3A_8 = arith.cmpi ne, %convert_element_type3A, %cond3A : i32
    scf.if %cond3A_8 {
      "tpu.region"() ({
        %run_scoped3A = tpu.sem_alloc : memref<!tpu.dma_semaphore, #tpu.memory_space<semaphore_mem>>
        %dma_start3A = arith.constant 9984 : i32
        %dma_start3A_36 = arith.constant 0 : i32
        %dma_start3A_37 = tpu.memref_slice %arg10[%dma_start3A, %dma_start3A_36] : memref<10000x128xf32, #tpu.memory_space<vmem_shared>> -> memref<16x128xf32, #tpu.memory_space<vmem_shared>>
        %dma_start3A_38 = arith.constant 9984 : i32
        %dma_start3A_39 = arith.constant 0 : i32
        %dma_start3A_40 = tpu.memref_slice %arg5[%dma_start3A_38, %dma_start3A_39] : memref<10000x128xf32, #tpu.memory_space<hbm>> -> memref<16x128xf32, #tpu.memory_space<hbm>>
        tpu.enqueue_dma source(%dma_start3A_40 : memref<16x128xf32, #tpu.memory_space<hbm>>) target(%dma_start3A_37 : memref<16x128xf32, #tpu.memory_space<vmem_shared>>) target_semaphore(%run_scoped3A : memref<!tpu.dma_semaphore, #tpu.memory_space<semaphore_mem>>)
        %dma_wait3A = arith.constant 9984 : i32
        %dma_wait3A_41 = arith.constant 0 : i32
        %dma_wait3A_42 = tpu.memref_slice %arg10[%dma_wait3A, %dma_wait3A_41] : memref<10000x128xf32, #tpu.memory_space<vmem_shared>> -> memref<16x128xf32, #tpu.memory_space<vmem_shared>>
        %dma_wait3A_43 = arith.constant 9984 : i32
        %dma_wait3A_44 = arith.constant 0 : i32
        %dma_wait3A_45 = tpu.memref_slice %arg5[%dma_wait3A_43, %dma_wait3A_44] : memref<10000x128xf32, #tpu.memory_space<hbm>> -> memref<16x128xf32, #tpu.memory_space<hbm>>
        tpu.wait_dma2 semaphore(%run_scoped3A : memref<!tpu.dma_semaphore, #tpu.memory_space<semaphore_mem>>) src(%dma_wait3A_45 : memref<16x128xf32, #tpu.memory_space<hbm>>) dst(%dma_wait3A_42 : memref<16x128xf32, #tpu.memory_space<vmem_shared>>)
        tpu.yield
      }) : () -> ()
    } else {
    }
    %barrier3A = arith.constant 0 : index
    tpu.barrier barrier_id(%barrier3A)
    %sub3A_9 = arith.constant 0 : i32
    %sub3A_10 = arith.subi %min3A_4, %sub3A_9 : i32
    %jit3A = arith.constant 0 : i32
    %jit3A_11 = arith.constant 40 : i32
    %max3A = arith.maxsi %jit3A, %sub3A_10 : i32
    %min3A_12 = arith.minsi %jit3A_11, %max3A : i32
    %gt3A = arith.constant 0 : i32
    %gt3A_13 = arith.cmpi sgt, %min3A_12, %gt3A : i32
    %convert_element_type3A_14 = arith.extui %gt3A_13 : i1 to i32
    %cond3A_15 = arith.constant 0 : i32
    %cond3A_16 = arith.cmpi ne, %convert_element_type3A_14, %cond3A_15 : i32
    scf.if %cond3A_16 {
      %mul3A_36 = arith.constant 80 : i32
      %mul3A_37 = arith.muli %add3A, %mul3A_36 : i32
      %add3A_38 = arith.constant 0 : i32
      %add3A_39 = arith.addi %mul3A_37, %add3A_38 : i32
      "tpu.region"() ({
        %run_scoped3A = tpu.sem_alloc : memref<!tpu.dma_semaphore, #tpu.memory_space<semaphore_mem>>
        %dma_start3A_55 = arith.constant 0 : i32
        %dma_start3A_56 = tpu.memref_slice %arg3[%add3A_39, %dma_start3A_55] : memref<2560x128xi32, #tpu.memory_space<hbm>> -> memref<40x128xi32, #tpu.memory_space<hbm>>
        %dma_start3A_57 = arith.constant 0 : i32
        %dma_start3A_58 = tpu.memref_slice %arg3[%add3A_39, %dma_start3A_57] : memref<2560x128xi32, #tpu.memory_space<hbm>> -> memref<40x128xi32, #tpu.memory_space<hbm>>
        tpu.enqueue_dma source(%dma_start3A_58 : memref<40x128xi32, #tpu.memory_space<hbm>>) target(%arg7 : memref<40x128xi32, #tpu.memory_space<vmem>>) target_semaphore(%run_scoped3A : memref<!tpu.dma_semaphore, #tpu.memory_space<semaphore_mem>>)
        %dma_wait3A = arith.constant 0 : i32
        %dma_wait3A_59 = tpu.memref_slice %arg3[%add3A_39, %dma_wait3A] : memref<2560x128xi32, #tpu.memory_space<hbm>> -> memref<40x128xi32, #tpu.memory_space<hbm>>
        %dma_wait3A_60 = arith.constant 0 : i32
        %dma_wait3A_61 = tpu.memref_slice %arg3[%add3A_39, %dma_wait3A_60] : memref<2560x128xi32, #tpu.memory_space<hbm>> -> memref<40x128xi32, #tpu.memory_space<hbm>>
        tpu.wait_dma2 semaphore(%run_scoped3A : memref<!tpu.dma_semaphore, #tpu.memory_space<semaphore_mem>>) src(%dma_wait3A_61 : memref<40x128xi32, #tpu.memory_space<hbm>>) dst(%arg7 : memref<40x128xi32, #tpu.memory_space<vmem>>)
        tpu.yield
      }) : () -> ()
      "tpu.region"() ({
        %run_scoped3A = tpu.sem_alloc : memref<!tpu.dma_semaphore, #tpu.memory_space<semaphore_mem>>
        %dma_start3A_55 = arith.constant 0 : i32
        %dma_start3A_56 = tpu.memref_slice %arg4[%add3A_39, %dma_start3A_55] : memref<2560x128xi32, #tpu.memory_space<hbm>> -> memref<40x128xi32, #tpu.memory_space<hbm>>
        %dma_start3A_57 = arith.constant 0 : i32
        %dma_start3A_58 = tpu.memref_slice %arg4[%add3A_39, %dma_start3A_57] : memref<2560x128xi32, #tpu.memory_space<hbm>> -> memref<40x128xi32, #tpu.memory_space<hbm>>
        tpu.enqueue_dma source(%dma_start3A_58 : memref<40x128xi32, #tpu.memory_space<hbm>>) target(%arg8 : memref<40x128xi32, #tpu.memory_space<vmem>>) target_semaphore(%run_scoped3A : memref<!tpu.dma_semaphore, #tpu.memory_space<semaphore_mem>>)
        %dma_wait3A = arith.constant 0 : i32
        %dma_wait3A_59 = tpu.memref_slice %arg4[%add3A_39, %dma_wait3A] : memref<2560x128xi32, #tpu.memory_space<hbm>> -> memref<40x128xi32, #tpu.memory_space<hbm>>
        %dma_wait3A_60 = arith.constant 0 : i32
        %dma_wait3A_61 = tpu.memref_slice %arg4[%add3A_39, %dma_wait3A_60] : memref<2560x128xi32, #tpu.memory_space<hbm>> -> memref<40x128xi32, #tpu.memory_space<hbm>>
        tpu.wait_dma2 semaphore(%run_scoped3A : memref<!tpu.dma_semaphore, #tpu.memory_space<semaphore_mem>>) src(%dma_wait3A_61 : memref<40x128xi32, #tpu.memory_space<hbm>>) dst(%arg8 : memref<40x128xi32, #tpu.memory_space<vmem>>)
        tpu.yield
      }) : () -> ()
      %dma_start3A = arith.constant 0 : i32
      %dma_start3A_40 = arith.constant 0 : i32
      %dma_start3A_41 = arith.constant 0 : i32
      %dma_start3A_42 = arith.constant 0 : i32
      %dma_start3A_43 = tpu.memref_slice %arg9[%dma_start3A_40, %dma_start3A_41, %dma_start3A_42] : memref<2x128x128xf32, #tpu.memory_space<vmem>> -> memref<1x128x128xf32, #tpu.memory_space<vmem>>
      %dma_start3A_44 = tpu.memref_squeeze %dma_start3A_43 : memref<1x128x128xf32, #tpu.memory_space<vmem>> -> memref<128x128xf32, #tpu.memory_space<vmem>>
      %dma_start3A_45 = arith.constant 0 : i32
      %dma_start3A_46 = tpu.memref_slice %arg7[%dma_start3A, %dma_start3A_45] : memref<40x128xi32, #tpu.memory_space<vmem>> -> memref<1x128xi32, #tpu.memory_space<vmem>>
      %dma_start3A_47 = tpu.memref_squeeze %dma_start3A_46 : memref<1x128xi32, #tpu.memory_space<vmem>> -> memref<128xi32, #tpu.memory_space<vmem>>
      %dma_start3A_48 = arith.constant 0 : i32
      %dma_start3A_49 = arith.constant 0 : i32
      %dma_start3A_50 = tpu.memref_slice %arg2[%dma_start3A_48, %dma_start3A_49] : memref<10000x128xf32, #tpu.memory_space<hbm>> -> memref<10000x128xf32, #tpu.memory_space<hbm>>
      tpu.enqueue_indirect_dma source(%dma_start3A_50 : memref<10000x128xf32, #tpu.memory_space<hbm>>) target(%dma_start3A_44 : memref<128x128xf32, #tpu.memory_space<vmem>>) offsets(%dma_start3A_47 : memref<128xi32, #tpu.memory_space<vmem>>) semaphore(%arg11 : memref<!tpu.dma_semaphore, #tpu.memory_space<semaphore_mem>>)
      %scan3A = arith.constant 0 : i32
      %scan3A_51 = arith.constant 20 : i32
      %scan3A_52 = arith.addi %scan3A, %scan3A_51 : i32
      %scan3A_53 = arith.constant 1 : i32
      scf.for %scan3A_55 = %scan3A to %scan3A_52 step %scan3A_53  : i32 {
        %mul3A_56 = arith.constant 1 : i32
        %mul3A_57 = arith.muli %scan3A_55, %mul3A_56 : i32
        %add3A_58 = arith.constant 0 : i32
        %add3A_59 = arith.addi %add3A_58, %mul3A_57 : i32
        %jit3A_60 = arith.constant 2 : i32
        %div3A = arith.divsi %min3A_12, %jit3A_60 : i32
        %sign3A = arith.constant 0 : i32
        %sign3A_61 = arith.cmpi sgt, %min3A_12, %sign3A : i32
        %sign3A_62 = arith.extui %sign3A_61 : i1 to i32
        %sign3A_63 = arith.constant 0 : i32
        %sign3A_64 = arith.cmpi slt, %min3A_12, %sign3A_63 : i32
        %sign3A_65 = arith.extui %sign3A_64 : i1 to i32
        %sign3A_66 = arith.subi %sign3A_62, %sign3A_65 : i32
        %sign3A_67 = arith.constant 0 : i32
        %sign3A_68 = arith.cmpi sgt, %jit3A_60, %sign3A_67 : i32
        %sign3A_69 = arith.extui %sign3A_68 : i1 to i32
        %sign3A_70 = arith.constant 0 : i32
        %sign3A_71 = arith.cmpi slt, %jit3A_60, %sign3A_70 : i32
        %sign3A_72 = arith.extui %sign3A_71 : i1 to i32
        %sign3A_73 = arith.subi %sign3A_69, %sign3A_72 : i32
        %ne3A = arith.cmpi ne, %sign3A_66, %sign3A_73 : i32
        %rem3A = arith.remsi %min3A_12, %jit3A_60 : i32
        %ne3A_74 = arith.constant 0 : i32
        %ne3A_75 = arith.cmpi ne, %rem3A, %ne3A_74 : i32
        %and3A = arith.andi %ne3A, %ne3A_75 : i1
        %sub3A_76 = arith.constant 1 : i32
        %sub3A_77 = arith.subi %div3A, %sub3A_76 : i32
        %select_n3A = arith.select %and3A, %sub3A_77, %div3A : i32
        %lt3A = arith.cmpi slt, %add3A_59, %select_n3A : i32
        %convert_element_type3A_78 = arith.extui %lt3A : i1 to i32
        %cond3A_79 = arith.constant 0 : i32
        %cond3A_80 = arith.cmpi ne, %convert_element_type3A_78, %cond3A_79 : i32
        scf.if %cond3A_80 {
          %mul3A_81 = arith.constant 2 : i32
          %mul3A_82 = arith.muli %mul3A_81, %add3A_59 : i32
          %add3A_83 = arith.constant 1 : i32
          %add3A_84 = arith.addi %mul3A_82, %add3A_83 : i32
          %dma_start3A_85 = arith.constant 1 : i32
          %dma_start3A_86 = arith.constant 0 : i32
          %dma_start3A_87 = arith.constant 0 : i32
          %dma_start3A_88 = tpu.memref_slice %arg9[%dma_start3A_85, %dma_start3A_86, %dma_start3A_87] : memref<2x128x128xf32, #tpu.memory_space<vmem>> -> memref<1x128x128xf32, #tpu.memory_space<vmem>>
          %dma_start3A_89 = tpu.memref_squeeze %dma_start3A_88 : memref<1x128x128xf32, #tpu.memory_space<vmem>> -> memref<128x128xf32, #tpu.memory_space<vmem>>
          %dma_start3A_90 = arith.constant 0 : i32
          %dma_start3A_91 = tpu.memref_slice %arg7[%add3A_84, %dma_start3A_90] : memref<40x128xi32, #tpu.memory_space<vmem>> -> memref<1x128xi32, #tpu.memory_space<vmem>>
          %dma_start3A_92 = tpu.memref_squeeze %dma_start3A_91 : memref<1x128xi32, #tpu.memory_space<vmem>> -> memref<128xi32, #tpu.memory_space<vmem>>
          %dma_start3A_93 = arith.constant 0 : i32
          %dma_start3A_94 = arith.constant 0 : i32
          %dma_start3A_95 = tpu.memref_slice %arg2[%dma_start3A_93, %dma_start3A_94] : memref<10000x128xf32, #tpu.memory_space<hbm>> -> memref<10000x128xf32, #tpu.memory_space<hbm>>
          tpu.enqueue_indirect_dma source(%dma_start3A_95 : memref<10000x128xf32, #tpu.memory_space<hbm>>) target(%dma_start3A_89 : memref<128x128xf32, #tpu.memory_space<vmem>>) offsets(%dma_start3A_92 : memref<128xi32, #tpu.memory_space<vmem>>) semaphore(%arg12 : memref<!tpu.dma_semaphore, #tpu.memory_space<semaphore_mem>>)
          %dma_wait3A = arith.constant 0 : i32
          %dma_wait3A_96 = arith.constant 0 : i32
          %dma_wait3A_97 = arith.constant 0 : i32
          %dma_wait3A_98 = tpu.memref_slice %arg9[%dma_wait3A, %dma_wait3A_96, %dma_wait3A_97] : memref<2x128x128xf32, #tpu.memory_space<vmem>> -> memref<1x128x128xf32, #tpu.memory_space<vmem>>
          %dma_wait3A_99 = tpu.memref_squeeze %dma_wait3A_98 : memref<1x128x128xf32, #tpu.memory_space<vmem>> -> memref<128x128xf32, #tpu.memory_space<vmem>>
          %dma_wait3A_100 = arith.constant 0 : i32
          %dma_wait3A_101 = tpu.memref_slice %arg7[%mul3A_82, %dma_wait3A_100] : memref<40x128xi32, #tpu.memory_space<vmem>> -> memref<1x128xi32, #tpu.memory_space<vmem>>
          %dma_wait3A_102 = tpu.memref_squeeze %dma_wait3A_101 : memref<1x128xi32, #tpu.memory_space<vmem>> -> memref<128xi32, #tpu.memory_space<vmem>>
          %dma_wait3A_103 = arith.constant 0 : i32
          %dma_wait3A_104 = arith.constant 0 : i32
          %dma_wait3A_105 = tpu.memref_slice %arg2[%dma_wait3A_103, %dma_wait3A_104] : memref<10000x128xf32, #tpu.memory_space<hbm>> -> memref<10000x128xf32, #tpu.memory_space<hbm>>
          tpu.wait_indirect_dma semaphore(%arg11 : memref<!tpu.dma_semaphore, #tpu.memory_space<semaphore_mem>>) src(%dma_wait3A_105 : memref<10000x128xf32, #tpu.memory_space<hbm>>) dst(%dma_wait3A_99 : memref<128x128xf32, #tpu.memory_space<vmem>>)
          %run_scoped3A = arith.constant 0 : i32
          "tpu.region"() ({
            %run_scoped3A_126 = tpu.sem_alloc : memref<!tpu.dma_semaphore, #tpu.memory_space<semaphore_mem>>
            %dma_start3A_127 = arith.constant 0 : i32
            %dma_start3A_128 = arith.constant 0 : i32
            %dma_start3A_129 = tpu.memref_slice %arg9[%run_scoped3A, %dma_start3A_127, %dma_start3A_128] : memref<2x128x128xf32, #tpu.memory_space<vmem>> -> memref<1x128x128xf32, #tpu.memory_space<vmem>>
            %dma_start3A_130 = tpu.memref_squeeze %dma_start3A_129 : memref<1x128x128xf32, #tpu.memory_space<vmem>> -> memref<128x128xf32, #tpu.memory_space<vmem>>
            %dma_start3A_131 = arith.constant 0 : i32
            %dma_start3A_132 = tpu.memref_slice %arg8[%mul3A_82, %dma_start3A_131] : memref<40x128xi32, #tpu.memory_space<vmem>> -> memref<1x128xi32, #tpu.memory_space<vmem>>
            %dma_start3A_133 = tpu.memref_squeeze %dma_start3A_132 : memref<1x128xi32, #tpu.memory_space<vmem>> -> memref<128xi32, #tpu.memory_space<vmem>>
            %dma_start3A_134 = arith.constant 0 : i32
            %dma_start3A_135 = arith.constant 0 : i32
            %dma_start3A_136 = tpu.memref_slice %arg10[%dma_start3A_134, %dma_start3A_135] : memref<10000x128xf32, #tpu.memory_space<vmem_shared>> -> memref<10000x128xf32, #tpu.memory_space<vmem_shared>>
            tpu.enqueue_indirect_dma source(%dma_start3A_130 : memref<128x128xf32, #tpu.memory_space<vmem>>) target(%dma_start3A_136 : memref<10000x128xf32, #tpu.memory_space<vmem_shared>>) offsets(%dma_start3A_133 : memref<128xi32, #tpu.memory_space<vmem>>) semaphore(%run_scoped3A_126 : memref<!tpu.dma_semaphore, #tpu.memory_space<semaphore_mem>>) {add = true}
            %dma_wait3A_137 = arith.constant 0 : i32
            %dma_wait3A_138 = arith.constant 0 : i32
            %dma_wait3A_139 = tpu.memref_slice %arg9[%run_scoped3A, %dma_wait3A_137, %dma_wait3A_138] : memref<2x128x128xf32, #tpu.memory_space<vmem>> -> memref<1x128x128xf32, #tpu.memory_space<vmem>>
            %dma_wait3A_140 = tpu.memref_squeeze %dma_wait3A_139 : memref<1x128x128xf32, #tpu.memory_space<vmem>> -> memref<128x128xf32, #tpu.memory_space<vmem>>
            %dma_wait3A_141 = arith.constant 0 : i32
            %dma_wait3A_142 = tpu.memref_slice %arg8[%mul3A_82, %dma_wait3A_141] : memref<40x128xi32, #tpu.memory_space<vmem>> -> memref<1x128xi32, #tpu.memory_space<vmem>>
            %dma_wait3A_143 = tpu.memref_squeeze %dma_wait3A_142 : memref<1x128xi32, #tpu.memory_space<vmem>> -> memref<128xi32, #tpu.memory_space<vmem>>
            %dma_wait3A_144 = arith.constant 0 : i32
            %dma_wait3A_145 = arith.constant 0 : i32
            %dma_wait3A_146 = tpu.memref_slice %arg10[%dma_wait3A_144, %dma_wait3A_145] : memref<10000x128xf32, #tpu.memory_space<vmem_shared>> -> memref<10000x128xf32, #tpu.memory_space<vmem_shared>>
            tpu.wait_indirect_dma semaphore(%run_scoped3A_126 : memref<!tpu.dma_semaphore, #tpu.memory_space<semaphore_mem>>) src(%dma_wait3A_140 : memref<128x128xf32, #tpu.memory_space<vmem>>) dst(%dma_wait3A_146 : memref<10000x128xf32, #tpu.memory_space<vmem_shared>>)
            tpu.yield
          }) : () -> ()
          %add3A_106 = arith.constant 2 : i32
          %add3A_107 = arith.addi %mul3A_82, %add3A_106 : i32
          %lt3A_108 = arith.cmpi slt, %add3A_107, %min3A_12 : i32
          %convert_element_type3A_109 = arith.extui %lt3A_108 : i1 to i32
          %cond3A_110 = arith.constant 0 : i32
          %cond3A_111 = arith.cmpi ne, %convert_element_type3A_109, %cond3A_110 : i32
          scf.if %cond3A_111 {
            %add3A_126 = arith.constant 2 : i32
            %add3A_127 = arith.addi %mul3A_82, %add3A_126 : i32
            %dma_start3A_128 = arith.constant 0 : i32
            %dma_start3A_129 = arith.constant 0 : i32
            %dma_start3A_130 = arith.constant 0 : i32
            %dma_start3A_131 = tpu.memref_slice %arg9[%dma_start3A_128, %dma_start3A_129, %dma_start3A_130] : memref<2x128x128xf32, #tpu.memory_space<vmem>> -> memref<1x128x128xf32, #tpu.memory_space<vmem>>
            %dma_start3A_132 = tpu.memref_squeeze %dma_start3A_131 : memref<1x128x128xf32, #tpu.memory_space<vmem>> -> memref<128x128xf32, #tpu.memory_space<vmem>>
            %dma_start3A_133 = arith.constant 0 : i32
            %dma_start3A_134 = tpu.memref_slice %arg7[%add3A_127, %dma_start3A_133] : memref<40x128xi32, #tpu.memory_space<vmem>> -> memref<1x128xi32, #tpu.memory_space<vmem>>
            %dma_start3A_135 = tpu.memref_squeeze %dma_start3A_134 : memref<1x128xi32, #tpu.memory_space<vmem>> -> memref<128xi32, #tpu.memory_space<vmem>>
            %dma_start3A_136 = arith.constant 0 : i32
            %dma_start3A_137 = arith.constant 0 : i32
            %dma_start3A_138 = tpu.memref_slice %arg2[%dma_start3A_136, %dma_start3A_137] : memref<10000x128xf32, #tpu.memory_space<hbm>> -> memref<10000x128xf32, #tpu.memory_space<hbm>>
            tpu.enqueue_indirect_dma source(%dma_start3A_138 : memref<10000x128xf32, #tpu.memory_space<hbm>>) target(%dma_start3A_132 : memref<128x128xf32, #tpu.memory_space<vmem>>) offsets(%dma_start3A_135 : memref<128xi32, #tpu.memory_space<vmem>>) semaphore(%arg11 : memref<!tpu.dma_semaphore, #tpu.memory_space<semaphore_mem>>)
          } else {
          }
          %dma_wait3A_112 = arith.constant 1 : i32
          %dma_wait3A_113 = arith.constant 0 : i32
          %dma_wait3A_114 = arith.constant 0 : i32
          %dma_wait3A_115 = tpu.memref_slice %arg9[%dma_wait3A_112, %dma_wait3A_113, %dma_wait3A_114] : memref<2x128x128xf32, #tpu.memory_space<vmem>> -> memref<1x128x128xf32, #tpu.memory_space<vmem>>
          %dma_wait3A_116 = tpu.memref_squeeze %dma_wait3A_115 : memref<1x128x128xf32, #tpu.memory_space<vmem>> -> memref<128x128xf32, #tpu.memory_space<vmem>>
          %dma_wait3A_117 = arith.constant 0 : i32
          %dma_wait3A_118 = tpu.memref_slice %arg7[%add3A_84, %dma_wait3A_117] : memref<40x128xi32, #tpu.memory_space<vmem>> -> memref<1x128xi32, #tpu.memory_space<vmem>>
          %dma_wait3A_119 = tpu.memref_squeeze %dma_wait3A_118 : memref<1x128xi32, #tpu.memory_space<vmem>> -> memref<128xi32, #tpu.memory_space<vmem>>
          %dma_wait3A_120 = arith.constant 0 : i32
          %dma_wait3A_121 = arith.constant 0 : i32
          %dma_wait3A_122 = tpu.memref_slice %arg2[%dma_wait3A_120, %dma_wait3A_121] : memref<10000x128xf32, #tpu.memory_space<hbm>> -> memref<10000x128xf32, #tpu.memory_space<hbm>>
          tpu.wait_indirect_dma semaphore(%arg12 : memref<!tpu.dma_semaphore, #tpu.memory_space<semaphore_mem>>) src(%dma_wait3A_122 : memref<10000x128xf32, #tpu.memory_space<hbm>>) dst(%dma_wait3A_116 : memref<128x128xf32, #tpu.memory_space<vmem>>)
          %add3A_123 = arith.constant 1 : i32
          %add3A_124 = arith.addi %mul3A_82, %add3A_123 : i32
          %run_scoped3A_125 = arith.constant 1 : i32
          "tpu.region"() ({
            %run_scoped3A_126 = tpu.sem_alloc : memref<!tpu.dma_semaphore, #tpu.memory_space<semaphore_mem>>
            %dma_start3A_127 = arith.constant 0 : i32
            %dma_start3A_128 = arith.constant 0 : i32
            %dma_start3A_129 = tpu.memref_slice %arg9[%run_scoped3A_125, %dma_start3A_127, %dma_start3A_128] : memref<2x128x128xf32, #tpu.memory_space<vmem>> -> memref<1x128x128xf32, #tpu.memory_space<vmem>>
            %dma_start3A_130 = tpu.memref_squeeze %dma_start3A_129 : memref<1x128x128xf32, #tpu.memory_space<vmem>> -> memref<128x128xf32, #tpu.memory_space<vmem>>
            %dma_start3A_131 = arith.constant 0 : i32
            %dma_start3A_132 = tpu.memref_slice %arg8[%add3A_124, %dma_start3A_131] : memref<40x128xi32, #tpu.memory_space<vmem>> -> memref<1x128xi32, #tpu.memory_space<vmem>>
            %dma_start3A_133 = tpu.memref_squeeze %dma_start3A_132 : memref<1x128xi32, #tpu.memory_space<vmem>> -> memref<128xi32, #tpu.memory_space<vmem>>
            %dma_start3A_134 = arith.constant 0 : i32
            %dma_start3A_135 = arith.constant 0 : i32
            %dma_start3A_136 = tpu.memref_slice %arg10[%dma_start3A_134, %dma_start3A_135] : memref<10000x128xf32, #tpu.memory_space<vmem_shared>> -> memref<10000x128xf32, #tpu.memory_space<vmem_shared>>
            tpu.enqueue_indirect_dma source(%dma_start3A_130 : memref<128x128xf32, #tpu.memory_space<vmem>>) target(%dma_start3A_136 : memref<10000x128xf32, #tpu.memory_space<vmem_shared>>) offsets(%dma_start3A_133 : memref<128xi32, #tpu.memory_space<vmem>>) semaphore(%run_scoped3A_126 : memref<!tpu.dma_semaphore, #tpu.memory_space<semaphore_mem>>) {add = true}
            %dma_wait3A_137 = arith.constant 0 : i32
            %dma_wait3A_138 = arith.constant 0 : i32
            %dma_wait3A_139 = tpu.memref_slice %arg9[%run_scoped3A_125, %dma_wait3A_137, %dma_wait3A_138] : memref<2x128x128xf32, #tpu.memory_space<vmem>> -> memref<1x128x128xf32, #tpu.memory_space<vmem>>
            %dma_wait3A_140 = tpu.memref_squeeze %dma_wait3A_139 : memref<1x128x128xf32, #tpu.memory_space<vmem>> -> memref<128x128xf32, #tpu.memory_space<vmem>>
            %dma_wait3A_141 = arith.constant 0 : i32
            %dma_wait3A_142 = tpu.memref_slice %arg8[%add3A_124, %dma_wait3A_141] : memref<40x128xi32, #tpu.memory_space<vmem>> -> memref<1x128xi32, #tpu.memory_space<vmem>>
            %dma_wait3A_143 = tpu.memref_squeeze %dma_wait3A_142 : memref<1x128xi32, #tpu.memory_space<vmem>> -> memref<128xi32, #tpu.memory_space<vmem>>
            %dma_wait3A_144 = arith.constant 0 : i32
            %dma_wait3A_145 = arith.constant 0 : i32
            %dma_wait3A_146 = tpu.memref_slice %arg10[%dma_wait3A_144, %dma_wait3A_145] : memref<10000x128xf32, #tpu.memory_space<vmem_shared>> -> memref<10000x128xf32, #tpu.memory_space<vmem_shared>>
            tpu.wait_indirect_dma semaphore(%run_scoped3A_126 : memref<!tpu.dma_semaphore, #tpu.memory_space<semaphore_mem>>) src(%dma_wait3A_140 : memref<128x128xf32, #tpu.memory_space<vmem>>) dst(%dma_wait3A_146 : memref<10000x128xf32, #tpu.memory_space<vmem_shared>>)
            tpu.yield
          }) : () -> ()
        } else {
        }
      }
      %scan3A_54 = arith.constant 20 : i32
    } else {
    }
    %sub3A_17 = arith.constant 40 : i32
    %sub3A_18 = arith.subi %min3A_4, %sub3A_17 : i32
    %jit3A_19 = arith.constant 0 : i32
    %jit3A_20 = arith.constant 40 : i32
    %max3A_21 = arith.maxsi %jit3A_19, %sub3A_18 : i32
    %min3A_22 = arith.minsi %jit3A_20, %max3A_21 : i32
    %gt3A_23 = arith.constant 0 : i32
    %gt3A_24 = arith.cmpi sgt, %min3A_22, %gt3A_23 : i32
    %convert_element_type3A_25 = arith.extui %gt3A_24 : i1 to i32
    %cond3A_26 = arith.constant 0 : i32
    %cond3A_27 = arith.cmpi ne, %convert_element_type3A_25, %cond3A_26 : i32
    scf.if %cond3A_27 {
      %mul3A_36 = arith.constant 80 : i32
      %mul3A_37 = arith.muli %add3A, %mul3A_36 : i32
      %add3A_38 = arith.constant 40 : i32
      %add3A_39 = arith.addi %mul3A_37, %add3A_38 : i32
      "tpu.region"() ({
        %run_scoped3A = tpu.sem_alloc : memref<!tpu.dma_semaphore, #tpu.memory_space<semaphore_mem>>
        %dma_start3A_55 = arith.constant 0 : i32
        %dma_start3A_56 = tpu.memref_slice %arg3[%add3A_39, %dma_start3A_55] : memref<2560x128xi32, #tpu.memory_space<hbm>> -> memref<40x128xi32, #tpu.memory_space<hbm>>
        %dma_start3A_57 = arith.constant 0 : i32
        %dma_start3A_58 = tpu.memref_slice %arg3[%add3A_39, %dma_start3A_57] : memref<2560x128xi32, #tpu.memory_space<hbm>> -> memref<40x128xi32, #tpu.memory_space<hbm>>
        tpu.enqueue_dma source(%dma_start3A_58 : memref<40x128xi32, #tpu.memory_space<hbm>>) target(%arg7 : memref<40x128xi32, #tpu.memory_space<vmem>>) target_semaphore(%run_scoped3A : memref<!tpu.dma_semaphore, #tpu.memory_space<semaphore_mem>>)
        %dma_wait3A = arith.constant 0 : i32
        %dma_wait3A_59 = tpu.memref_slice %arg3[%add3A_39, %dma_wait3A] : memref<2560x128xi32, #tpu.memory_space<hbm>> -> memref<40x128xi32, #tpu.memory_space<hbm>>
        %dma_wait3A_60 = arith.constant 0 : i32
        %dma_wait3A_61 = tpu.memref_slice %arg3[%add3A_39, %dma_wait3A_60] : memref<2560x128xi32, #tpu.memory_space<hbm>> -> memref<40x128xi32, #tpu.memory_space<hbm>>
        tpu.wait_dma2 semaphore(%run_scoped3A : memref<!tpu.dma_semaphore, #tpu.memory_space<semaphore_mem>>) src(%dma_wait3A_61 : memref<40x128xi32, #tpu.memory_space<hbm>>) dst(%arg7 : memref<40x128xi32, #tpu.memory_space<vmem>>)
        tpu.yield
      }) : () -> ()
      "tpu.region"() ({
        %run_scoped3A = tpu.sem_alloc : memref<!tpu.dma_semaphore, #tpu.memory_space<semaphore_mem>>
        %dma_start3A_55 = arith.constant 0 : i32
        %dma_start3A_56 = tpu.memref_slice %arg4[%add3A_39, %dma_start3A_55] : memref<2560x128xi32, #tpu.memory_space<hbm>> -> memref<40x128xi32, #tpu.memory_space<hbm>>
        %dma_start3A_57 = arith.constant 0 : i32
        %dma_start3A_58 = tpu.memref_slice %arg4[%add3A_39, %dma_start3A_57] : memref<2560x128xi32, #tpu.memory_space<hbm>> -> memref<40x128xi32, #tpu.memory_space<hbm>>
        tpu.enqueue_dma source(%dma_start3A_58 : memref<40x128xi32, #tpu.memory_space<hbm>>) target(%arg8 : memref<40x128xi32, #tpu.memory_space<vmem>>) target_semaphore(%run_scoped3A : memref<!tpu.dma_semaphore, #tpu.memory_space<semaphore_mem>>)
        %dma_wait3A = arith.constant 0 : i32
        %dma_wait3A_59 = tpu.memref_slice %arg4[%add3A_39, %dma_wait3A] : memref<2560x128xi32, #tpu.memory_space<hbm>> -> memref<40x128xi32, #tpu.memory_space<hbm>>
        %dma_wait3A_60 = arith.constant 0 : i32
        %dma_wait3A_61 = tpu.memref_slice %arg4[%add3A_39, %dma_wait3A_60] : memref<2560x128xi32, #tpu.memory_space<hbm>> -> memref<40x128xi32, #tpu.memory_space<hbm>>
        tpu.wait_dma2 semaphore(%run_scoped3A : memref<!tpu.dma_semaphore, #tpu.memory_space<semaphore_mem>>) src(%dma_wait3A_61 : memref<40x128xi32, #tpu.memory_space<hbm>>) dst(%arg8 : memref<40x128xi32, #tpu.memory_space<vmem>>)
        tpu.yield
      }) : () -> ()
      %dma_start3A = arith.constant 0 : i32
      %dma_start3A_40 = arith.constant 0 : i32
      %dma_start3A_41 = arith.constant 0 : i32
      %dma_start3A_42 = arith.constant 0 : i32
      %dma_start3A_43 = tpu.memref_slice %arg9[%dma_start3A_40, %dma_start3A_41, %dma_start3A_42] : memref<2x128x128xf32, #tpu.memory_space<vmem>> -> memref<1x128x128xf32, #tpu.memory_space<vmem>>
      %dma_start3A_44 = tpu.memref_squeeze %dma_start3A_43 : memref<1x128x128xf32, #tpu.memory_space<vmem>> -> memref<128x128xf32, #tpu.memory_space<vmem>>
      %dma_start3A_45 = arith.constant 0 : i32
      %dma_start3A_46 = tpu.memref_slice %arg7[%dma_start3A, %dma_start3A_45] : memref<40x128xi32, #tpu.memory_space<vmem>> -> memref<1x128xi32, #tpu.memory_space<vmem>>
      %dma_start3A_47 = tpu.memref_squeeze %dma_start3A_46 : memref<1x128xi32, #tpu.memory_space<vmem>> -> memref<128xi32, #tpu.memory_space<vmem>>
      %dma_start3A_48 = arith.constant 0 : i32
      %dma_start3A_49 = arith.constant 0 : i32
      %dma_start3A_50 = tpu.memref_slice %arg2[%dma_start3A_48, %dma_start3A_49] : memref<10000x128xf32, #tpu.memory_space<hbm>> -> memref<10000x128xf32, #tpu.memory_space<hbm>>
      tpu.enqueue_indirect_dma source(%dma_start3A_50 : memref<10000x128xf32, #tpu.memory_space<hbm>>) target(%dma_start3A_44 : memref<128x128xf32, #tpu.memory_space<vmem>>) offsets(%dma_start3A_47 : memref<128xi32, #tpu.memory_space<vmem>>) semaphore(%arg11 : memref<!tpu.dma_semaphore, #tpu.memory_space<semaphore_mem>>)
      %scan3A = arith.constant 0 : i32
      %scan3A_51 = arith.constant 20 : i32
      %scan3A_52 = arith.addi %scan3A, %scan3A_51 : i32
      %scan3A_53 = arith.constant 1 : i32
      scf.for %scan3A_55 = %scan3A to %scan3A_52 step %scan3A_53  : i32 {
        %mul3A_56 = arith.constant 1 : i32
        %mul3A_57 = arith.muli %scan3A_55, %mul3A_56 : i32
        %add3A_58 = arith.constant 0 : i32
        %add3A_59 = arith.addi %add3A_58, %mul3A_57 : i32
        %jit3A_60 = arith.constant 2 : i32
        %div3A = arith.divsi %min3A_22, %jit3A_60 : i32
        %sign3A = arith.constant 0 : i32
        %sign3A_61 = arith.cmpi sgt, %min3A_22, %sign3A : i32
        %sign3A_62 = arith.extui %sign3A_61 : i1 to i32
        %sign3A_63 = arith.constant 0 : i32
        %sign3A_64 = arith.cmpi slt, %min3A_22, %sign3A_63 : i32
        %sign3A_65 = arith.extui %sign3A_64 : i1 to i32
        %sign3A_66 = arith.subi %sign3A_62, %sign3A_65 : i32
        %sign3A_67 = arith.constant 0 : i32
        %sign3A_68 = arith.cmpi sgt, %jit3A_60, %sign3A_67 : i32
        %sign3A_69 = arith.extui %sign3A_68 : i1 to i32
        %sign3A_70 = arith.constant 0 : i32
        %sign3A_71 = arith.cmpi slt, %jit3A_60, %sign3A_70 : i32
        %sign3A_72 = arith.extui %sign3A_71 : i1 to i32
        %sign3A_73 = arith.subi %sign3A_69, %sign3A_72 : i32
        %ne3A = arith.cmpi ne, %sign3A_66, %sign3A_73 : i32
        %rem3A = arith.remsi %min3A_22, %jit3A_60 : i32
        %ne3A_74 = arith.constant 0 : i32
        %ne3A_75 = arith.cmpi ne, %rem3A, %ne3A_74 : i32
        %and3A = arith.andi %ne3A, %ne3A_75 : i1
        %sub3A_76 = arith.constant 1 : i32
        %sub3A_77 = arith.subi %div3A, %sub3A_76 : i32
        %select_n3A = arith.select %and3A, %sub3A_77, %div3A : i32
        %lt3A = arith.cmpi slt, %add3A_59, %select_n3A : i32
        %convert_element_type3A_78 = arith.extui %lt3A : i1 to i32
        %cond3A_79 = arith.constant 0 : i32
        %cond3A_80 = arith.cmpi ne, %convert_element_type3A_78, %cond3A_79 : i32
        scf.if %cond3A_80 {
          %mul3A_81 = arith.constant 2 : i32
          %mul3A_82 = arith.muli %mul3A_81, %add3A_59 : i32
          %add3A_83 = arith.constant 1 : i32
          %add3A_84 = arith.addi %mul3A_82, %add3A_83 : i32
          %dma_start3A_85 = arith.constant 1 : i32
          %dma_start3A_86 = arith.constant 0 : i32
          %dma_start3A_87 = arith.constant 0 : i32
          %dma_start3A_88 = tpu.memref_slice %arg9[%dma_start3A_85, %dma_start3A_86, %dma_start3A_87] : memref<2x128x128xf32, #tpu.memory_space<vmem>> -> memref<1x128x128xf32, #tpu.memory_space<vmem>>
          %dma_start3A_89 = tpu.memref_squeeze %dma_start3A_88 : memref<1x128x128xf32, #tpu.memory_space<vmem>> -> memref<128x128xf32, #tpu.memory_space<vmem>>
          %dma_start3A_90 = arith.constant 0 : i32
          %dma_start3A_91 = tpu.memref_slice %arg7[%add3A_84, %dma_start3A_90] : memref<40x128xi32, #tpu.memory_space<vmem>> -> memref<1x128xi32, #tpu.memory_space<vmem>>
          %dma_start3A_92 = tpu.memref_squeeze %dma_start3A_91 : memref<1x128xi32, #tpu.memory_space<vmem>> -> memref<128xi32, #tpu.memory_space<vmem>>
          %dma_start3A_93 = arith.constant 0 : i32
          %dma_start3A_94 = arith.constant 0 : i32
          %dma_start3A_95 = tpu.memref_slice %arg2[%dma_start3A_93, %dma_start3A_94] : memref<10000x128xf32, #tpu.memory_space<hbm>> -> memref<10000x128xf32, #tpu.memory_space<hbm>>
          tpu.enqueue_indirect_dma source(%dma_start3A_95 : memref<10000x128xf32, #tpu.memory_space<hbm>>) target(%dma_start3A_89 : memref<128x128xf32, #tpu.memory_space<vmem>>) offsets(%dma_start3A_92 : memref<128xi32, #tpu.memory_space<vmem>>) semaphore(%arg12 : memref<!tpu.dma_semaphore, #tpu.memory_space<semaphore_mem>>)
          %dma_wait3A = arith.constant 0 : i32
          %dma_wait3A_96 = arith.constant 0 : i32
          %dma_wait3A_97 = arith.constant 0 : i32
          %dma_wait3A_98 = tpu.memref_slice %arg9[%dma_wait3A, %dma_wait3A_96, %dma_wait3A_97] : memref<2x128x128xf32, #tpu.memory_space<vmem>> -> memref<1x128x128xf32, #tpu.memory_space<vmem>>
          %dma_wait3A_99 = tpu.memref_squeeze %dma_wait3A_98 : memref<1x128x128xf32, #tpu.memory_space<vmem>> -> memref<128x128xf32, #tpu.memory_space<vmem>>
          %dma_wait3A_100 = arith.constant 0 : i32
          %dma_wait3A_101 = tpu.memref_slice %arg7[%mul3A_82, %dma_wait3A_100] : memref<40x128xi32, #tpu.memory_space<vmem>> -> memref<1x128xi32, #tpu.memory_space<vmem>>
          %dma_wait3A_102 = tpu.memref_squeeze %dma_wait3A_101 : memref<1x128xi32, #tpu.memory_space<vmem>> -> memref<128xi32, #tpu.memory_space<vmem>>
          %dma_wait3A_103 = arith.constant 0 : i32
          %dma_wait3A_104 = arith.constant 0 : i32
          %dma_wait3A_105 = tpu.memref_slice %arg2[%dma_wait3A_103, %dma_wait3A_104] : memref<10000x128xf32, #tpu.memory_space<hbm>> -> memref<10000x128xf32, #tpu.memory_space<hbm>>
          tpu.wait_indirect_dma semaphore(%arg11 : memref<!tpu.dma_semaphore, #tpu.memory_space<semaphore_mem>>) src(%dma_wait3A_105 : memref<10000x128xf32, #tpu.memory_space<hbm>>) dst(%dma_wait3A_99 : memref<128x128xf32, #tpu.memory_space<vmem>>)
          %run_scoped3A = arith.constant 0 : i32
          "tpu.region"() ({
            %run_scoped3A_126 = tpu.sem_alloc : memref<!tpu.dma_semaphore, #tpu.memory_space<semaphore_mem>>
            %dma_start3A_127 = arith.constant 0 : i32
            %dma_start3A_128 = arith.constant 0 : i32
            %dma_start3A_129 = tpu.memref_slice %arg9[%run_scoped3A, %dma_start3A_127, %dma_start3A_128] : memref<2x128x128xf32, #tpu.memory_space<vmem>> -> memref<1x128x128xf32, #tpu.memory_space<vmem>>
            %dma_start3A_130 = tpu.memref_squeeze %dma_start3A_129 : memref<1x128x128xf32, #tpu.memory_space<vmem>> -> memref<128x128xf32, #tpu.memory_space<vmem>>
            %dma_start3A_131 = arith.constant 0 : i32
            %dma_start3A_132 = tpu.memref_slice %arg8[%mul3A_82, %dma_start3A_131] : memref<40x128xi32, #tpu.memory_space<vmem>> -> memref<1x128xi32, #tpu.memory_space<vmem>>
            %dma_start3A_133 = tpu.memref_squeeze %dma_start3A_132 : memref<1x128xi32, #tpu.memory_space<vmem>> -> memref<128xi32, #tpu.memory_space<vmem>>
            %dma_start3A_134 = arith.constant 0 : i32
            %dma_start3A_135 = arith.constant 0 : i32
            %dma_start3A_136 = tpu.memref_slice %arg10[%dma_start3A_134, %dma_start3A_135] : memref<10000x128xf32, #tpu.memory_space<vmem_shared>> -> memref<10000x128xf32, #tpu.memory_space<vmem_shared>>
            tpu.enqueue_indirect_dma source(%dma_start3A_130 : memref<128x128xf32, #tpu.memory_space<vmem>>) target(%dma_start3A_136 : memref<10000x128xf32, #tpu.memory_space<vmem_shared>>) offsets(%dma_start3A_133 : memref<128xi32, #tpu.memory_space<vmem>>) semaphore(%run_scoped3A_126 : memref<!tpu.dma_semaphore, #tpu.memory_space<semaphore_mem>>) {add = true}
            %dma_wait3A_137 = arith.constant 0 : i32
            %dma_wait3A_138 = arith.constant 0 : i32
            %dma_wait3A_139 = tpu.memref_slice %arg9[%run_scoped3A, %dma_wait3A_137, %dma_wait3A_138] : memref<2x128x128xf32, #tpu.memory_space<vmem>> -> memref<1x128x128xf32, #tpu.memory_space<vmem>>
            %dma_wait3A_140 = tpu.memref_squeeze %dma_wait3A_139 : memref<1x128x128xf32, #tpu.memory_space<vmem>> -> memref<128x128xf32, #tpu.memory_space<vmem>>
            %dma_wait3A_141 = arith.constant 0 : i32
            %dma_wait3A_142 = tpu.memref_slice %arg8[%mul3A_82, %dma_wait3A_141] : memref<40x128xi32, #tpu.memory_space<vmem>> -> memref<1x128xi32, #tpu.memory_space<vmem>>
            %dma_wait3A_143 = tpu.memref_squeeze %dma_wait3A_142 : memref<1x128xi32, #tpu.memory_space<vmem>> -> memref<128xi32, #tpu.memory_space<vmem>>
            %dma_wait3A_144 = arith.constant 0 : i32
            %dma_wait3A_145 = arith.constant 0 : i32
            %dma_wait3A_146 = tpu.memref_slice %arg10[%dma_wait3A_144, %dma_wait3A_145] : memref<10000x128xf32, #tpu.memory_space<vmem_shared>> -> memref<10000x128xf32, #tpu.memory_space<vmem_shared>>
            tpu.wait_indirect_dma semaphore(%run_scoped3A_126 : memref<!tpu.dma_semaphore, #tpu.memory_space<semaphore_mem>>) src(%dma_wait3A_140 : memref<128x128xf32, #tpu.memory_space<vmem>>) dst(%dma_wait3A_146 : memref<10000x128xf32, #tpu.memory_space<vmem_shared>>)
            tpu.yield
          }) : () -> ()
          %add3A_106 = arith.constant 2 : i32
          %add3A_107 = arith.addi %mul3A_82, %add3A_106 : i32
          %lt3A_108 = arith.cmpi slt, %add3A_107, %min3A_22 : i32
          %convert_element_type3A_109 = arith.extui %lt3A_108 : i1 to i32
          %cond3A_110 = arith.constant 0 : i32
          %cond3A_111 = arith.cmpi ne, %convert_element_type3A_109, %cond3A_110 : i32
          scf.if %cond3A_111 {
            %add3A_126 = arith.constant 2 : i32
            %add3A_127 = arith.addi %mul3A_82, %add3A_126 : i32
            %dma_start3A_128 = arith.constant 0 : i32
            %dma_start3A_129 = arith.constant 0 : i32
            %dma_start3A_130 = arith.constant 0 : i32
            %dma_start3A_131 = tpu.memref_slice %arg9[%dma_start3A_128, %dma_start3A_129, %dma_start3A_130] : memref<2x128x128xf32, #tpu.memory_space<vmem>> -> memref<1x128x128xf32, #tpu.memory_space<vmem>>
            %dma_start3A_132 = tpu.memref_squeeze %dma_start3A_131 : memref<1x128x128xf32, #tpu.memory_space<vmem>> -> memref<128x128xf32, #tpu.memory_space<vmem>>
            %dma_start3A_133 = arith.constant 0 : i32
            %dma_start3A_134 = tpu.memref_slice %arg7[%add3A_127, %dma_start3A_133] : memref<40x128xi32, #tpu.memory_space<vmem>> -> memref<1x128xi32, #tpu.memory_space<vmem>>
            %dma_start3A_135 = tpu.memref_squeeze %dma_start3A_134 : memref<1x128xi32, #tpu.memory_space<vmem>> -> memref<128xi32, #tpu.memory_space<vmem>>
            %dma_start3A_136 = arith.constant 0 : i32
            %dma_start3A_137 = arith.constant 0 : i32
            %dma_start3A_138 = tpu.memref_slice %arg2[%dma_start3A_136, %dma_start3A_137] : memref<10000x128xf32, #tpu.memory_space<hbm>> -> memref<10000x128xf32, #tpu.memory_space<hbm>>
            tpu.enqueue_indirect_dma source(%dma_start3A_138 : memref<10000x128xf32, #tpu.memory_space<hbm>>) target(%dma_start3A_132 : memref<128x128xf32, #tpu.memory_space<vmem>>) offsets(%dma_start3A_135 : memref<128xi32, #tpu.memory_space<vmem>>) semaphore(%arg11 : memref<!tpu.dma_semaphore, #tpu.memory_space<semaphore_mem>>)
          } else {
          }
          %dma_wait3A_112 = arith.constant 1 : i32
          %dma_wait3A_113 = arith.constant 0 : i32
          %dma_wait3A_114 = arith.constant 0 : i32
          %dma_wait3A_115 = tpu.memref_slice %arg9[%dma_wait3A_112, %dma_wait3A_113, %dma_wait3A_114] : memref<2x128x128xf32, #tpu.memory_space<vmem>> -> memref<1x128x128xf32, #tpu.memory_space<vmem>>
          %dma_wait3A_116 = tpu.memref_squeeze %dma_wait3A_115 : memref<1x128x128xf32, #tpu.memory_space<vmem>> -> memref<128x128xf32, #tpu.memory_space<vmem>>
          %dma_wait3A_117 = arith.constant 0 : i32
          %dma_wait3A_118 = tpu.memref_slice %arg7[%add3A_84, %dma_wait3A_117] : memref<40x128xi32, #tpu.memory_space<vmem>> -> memref<1x128xi32, #tpu.memory_space<vmem>>
          %dma_wait3A_119 = tpu.memref_squeeze %dma_wait3A_118 : memref<1x128xi32, #tpu.memory_space<vmem>> -> memref<128xi32, #tpu.memory_space<vmem>>
          %dma_wait3A_120 = arith.constant 0 : i32
          %dma_wait3A_121 = arith.constant 0 : i32
          %dma_wait3A_122 = tpu.memref_slice %arg2[%dma_wait3A_120, %dma_wait3A_121] : memref<10000x128xf32, #tpu.memory_space<hbm>> -> memref<10000x128xf32, #tpu.memory_space<hbm>>
          tpu.wait_indirect_dma semaphore(%arg12 : memref<!tpu.dma_semaphore, #tpu.memory_space<semaphore_mem>>) src(%dma_wait3A_122 : memref<10000x128xf32, #tpu.memory_space<hbm>>) dst(%dma_wait3A_116 : memref<128x128xf32, #tpu.memory_space<vmem>>)
          %add3A_123 = arith.constant 1 : i32
          %add3A_124 = arith.addi %mul3A_82, %add3A_123 : i32
          %run_scoped3A_125 = arith.constant 1 : i32
          "tpu.region"() ({
            %run_scoped3A_126 = tpu.sem_alloc : memref<!tpu.dma_semaphore, #tpu.memory_space<semaphore_mem>>
            %dma_start3A_127 = arith.constant 0 : i32
            %dma_start3A_128 = arith.constant 0 : i32
            %dma_start3A_129 = tpu.memref_slice %arg9[%run_scoped3A_125, %dma_start3A_127, %dma_start3A_128] : memref<2x128x128xf32, #tpu.memory_space<vmem>> -> memref<1x128x128xf32, #tpu.memory_space<vmem>>
            %dma_start3A_130 = tpu.memref_squeeze %dma_start3A_129 : memref<1x128x128xf32, #tpu.memory_space<vmem>> -> memref<128x128xf32, #tpu.memory_space<vmem>>
            %dma_start3A_131 = arith.constant 0 : i32
            %dma_start3A_132 = tpu.memref_slice %arg8[%add3A_124, %dma_start3A_131] : memref<40x128xi32, #tpu.memory_space<vmem>> -> memref<1x128xi32, #tpu.memory_space<vmem>>
            %dma_start3A_133 = tpu.memref_squeeze %dma_start3A_132 : memref<1x128xi32, #tpu.memory_space<vmem>> -> memref<128xi32, #tpu.memory_space<vmem>>
            %dma_start3A_134 = arith.constant 0 : i32
            %dma_start3A_135 = arith.constant 0 : i32
            %dma_start3A_136 = tpu.memref_slice %arg10[%dma_start3A_134, %dma_start3A_135] : memref<10000x128xf32, #tpu.memory_space<vmem_shared>> -> memref<10000x128xf32, #tpu.memory_space<vmem_shared>>
            tpu.enqueue_indirect_dma source(%dma_start3A_130 : memref<128x128xf32, #tpu.memory_space<vmem>>) target(%dma_start3A_136 : memref<10000x128xf32, #tpu.memory_space<vmem_shared>>) offsets(%dma_start3A_133 : memref<128xi32, #tpu.memory_space<vmem>>) semaphore(%run_scoped3A_126 : memref<!tpu.dma_semaphore, #tpu.memory_space<semaphore_mem>>) {add = true}
            %dma_wait3A_137 = arith.constant 0 : i32
            %dma_wait3A_138 = arith.constant 0 : i32
            %dma_wait3A_139 = tpu.memref_slice %arg9[%run_scoped3A_125, %dma_wait3A_137, %dma_wait3A_138] : memref<2x128x128xf32, #tpu.memory_space<vmem>> -> memref<1x128x128xf32, #tpu.memory_space<vmem>>
            %dma_wait3A_140 = tpu.memref_squeeze %dma_wait3A_139 : memref<1x128x128xf32, #tpu.memory_space<vmem>> -> memref<128x128xf32, #tpu.memory_space<vmem>>
            %dma_wait3A_141 = arith.constant 0 : i32
            %dma_wait3A_142 = tpu.memref_slice %arg8[%add3A_124, %dma_wait3A_141] : memref<40x128xi32, #tpu.memory_space<vmem>> -> memref<1x128xi32, #tpu.memory_space<vmem>>
            %dma_wait3A_143 = tpu.memref_squeeze %dma_wait3A_142 : memref<1x128xi32, #tpu.memory_space<vmem>> -> memref<128xi32, #tpu.memory_space<vmem>>
            %dma_wait3A_144 = arith.constant 0 : i32
            %dma_wait3A_145 = arith.constant 0 : i32
            %dma_wait3A_146 = tpu.memref_slice %arg10[%dma_wait3A_144, %dma_wait3A_145] : memref<10000x128xf32, #tpu.memory_space<vmem_shared>> -> memref<10000x128xf32, #tpu.memory_space<vmem_shared>>
            tpu.wait_indirect_dma semaphore(%run_scoped3A_126 : memref<!tpu.dma_semaphore, #tpu.memory_space<semaphore_mem>>) src(%dma_wait3A_140 : memref<128x128xf32, #tpu.memory_space<vmem>>) dst(%dma_wait3A_146 : memref<10000x128xf32, #tpu.memory_space<vmem_shared>>)
            tpu.yield
          }) : () -> ()
        } else {
        }
      }
      %scan3A_54 = arith.constant 20 : i32
    } else {
    }
    %barrier3A_28 = arith.constant 0 : index
    tpu.barrier barrier_id(%barrier3A_28)
    %mul3A_29 = arith.constant 624 : i32
    %mul3A_30 = arith.muli %arg1, %mul3A_29 : i32
    "tpu.region"() ({
      %run_scoped3A = tpu.sem_alloc : memref<!tpu.dma_semaphore, #tpu.memory_space<semaphore_mem>>
      %dma_start3A = arith.constant 0 : i32
      %dma_start3A_36 = tpu.memref_slice %arg6[%arg0, %mul3A_30, %dma_start3A] : memref<2x10000x128xf32, #tpu.memory_space<hbm>> -> memref<1x624x128xf32, #tpu.memory_space<hbm>>
      %dma_start3A_37 = tpu.memref_squeeze %dma_start3A_36 : memref<1x624x128xf32, #tpu.memory_space<hbm>> -> memref<624x128xf32, #tpu.memory_space<hbm>>
      %dma_start3A_38 = arith.constant 0 : i32
      %dma_start3A_39 = tpu.memref_slice %arg10[%mul3A_30, %dma_start3A_38] : memref<10000x128xf32, #tpu.memory_space<vmem_shared>> -> memref<624x128xf32, #tpu.memory_space<vmem_shared>>
      tpu.enqueue_dma source(%dma_start3A_39 : memref<624x128xf32, #tpu.memory_space<vmem_shared>>) target(%dma_start3A_37 : memref<624x128xf32, #tpu.memory_space<hbm>>) target_semaphore(%run_scoped3A : memref<!tpu.dma_semaphore, #tpu.memory_space<semaphore_mem>>)
      %dma_wait3A = arith.constant 0 : i32
      %dma_wait3A_40 = tpu.memref_slice %arg6[%arg0, %mul3A_30, %dma_wait3A] : memref<2x10000x128xf32, #tpu.memory_space<hbm>> -> memref<1x624x128xf32, #tpu.memory_space<hbm>>
      %dma_wait3A_41 = tpu.memref_squeeze %dma_wait3A_40 : memref<1x624x128xf32, #tpu.memory_space<hbm>> -> memref<624x128xf32, #tpu.memory_space<hbm>>
      %dma_wait3A_42 = arith.constant 0 : i32
      %dma_wait3A_43 = tpu.memref_slice %arg10[%mul3A_30, %dma_wait3A_42] : memref<10000x128xf32, #tpu.memory_space<vmem_shared>> -> memref<624x128xf32, #tpu.memory_space<vmem_shared>>
      tpu.wait_dma2 semaphore(%run_scoped3A : memref<!tpu.dma_semaphore, #tpu.memory_space<semaphore_mem>>) src(%dma_wait3A_43 : memref<624x128xf32, #tpu.memory_space<vmem_shared>>) dst(%dma_wait3A_41 : memref<624x128xf32, #tpu.memory_space<hbm>>)
      tpu.yield
    }) : () -> ()
    %eq3A_31 = arith.constant 15 : i32
    %eq3A_32 = arith.cmpi eq, %arg1, %eq3A_31 : i32
    %convert_element_type3A_33 = arith.extui %eq3A_32 : i1 to i32
    %cond3A_34 = arith.constant 0 : i32
    %cond3A_35 = arith.cmpi ne, %convert_element_type3A_33, %cond3A_34 : i32
    scf.if %cond3A_35 {
      "tpu.region"() ({
        %run_scoped3A = tpu.sem_alloc : memref<!tpu.dma_semaphore, #tpu.memory_space<semaphore_mem>>
        %dma_start3A = arith.constant 9984 : i32
        %dma_start3A_36 = arith.constant 0 : i32
        %dma_start3A_37 = tpu.memref_slice %arg6[%arg0, %dma_start3A, %dma_start3A_36] : memref<2x10000x128xf32, #tpu.memory_space<hbm>> -> memref<1x16x128xf32, #tpu.memory_space<hbm>>
        %dma_start3A_38 = tpu.memref_squeeze %dma_start3A_37 : memref<1x16x128xf32, #tpu.memory_space<hbm>> -> memref<16x128xf32, #tpu.memory_space<hbm>>
        %dma_start3A_39 = arith.constant 9984 : i32
        %dma_start3A_40 = arith.constant 0 : i32
        %dma_start3A_41 = tpu.memref_slice %arg10[%dma_start3A_39, %dma_start3A_40] : memref<10000x128xf32, #tpu.memory_space<vmem_shared>> -> memref<16x128xf32, #tpu.memory_space<vmem_shared>>
        tpu.enqueue_dma source(%dma_start3A_41 : memref<16x128xf32, #tpu.memory_space<vmem_shared>>) target(%dma_start3A_38 : memref<16x128xf32, #tpu.memory_space<hbm>>) target_semaphore(%run_scoped3A : memref<!tpu.dma_semaphore, #tpu.memory_space<semaphore_mem>>)
        %dma_wait3A = arith.constant 9984 : i32
        %dma_wait3A_42 = arith.constant 0 : i32
        %dma_wait3A_43 = tpu.memref_slice %arg6[%arg0, %dma_wait3A, %dma_wait3A_42] : memref<2x10000x128xf32, #tpu.memory_space<hbm>> -> memref<1x16x128xf32, #tpu.memory_space<hbm>>
        %dma_wait3A_44 = tpu.memref_squeeze %dma_wait3A_43 : memref<1x16x128xf32, #tpu.memory_space<hbm>> -> memref<16x128xf32, #tpu.memory_space<hbm>>
        %dma_wait3A_45 = arith.constant 9984 : i32
        %dma_wait3A_46 = arith.constant 0 : i32
        %dma_wait3A_47 = tpu.memref_slice %arg10[%dma_wait3A_45, %dma_wait3A_46] : memref<10000x128xf32, #tpu.memory_space<vmem_shared>> -> memref<16x128xf32, #tpu.memory_space<vmem_shared>>
        tpu.wait_dma2 semaphore(%run_scoped3A : memref<!tpu.dma_semaphore, #tpu.memory_space<semaphore_mem>>) src(%dma_wait3A_47 : memref<16x128xf32, #tpu.memory_space<vmem_shared>>) dst(%dma_wait3A_44 : memref<16x128xf32, #tpu.memory_space<hbm>>)
        tpu.yield
      }) : () -> ()
    } else {
    }
    return
  }
}

#map = affine_map<(d0, d1) -> (0, 0)>
#map1 = affine_map<(d0, d1) -> (0, 0, 0)>
module attributes {stable_mosaic.version = 14 : i64} {
  func.func @_sc_degree(%arg0: i32, %arg1: i32, %arg2: memref<2560x128xi32, #tpu.memory_space<hbm>>, %arg3: memref<128x128xf32, #tpu.memory_space<hbm>>, %arg4: memref<10000x128xf32, #tpu.memory_space<hbm>>, %arg5: memref<2x10000x128xf32, #tpu.memory_space<hbm>>, %arg6: memref<80x128xi32, #tpu.memory_space<vmem>>, %arg7: memref<128x128xf32, #tpu.memory_space<vmem>>, %arg8: memref<10000x128xf32, #tpu.memory_space<vmem_shared>>) attributes {dimension_semantics = [#tpu.dimension_semantics<core_parallel>, #tpu.dimension_semantics<subcore_parallel>], iteration_bounds = array<i64: 2, 16>, scalar_prefetch = 0 : i64, scratch_operands = 3 : i64, tpu.core_type = #tpu.core_type<sc_vector_subcore>, window_params = [{transform_indices = #map}, {transform_indices = #map}, {transform_indices = #map}, {transform_indices = #map1}]} {
    %mul3A = arith.constant 16 : i32
    %mul3A_0 = arith.muli %arg0, %mul3A : i32
    %add3A = arith.addi %mul3A_0, %arg1 : i32
    %mul3A_1 = arith.constant 80 : i32
    %mul3A_2 = arith.muli %add3A, %mul3A_1 : i32
    %sub3A = arith.constant 2500 : i32
    %sub3A_3 = arith.subi %sub3A, %mul3A_2 : i32
    %min3A = arith.constant 80 : i32
    %min3A_4 = arith.minsi %min3A, %sub3A_3 : i32
    %mul3A_5 = arith.constant 80 : i32
    %mul3A_6 = arith.muli %add3A, %mul3A_5 : i32
    "tpu.region"() ({
      %run_scoped3A = tpu.sem_alloc : memref<!tpu.dma_semaphore, #tpu.memory_space<semaphore_mem>>
      %dma_start3A = arith.constant 0 : i32
      %dma_start3A_23 = tpu.memref_slice %arg2[%mul3A_6, %dma_start3A] : memref<2560x128xi32, #tpu.memory_space<hbm>> -> memref<80x128xi32, #tpu.memory_space<hbm>>
      %dma_start3A_24 = arith.constant 0 : i32
      %dma_start3A_25 = tpu.memref_slice %arg2[%mul3A_6, %dma_start3A_24] : memref<2560x128xi32, #tpu.memory_space<hbm>> -> memref<80x128xi32, #tpu.memory_space<hbm>>
      tpu.enqueue_dma source(%dma_start3A_25 : memref<80x128xi32, #tpu.memory_space<hbm>>) target(%arg6 : memref<80x128xi32, #tpu.memory_space<vmem>>) target_semaphore(%run_scoped3A : memref<!tpu.dma_semaphore, #tpu.memory_space<semaphore_mem>>)
      %dma_wait3A = arith.constant 0 : i32
      %dma_wait3A_26 = tpu.memref_slice %arg2[%mul3A_6, %dma_wait3A] : memref<2560x128xi32, #tpu.memory_space<hbm>> -> memref<80x128xi32, #tpu.memory_space<hbm>>
      %dma_wait3A_27 = arith.constant 0 : i32
      %dma_wait3A_28 = tpu.memref_slice %arg2[%mul3A_6, %dma_wait3A_27] : memref<2560x128xi32, #tpu.memory_space<hbm>> -> memref<80x128xi32, #tpu.memory_space<hbm>>
      tpu.wait_dma2 semaphore(%run_scoped3A : memref<!tpu.dma_semaphore, #tpu.memory_space<semaphore_mem>>) src(%dma_wait3A_28 : memref<80x128xi32, #tpu.memory_space<hbm>>) dst(%arg6 : memref<80x128xi32, #tpu.memory_space<vmem>>)
      tpu.yield
    }) : () -> ()
    %mul3A_7 = arith.constant 624 : i32
    %mul3A_8 = arith.muli %arg1, %mul3A_7 : i32
    "tpu.region"() ({
      %run_scoped3A = tpu.sem_alloc : memref<!tpu.dma_semaphore, #tpu.memory_space<semaphore_mem>>
      %dma_start3A = arith.constant 0 : i32
      %dma_start3A_23 = tpu.memref_slice %arg8[%mul3A_8, %dma_start3A] : memref<10000x128xf32, #tpu.memory_space<vmem_shared>> -> memref<624x128xf32, #tpu.memory_space<vmem_shared>>
      %dma_start3A_24 = arith.constant 0 : i32
      %dma_start3A_25 = tpu.memref_slice %arg4[%mul3A_8, %dma_start3A_24] : memref<10000x128xf32, #tpu.memory_space<hbm>> -> memref<624x128xf32, #tpu.memory_space<hbm>>
      tpu.enqueue_dma source(%dma_start3A_25 : memref<624x128xf32, #tpu.memory_space<hbm>>) target(%dma_start3A_23 : memref<624x128xf32, #tpu.memory_space<vmem_shared>>) target_semaphore(%run_scoped3A : memref<!tpu.dma_semaphore, #tpu.memory_space<semaphore_mem>>)
      %dma_wait3A = arith.constant 0 : i32
      %dma_wait3A_26 = tpu.memref_slice %arg8[%mul3A_8, %dma_wait3A] : memref<10000x128xf32, #tpu.memory_space<vmem_shared>> -> memref<624x128xf32, #tpu.memory_space<vmem_shared>>
      %dma_wait3A_27 = arith.constant 0 : i32
      %dma_wait3A_28 = tpu.memref_slice %arg4[%mul3A_8, %dma_wait3A_27] : memref<10000x128xf32, #tpu.memory_space<hbm>> -> memref<624x128xf32, #tpu.memory_space<hbm>>
      tpu.wait_dma2 semaphore(%run_scoped3A : memref<!tpu.dma_semaphore, #tpu.memory_space<semaphore_mem>>) src(%dma_wait3A_28 : memref<624x128xf32, #tpu.memory_space<hbm>>) dst(%dma_wait3A_26 : memref<624x128xf32, #tpu.memory_space<vmem_shared>>)
      tpu.yield
    }) : () -> ()
    %eq3A = arith.constant 15 : i32
    %eq3A_9 = arith.cmpi eq, %arg1, %eq3A : i32
    %convert_element_type3A = arith.extui %eq3A_9 : i1 to i32
    %cond3A = arith.constant 0 : i32
    %cond3A_10 = arith.cmpi ne, %convert_element_type3A, %cond3A : i32
    scf.if %cond3A_10 {
      "tpu.region"() ({
        %run_scoped3A = tpu.sem_alloc : memref<!tpu.dma_semaphore, #tpu.memory_space<semaphore_mem>>
        %dma_start3A = arith.constant 9984 : i32
        %dma_start3A_23 = arith.constant 0 : i32
        %dma_start3A_24 = tpu.memref_slice %arg8[%dma_start3A, %dma_start3A_23] : memref<10000x128xf32, #tpu.memory_space<vmem_shared>> -> memref<16x128xf32, #tpu.memory_space<vmem_shared>>
        %dma_start3A_25 = arith.constant 9984 : i32
        %dma_start3A_26 = arith.constant 0 : i32
        %dma_start3A_27 = tpu.memref_slice %arg4[%dma_start3A_25, %dma_start3A_26] : memref<10000x128xf32, #tpu.memory_space<hbm>> -> memref<16x128xf32, #tpu.memory_space<hbm>>
        tpu.enqueue_dma source(%dma_start3A_27 : memref<16x128xf32, #tpu.memory_space<hbm>>) target(%dma_start3A_24 : memref<16x128xf32, #tpu.memory_space<vmem_shared>>) target_semaphore(%run_scoped3A : memref<!tpu.dma_semaphore, #tpu.memory_space<semaphore_mem>>)
        %dma_wait3A = arith.constant 9984 : i32
        %dma_wait3A_28 = arith.constant 0 : i32
        %dma_wait3A_29 = tpu.memref_slice %arg8[%dma_wait3A, %dma_wait3A_28] : memref<10000x128xf32, #tpu.memory_space<vmem_shared>> -> memref<16x128xf32, #tpu.memory_space<vmem_shared>>
        %dma_wait3A_30 = arith.constant 9984 : i32
        %dma_wait3A_31 = arith.constant 0 : i32
        %dma_wait3A_32 = tpu.memref_slice %arg4[%dma_wait3A_30, %dma_wait3A_31] : memref<10000x128xf32, #tpu.memory_space<hbm>> -> memref<16x128xf32, #tpu.memory_space<hbm>>
        tpu.wait_dma2 semaphore(%run_scoped3A : memref<!tpu.dma_semaphore, #tpu.memory_space<semaphore_mem>>) src(%dma_wait3A_32 : memref<16x128xf32, #tpu.memory_space<hbm>>) dst(%dma_wait3A_29 : memref<16x128xf32, #tpu.memory_space<vmem_shared>>)
        tpu.yield
      }) : () -> ()
    } else {
    }
    "tpu.region"() ({
      %run_scoped3A = tpu.sem_alloc : memref<!tpu.dma_semaphore, #tpu.memory_space<semaphore_mem>>
      tpu.enqueue_dma source(%arg3 : memref<128x128xf32, #tpu.memory_space<hbm>>) target(%arg7 : memref<128x128xf32, #tpu.memory_space<vmem>>) target_semaphore(%run_scoped3A : memref<!tpu.dma_semaphore, #tpu.memory_space<semaphore_mem>>)
      tpu.wait_dma2 semaphore(%run_scoped3A : memref<!tpu.dma_semaphore, #tpu.memory_space<semaphore_mem>>) src(%arg3 : memref<128x128xf32, #tpu.memory_space<hbm>>) dst(%arg7 : memref<128x128xf32, #tpu.memory_space<vmem>>)
      tpu.yield
    }) : () -> ()
    %barrier3A = arith.constant 0 : index
    tpu.barrier barrier_id(%barrier3A)
    %scan3A = arith.constant 0 : i32
    %scan3A_11 = arith.constant 80 : i32
    %scan3A_12 = arith.addi %scan3A, %scan3A_11 : i32
    %scan3A_13 = arith.constant 1 : i32
    scf.for %scan3A_23 = %scan3A to %scan3A_12 step %scan3A_13  : i32 {
      %mul3A_24 = arith.constant 1 : i32
      %mul3A_25 = arith.muli %scan3A_23, %mul3A_24 : i32
      %add3A_26 = arith.constant 0 : i32
      %add3A_27 = arith.addi %add3A_26, %mul3A_25 : i32
      %lt3A = arith.cmpi slt, %add3A_27, %min3A_4 : i32
      %convert_element_type3A_28 = arith.extui %lt3A : i1 to i32
      %cond3A_29 = arith.constant 0 : i32
      %cond3A_30 = arith.cmpi ne, %convert_element_type3A_28, %cond3A_29 : i32
      scf.if %cond3A_30 {
        "tpu.region"() ({
          %run_scoped3A = tpu.sem_alloc : memref<!tpu.dma_semaphore, #tpu.memory_space<semaphore_mem>>
          %dma_start3A = arith.constant 0 : i32
          %dma_start3A_31 = tpu.memref_slice %arg6[%add3A_27, %dma_start3A] : memref<80x128xi32, #tpu.memory_space<vmem>> -> memref<1x128xi32, #tpu.memory_space<vmem>>
          %dma_start3A_32 = tpu.memref_squeeze %dma_start3A_31 : memref<1x128xi32, #tpu.memory_space<vmem>> -> memref<128xi32, #tpu.memory_space<vmem>>
          %dma_start3A_33 = arith.constant 0 : i32
          %dma_start3A_34 = arith.constant 0 : i32
          %dma_start3A_35 = tpu.memref_slice %arg8[%dma_start3A_33, %dma_start3A_34] : memref<10000x128xf32, #tpu.memory_space<vmem_shared>> -> memref<10000x128xf32, #tpu.memory_space<vmem_shared>>
          tpu.enqueue_indirect_dma source(%arg7 : memref<128x128xf32, #tpu.memory_space<vmem>>) target(%dma_start3A_35 : memref<10000x128xf32, #tpu.memory_space<vmem_shared>>) offsets(%dma_start3A_32 : memref<128xi32, #tpu.memory_space<vmem>>) semaphore(%run_scoped3A : memref<!tpu.dma_semaphore, #tpu.memory_space<semaphore_mem>>) {add = true}
          %dma_wait3A = arith.constant 0 : i32
          %dma_wait3A_36 = tpu.memref_slice %arg6[%add3A_27, %dma_wait3A] : memref<80x128xi32, #tpu.memory_space<vmem>> -> memref<1x128xi32, #tpu.memory_space<vmem>>
          %dma_wait3A_37 = tpu.memref_squeeze %dma_wait3A_36 : memref<1x128xi32, #tpu.memory_space<vmem>> -> memref<128xi32, #tpu.memory_space<vmem>>
          %dma_wait3A_38 = arith.constant 0 : i32
          %dma_wait3A_39 = arith.constant 0 : i32
          %dma_wait3A_40 = tpu.memref_slice %arg8[%dma_wait3A_38, %dma_wait3A_39] : memref<10000x128xf32, #tpu.memory_space<vmem_shared>> -> memref<10000x128xf32, #tpu.memory_space<vmem_shared>>
          tpu.wait_indirect_dma semaphore(%run_scoped3A : memref<!tpu.dma_semaphore, #tpu.memory_space<semaphore_mem>>) src(%arg7 : memref<128x128xf32, #tpu.memory_space<vmem>>) dst(%dma_wait3A_40 : memref<10000x128xf32, #tpu.memory_space<vmem_shared>>)
          tpu.yield
        }) : () -> ()
      } else {
      }
    }
    %scan3A_14 = arith.constant 80 : i32
    %barrier3A_15 = arith.constant 0 : index
    tpu.barrier barrier_id(%barrier3A_15)
    %mul3A_16 = arith.constant 624 : i32
    %mul3A_17 = arith.muli %arg1, %mul3A_16 : i32
    "tpu.region"() ({
      %run_scoped3A = tpu.sem_alloc : memref<!tpu.dma_semaphore, #tpu.memory_space<semaphore_mem>>
      %dma_start3A = arith.constant 0 : i32
      %dma_start3A_23 = tpu.memref_slice %arg5[%arg0, %mul3A_17, %dma_start3A] : memref<2x10000x128xf32, #tpu.memory_space<hbm>> -> memref<1x624x128xf32, #tpu.memory_space<hbm>>
      %dma_start3A_24 = tpu.memref_squeeze %dma_start3A_23 : memref<1x624x128xf32, #tpu.memory_space<hbm>> -> memref<624x128xf32, #tpu.memory_space<hbm>>
      %dma_start3A_25 = arith.constant 0 : i32
      %dma_start3A_26 = tpu.memref_slice %arg8[%mul3A_17, %dma_start3A_25] : memref<10000x128xf32, #tpu.memory_space<vmem_shared>> -> memref<624x128xf32, #tpu.memory_space<vmem_shared>>
      tpu.enqueue_dma source(%dma_start3A_26 : memref<624x128xf32, #tpu.memory_space<vmem_shared>>) target(%dma_start3A_24 : memref<624x128xf32, #tpu.memory_space<hbm>>) target_semaphore(%run_scoped3A : memref<!tpu.dma_semaphore, #tpu.memory_space<semaphore_mem>>)
      %dma_wait3A = arith.constant 0 : i32
      %dma_wait3A_27 = tpu.memref_slice %arg5[%arg0, %mul3A_17, %dma_wait3A] : memref<2x10000x128xf32, #tpu.memory_space<hbm>> -> memref<1x624x128xf32, #tpu.memory_space<hbm>>
      %dma_wait3A_28 = tpu.memref_squeeze %dma_wait3A_27 : memref<1x624x128xf32, #tpu.memory_space<hbm>> -> memref<624x128xf32, #tpu.memory_space<hbm>>
      %dma_wait3A_29 = arith.constant 0 : i32
      %dma_wait3A_30 = tpu.memref_slice %arg8[%mul3A_17, %dma_wait3A_29] : memref<10000x128xf32, #tpu.memory_space<vmem_shared>> -> memref<624x128xf32, #tpu.memory_space<vmem_shared>>
      tpu.wait_dma2 semaphore(%run_scoped3A : memref<!tpu.dma_semaphore, #tpu.memory_space<semaphore_mem>>) src(%dma_wait3A_30 : memref<624x128xf32, #tpu.memory_space<vmem_shared>>) dst(%dma_wait3A_28 : memref<624x128xf32, #tpu.memory_space<hbm>>)
      tpu.yield
    }) : () -> ()
    %eq3A_18 = arith.constant 15 : i32
    %eq3A_19 = arith.cmpi eq, %arg1, %eq3A_18 : i32
    %convert_element_type3A_20 = arith.extui %eq3A_19 : i1 to i32
    %cond3A_21 = arith.constant 0 : i32
    %cond3A_22 = arith.cmpi ne, %convert_element_type3A_20, %cond3A_21 : i32
    scf.if %cond3A_22 {
      "tpu.region"() ({
        %run_scoped3A = tpu.sem_alloc : memref<!tpu.dma_semaphore, #tpu.memory_space<semaphore_mem>>
        %dma_start3A = arith.constant 9984 : i32
        %dma_start3A_23 = arith.constant 0 : i32
        %dma_start3A_24 = tpu.memref_slice %arg5[%arg0, %dma_start3A, %dma_start3A_23] : memref<2x10000x128xf32, #tpu.memory_space<hbm>> -> memref<1x16x128xf32, #tpu.memory_space<hbm>>
        %dma_start3A_25 = tpu.memref_squeeze %dma_start3A_24 : memref<1x16x128xf32, #tpu.memory_space<hbm>> -> memref<16x128xf32, #tpu.memory_space<hbm>>
        %dma_start3A_26 = arith.constant 9984 : i32
        %dma_start3A_27 = arith.constant 0 : i32
        %dma_start3A_28 = tpu.memref_slice %arg8[%dma_start3A_26, %dma_start3A_27] : memref<10000x128xf32, #tpu.memory_space<vmem_shared>> -> memref<16x128xf32, #tpu.memory_space<vmem_shared>>
        tpu.enqueue_dma source(%dma_start3A_28 : memref<16x128xf32, #tpu.memory_space<vmem_shared>>) target(%dma_start3A_25 : memref<16x128xf32, #tpu.memory_space<hbm>>) target_semaphore(%run_scoped3A : memref<!tpu.dma_semaphore, #tpu.memory_space<semaphore_mem>>)
        %dma_wait3A = arith.constant 9984 : i32
        %dma_wait3A_29 = arith.constant 0 : i32
        %dma_wait3A_30 = tpu.memref_slice %arg5[%arg0, %dma_wait3A, %dma_wait3A_29] : memref<2x10000x128xf32, #tpu.memory_space<hbm>> -> memref<1x16x128xf32, #tpu.memory_space<hbm>>
        %dma_wait3A_31 = tpu.memref_squeeze %dma_wait3A_30 : memref<1x16x128xf32, #tpu.memory_space<hbm>> -> memref<16x128xf32, #tpu.memory_space<hbm>>
        %dma_wait3A_32 = arith.constant 9984 : i32
        %dma_wait3A_33 = arith.constant 0 : i32
        %dma_wait3A_34 = tpu.memref_slice %arg8[%dma_wait3A_32, %dma_wait3A_33] : memref<10000x128xf32, #tpu.memory_space<vmem_shared>> -> memref<16x128xf32, #tpu.memory_space<vmem_shared>>
        tpu.wait_dma2 semaphore(%run_scoped3A : memref<!tpu.dma_semaphore, #tpu.memory_space<semaphore_mem>>) src(%dma_wait3A_34 : memref<16x128xf32, #tpu.memory_space<vmem_shared>>) dst(%dma_wait3A_31 : memref<16x128xf32, #tpu.memory_space<hbm>>)
        tpu.yield
      }) : () -> ()
    } else {
    }
    return
  }
}

module attributes {stable_mosaic.version = 14 : i64} {
  func.func @_k1_body(%arg0: i32, %arg1: memref<1000x128xf32, #tpu.memory_space<vmem>>, %arg2: memref<128x128xf32, #tpu.memory_space<vmem>>, %arg3: memref<2x1000x128xf32, #tpu.memory_space<vmem>>, %arg4: memref<1000x128xf32, #tpu.memory_space<vmem>>) attributes {dimension_semantics = [#tpu.dimension_semantics<arbitrary>], iteration_bounds = array<i64: 10>, scalar_prefetch = 0 : i64, scratch_operands = 0 : i64, tpu.core_type = #tpu.core_type<tc>, window_params = [{transform_indices = @transform_0, window_bounds = array<i64: 1000, 128>}, {pipeline_mode = #tpu.pipeline_mode<synchronous>, transform_indices = @transform_1, window_bounds = array<i64: 128, 128>}, {transform_indices = @transform_2, window_bounds = array<i64: 2, 1000, 128>}, {transform_indices = @transform_3, window_bounds = array<i64: 1000, 128>}]} {
    %get3A = arith.constant 0 : index
    %get3A_0 = arith.constant 0 : index
    %get3A_1 = arith.constant 0 : index
    %get3A_2 = vector.load %arg3[%get3A, %get3A_0, %get3A_1] : memref<2x1000x128xf32, #tpu.memory_space<vmem>>, vector<1x1000x1xf32>
    %get3A_3 = vector.shape_cast %get3A_2 : vector<1x1000x1xf32> to vector<1000x1xf32>
    %add3A = arith.constant 1.000000e+00 : f32
    %add3A_4 = vector.broadcast %add3A : f32 to vector<1000x1xf32>
    %add3A_5 = arith.addf %add3A_4, %get3A_3 : vector<1000x1xf32>
    %get3A_6 = arith.constant 1 : index
    %get3A_7 = arith.constant 0 : index
    %get3A_8 = arith.constant 0 : index
    %get3A_9 = vector.load %arg3[%get3A_6, %get3A_7, %get3A_8] : memref<2x1000x128xf32, #tpu.memory_space<vmem>>, vector<1x1000x1xf32>
    %get3A_10 = vector.shape_cast %get3A_9 : vector<1x1000x1xf32> to vector<1000x1xf32>
    %add3A_11 = arith.addf %add3A_5, %get3A_10 : vector<1000x1xf32>
    %rsqrt3A = math.rsqrt %add3A_11 : vector<1000x1xf32>
    %get3A_12 = arith.constant 0 : index
    %get3A_13 = arith.constant 0 : index
    %get3A_14 = vector.load %arg1[%get3A_12, %get3A_13] : memref<1000x128xf32, #tpu.memory_space<vmem>>, vector<1000x128xf32>
    %get3A_15 = arith.constant 0 : index
    %get3A_16 = arith.constant 0 : index
    %get3A_17 = vector.load %arg2[%get3A_15, %get3A_16] : memref<128x128xf32, #tpu.memory_space<vmem>>, vector<128x128xf32>
    %dot_general3A = arith.constant dense<0.000000e+00> : vector<1000x128xf32>
    %dot_general3A_18 = tpu.matmul %get3A_14, %get3A_17, %dot_general3A {dimension_numbers = #tpu.dot_dimension_numbers<[1], [0], [0], [1], [0, 0, 1, 1], [], []>, transpose_lhs_hint = false} : vector<1000x128xf32>, vector<128x128xf32>, vector<1000x128xf32> -> vector<1000x128xf32>
    %mul3A = vector.broadcast %rsqrt3A : vector<1000x1xf32> to vector<1000x128xf32>
    %mul3A_19 = arith.mulf %mul3A, %dot_general3A_18 : vector<1000x128xf32>
    %swap3A = arith.constant 0 : index
    %swap3A_20 = arith.constant 0 : index
    %swap3A_21 = vector.load %arg4[%swap3A, %swap3A_20] : memref<1000x128xf32, #tpu.memory_space<vmem>>, vector<1000x128xf32>
    tpu.vector_store %arg4[%swap3A, %swap3A_20], %mul3A_19 {strides = array<i32>} : memref<1000x128xf32, #tpu.memory_space<vmem>>, vector<1000x128xf32>,
    return
  }
  func.func @transform_0(%arg0: i32) -> (i32, i32) {
    %c0_i32 = arith.constant 0 : i32
    %c0_i32_0 = arith.constant 0 : i32
    return %arg0, %c0_i32 : i32, i32
  }
  func.func @transform_1(%arg0: i32) -> (i32, i32) {
    %c0_i32 = arith.constant 0 : i32
    %c0_i32_0 = arith.constant 0 : i32
    %c0_i32_1 = arith.constant 0 : i32
    return %c0_i32, %c0_i32_0 : i32, i32
  }
  func.func @transform_2(%arg0: i32) -> (i32, i32, i32) {
    %c0_i32 = arith.constant 0 : i32
    %c0_i32_0 = arith.constant 0 : i32
    %c0_i32_1 = arith.constant 0 : i32
    return %c0_i32, %arg0, %c0_i32_0 : i32, i32, i32
  }
  func.func @transform_3(%arg0: i32) -> (i32, i32) {
    %c0_i32 = arith.constant 0 : i32
    %c0_i32_0 = arith.constant 0 : i32
    return %arg0, %c0_i32 : i32, i32
  }
}

module attributes {stable_mosaic.version = 14 : i64} {
  func.func @_k2_body(%arg0: i32, %arg1: memref<2x1000x128xf32, #tpu.memory_space<vmem>>, %arg2: memref<1000x128xf32, #tpu.memory_space<vmem>>, %arg3: memref<2x1000x128xf32, #tpu.memory_space<vmem>>, %arg4: memref<1x128xf32, #tpu.memory_space<vmem>>, %arg5: memref<128x128xf32, #tpu.memory_space<vmem>>, %arg6: memref<1000x128xf32, #tpu.memory_space<vmem>>) attributes {dimension_semantics = [#tpu.dimension_semantics<arbitrary>], iteration_bounds = array<i64: 10>, scalar_prefetch = 0 : i64, scratch_operands = 0 : i64, tpu.core_type = #tpu.core_type<tc>, window_params = [{transform_indices = @transform_0, window_bounds = array<i64: 2, 1000, 128>}, {transform_indices = @transform_1, window_bounds = array<i64: 1000, 128>}, {transform_indices = @transform_2, window_bounds = array<i64: 2, 1000, 128>}, {pipeline_mode = #tpu.pipeline_mode<synchronous>, transform_indices = @transform_3, window_bounds = array<i64: 1, 128>}, {pipeline_mode = #tpu.pipeline_mode<synchronous>, transform_indices = @transform_4, window_bounds = array<i64: 128, 128>}, {transform_indices = @transform_5, window_bounds = array<i64: 1000, 128>}]} {
    %get3A = arith.constant 0 : index
    %get3A_0 = arith.constant 0 : index
    %get3A_1 = arith.constant 0 : index
    %get3A_2 = vector.load %arg3[%get3A, %get3A_0, %get3A_1] : memref<2x1000x128xf32, #tpu.memory_space<vmem>>, vector<1x1000x1xf32>
    %get3A_3 = vector.shape_cast %get3A_2 : vector<1x1000x1xf32> to vector<1000x1xf32>
    %add3A = arith.constant 1.000000e+00 : f32
    %add3A_4 = vector.broadcast %add3A : f32 to vector<1000x1xf32>
    %add3A_5 = arith.addf %add3A_4, %get3A_3 : vector<1000x1xf32>
    %get3A_6 = arith.constant 1 : index
    %get3A_7 = arith.constant 0 : index
    %get3A_8 = arith.constant 0 : index
    %get3A_9 = vector.load %arg3[%get3A_6, %get3A_7, %get3A_8] : memref<2x1000x128xf32, #tpu.memory_space<vmem>>, vector<1x1000x1xf32>
    %get3A_10 = vector.shape_cast %get3A_9 : vector<1x1000x1xf32> to vector<1000x1xf32>
    %add3A_11 = arith.addf %add3A_5, %get3A_10 : vector<1000x1xf32>
    %rsqrt3A = math.rsqrt %add3A_11 : vector<1000x1xf32>
    %get3A_12 = arith.constant 0 : index
    %get3A_13 = arith.constant 0 : index
    %get3A_14 = arith.constant 0 : index
    %get3A_15 = vector.load %arg1[%get3A_12, %get3A_13, %get3A_14] : memref<2x1000x128xf32, #tpu.memory_space<vmem>>, vector<1x1000x128xf32>
    %get3A_16 = vector.shape_cast %get3A_15 : vector<1x1000x128xf32> to vector<1000x128xf32>
    %get3A_17 = arith.constant 1 : index
    %get3A_18 = arith.constant 0 : index
    %get3A_19 = arith.constant 0 : index
    %get3A_20 = vector.load %arg1[%get3A_17, %get3A_18, %get3A_19] : memref<2x1000x128xf32, #tpu.memory_space<vmem>>, vector<1x1000x128xf32>
    %get3A_21 = vector.shape_cast %get3A_20 : vector<1x1000x128xf32> to vector<1000x128xf32>
    %add3A_22 = arith.addf %get3A_16, %get3A_21 : vector<1000x128xf32>
    %get3A_23 = arith.constant 0 : index
    %get3A_24 = arith.constant 0 : index
    %get3A_25 = vector.load %arg2[%get3A_23, %get3A_24] : memref<1000x128xf32, #tpu.memory_space<vmem>>, vector<1000x128xf32>
    %add3A_26 = arith.addf %add3A_22, %get3A_25 : vector<1000x128xf32>
    %mul3A = vector.broadcast %rsqrt3A : vector<1000x1xf32> to vector<1000x128xf32>
    %mul3A_27 = arith.mulf %mul3A, %add3A_26 : vector<1000x128xf32>
    %get3A_28 = arith.constant 0 : index
    %get3A_29 = arith.constant 0 : index
    %get3A_30 = vector.load %arg4[%get3A_28, %get3A_29] : memref<1x128xf32, #tpu.memory_space<vmem>>, vector<1x128xf32>
    %add3A_31 = vector.broadcast %get3A_30 : vector<1x128xf32> to vector<1000x128xf32>
    %add3A_32 = arith.addf %mul3A_27, %add3A_31 : vector<1000x128xf32>
    %max3A = arith.constant 0.000000e+00 : f32
    %max3A_33 = vector.broadcast %max3A : f32 to vector<1000x128xf32>
    %max3A_34 = arith.maximumf %add3A_32, %max3A_33 : vector<1000x128xf32>
    %get3A_35 = arith.constant 0 : index
    %get3A_36 = arith.constant 0 : index
    %get3A_37 = vector.load %arg5[%get3A_35, %get3A_36] : memref<128x128xf32, #tpu.memory_space<vmem>>, vector<128x128xf32>
    %dot_general3A = arith.constant dense<0.000000e+00> : vector<1000x128xf32>
    %dot_general3A_38 = tpu.matmul %max3A_34, %get3A_37, %dot_general3A {dimension_numbers = #tpu.dot_dimension_numbers<[1], [0], [0], [1], [0, 0, 1, 1], [], []>, transpose_lhs_hint = false} : vector<1000x128xf32>, vector<128x128xf32>, vector<1000x128xf32> -> vector<1000x128xf32>
    %mul3A_39 = vector.broadcast %rsqrt3A : vector<1000x1xf32> to vector<1000x128xf32>
    %mul3A_40 = arith.mulf %mul3A_39, %dot_general3A_38 : vector<1000x128xf32>
    %swap3A = arith.constant 0 : index
    %swap3A_41 = arith.constant 0 : index
    %swap3A_42 = vector.load %arg6[%swap3A, %swap3A_41] : memref<1000x128xf32, #tpu.memory_space<vmem>>, vector<1000x128xf32>
    tpu.vector_store %arg6[%swap3A, %swap3A_41], %mul3A_40 {strides = array<i32>} : memref<1000x128xf32, #tpu.memory_space<vmem>>, vector<1000x128xf32>,
    return
  }
  func.func @transform_0(%arg0: i32) -> (i32, i32, i32) {
    %c0_i32 = arith.constant 0 : i32
    %c0_i32_0 = arith.constant 0 : i32
    %c0_i32_1 = arith.constant 0 : i32
    return %c0_i32, %arg0, %c0_i32_0 : i32, i32, i32
  }
  func.func @transform_1(%arg0: i32) -> (i32, i32) {
    %c0_i32 = arith.constant 0 : i32
    %c0_i32_0 = arith.constant 0 : i32
    return %arg0, %c0_i32 : i32, i32
  }
  func.func @transform_2(%arg0: i32) -> (i32, i32, i32) {
    %c0_i32 = arith.constant 0 : i32
    %c0_i32_0 = arith.constant 0 : i32
    %c0_i32_1 = arith.constant 0 : i32
    return %c0_i32, %arg0, %c0_i32_0 : i32, i32, i32
  }
  func.func @transform_3(%arg0: i32) -> (i32, i32) {
    %c0_i32 = arith.constant 0 : i32
    %c0_i32_0 = arith.constant 0 : i32
    %c0_i32_1 = arith.constant 0 : i32
    return %c0_i32, %c0_i32_0 : i32, i32
  }
  func.func @transform_4(%arg0: i32) -> (i32, i32) {
    %c0_i32 = arith.constant 0 : i32
    %c0_i32_0 = arith.constant 0 : i32
    %c0_i32_1 = arith.constant 0 : i32
    return %c0_i32, %c0_i32_0 : i32, i32
  }
  func.func @transform_5(%arg0: i32) -> (i32, i32) {
    %c0_i32 = arith.constant 0 : i32
    %c0_i32_0 = arith.constant 0 : i32
    return %arg0, %c0_i32 : i32, i32
  }
}

module attributes {stable_mosaic.version = 14 : i64} {
  func.func @_k3_body(%arg0: i32, %arg1: memref<2x1000x128xf32, #tpu.memory_space<vmem>>, %arg2: memref<1000x128xf32, #tpu.memory_space<vmem>>, %arg3: memref<2x1000x128xf32, #tpu.memory_space<vmem>>, %arg4: memref<1x128xf32, #tpu.memory_space<vmem>>, %arg5: memref<128x128xf32, #tpu.memory_space<vmem>>, %arg6: memref<1x128xf32, #tpu.memory_space<vmem>>, %arg7: memref<128x128xf32, #tpu.memory_space<vmem>>, %arg8: memref<1x128xf32, #tpu.memory_space<vmem>>, %arg9: memref<1000x128xf32, #tpu.memory_space<vmem>>, %arg10: memref<1000x128xf32, #tpu.memory_space<vmem>>) attributes {dimension_semantics = [#tpu.dimension_semantics<arbitrary>], iteration_bounds = array<i64: 10>, scalar_prefetch = 0 : i64, scratch_operands = 0 : i64, tpu.core_type = #tpu.core_type<tc>, window_params = [{transform_indices = @transform_0, window_bounds = array<i64: 2, 1000, 128>}, {transform_indices = @transform_1, window_bounds = array<i64: 1000, 128>}, {transform_indices = @transform_2, window_bounds = array<i64: 2, 1000, 128>}, {pipeline_mode = #tpu.pipeline_mode<synchronous>, transform_indices = @transform_3, window_bounds = array<i64: 1, 128>}, {pipeline_mode = #tpu.pipeline_mode<synchronous>, transform_indices = @transform_4, window_bounds = array<i64: 128, 128>}, {pipeline_mode = #tpu.pipeline_mode<synchronous>, transform_indices = @transform_5, window_bounds = array<i64: 1, 128>}, {pipeline_mode = #tpu.pipeline_mode<synchronous>, transform_indices = @transform_6, window_bounds = array<i64: 128, 128>}, {pipeline_mode = #tpu.pipeline_mode<synchronous>, transform_indices = @transform_7, window_bounds = array<i64: 1, 128>}, {transform_indices = @transform_8, window_bounds = array<i64: 1000, 128>}, {transform_indices = @transform_9, window_bounds = array<i64: 1000, 128>}]} {
    %get3A = arith.constant 0 : index
    %get3A_0 = arith.constant 0 : index
    %get3A_1 = arith.constant 0 : index
    %get3A_2 = vector.load %arg3[%get3A, %get3A_0, %get3A_1] : memref<2x1000x128xf32, #tpu.memory_space<vmem>>, vector<1x1000x1xf32>
    %get3A_3 = vector.shape_cast %get3A_2 : vector<1x1000x1xf32> to vector<1000x1xf32>
    %add3A = arith.constant 1.000000e+00 : f32
    %add3A_4 = vector.broadcast %add3A : f32 to vector<1000x1xf32>
    %add3A_5 = arith.addf %add3A_4, %get3A_3 : vector<1000x1xf32>
    %get3A_6 = arith.constant 1 : index
    %get3A_7 = arith.constant 0 : index
    %get3A_8 = arith.constant 0 : index
    %get3A_9 = vector.load %arg3[%get3A_6, %get3A_7, %get3A_8] : memref<2x1000x128xf32, #tpu.memory_space<vmem>>, vector<1x1000x1xf32>
    %get3A_10 = vector.shape_cast %get3A_9 : vector<1x1000x1xf32> to vector<1000x1xf32>
    %add3A_11 = arith.addf %add3A_5, %get3A_10 : vector<1000x1xf32>
    %rsqrt3A = math.rsqrt %add3A_11 : vector<1000x1xf32>
    %get3A_12 = arith.constant 0 : index
    %get3A_13 = arith.constant 0 : index
    %get3A_14 = arith.constant 0 : index
    %get3A_15 = vector.load %arg1[%get3A_12, %get3A_13, %get3A_14] : memref<2x1000x128xf32, #tpu.memory_space<vmem>>, vector<1x1000x128xf32>
    %get3A_16 = vector.shape_cast %get3A_15 : vector<1x1000x128xf32> to vector<1000x128xf32>
    %get3A_17 = arith.constant 1 : index
    %get3A_18 = arith.constant 0 : index
    %get3A_19 = arith.constant 0 : index
    %get3A_20 = vector.load %arg1[%get3A_17, %get3A_18, %get3A_19] : memref<2x1000x128xf32, #tpu.memory_space<vmem>>, vector<1x1000x128xf32>
    %get3A_21 = vector.shape_cast %get3A_20 : vector<1x1000x128xf32> to vector<1000x128xf32>
    %add3A_22 = arith.addf %get3A_16, %get3A_21 : vector<1000x128xf32>
    %get3A_23 = arith.constant 0 : index
    %get3A_24 = arith.constant 0 : index
    %get3A_25 = vector.load %arg2[%get3A_23, %get3A_24] : memref<1000x128xf32, #tpu.memory_space<vmem>>, vector<1000x128xf32>
    %add3A_26 = arith.addf %add3A_22, %get3A_25 : vector<1000x128xf32>
    %mul3A = vector.broadcast %rsqrt3A : vector<1000x1xf32> to vector<1000x128xf32>
    %mul3A_27 = arith.mulf %mul3A, %add3A_26 : vector<1000x128xf32>
    %get3A_28 = arith.constant 0 : index
    %get3A_29 = arith.constant 0 : index
    %get3A_30 = vector.load %arg4[%get3A_28, %get3A_29] : memref<1x128xf32, #tpu.memory_space<vmem>>, vector<1x128xf32>
    %add3A_31 = vector.broadcast %get3A_30 : vector<1x128xf32> to vector<1000x128xf32>
    %add3A_32 = arith.addf %mul3A_27, %add3A_31 : vector<1000x128xf32>
    %get3A_33 = arith.constant 0 : index
    %get3A_34 = arith.constant 0 : index
    %get3A_35 = vector.load %arg5[%get3A_33, %get3A_34] : memref<128x128xf32, #tpu.memory_space<vmem>>, vector<128x128xf32>
    %dot_general3A = arith.constant dense<0.000000e+00> : vector<1000x128xf32>
    %dot_general3A_36 = tpu.matmul %add3A_32, %get3A_35, %dot_general3A {dimension_numbers = #tpu.dot_dimension_numbers<[1], [0], [0], [1], [0, 0, 1, 1], [], []>, transpose_lhs_hint = false} : vector<1000x128xf32>, vector<128x128xf32>, vector<1000x128xf32> -> vector<1000x128xf32>
    %get3A_37 = arith.constant 0 : index
    %get3A_38 = arith.constant 0 : index
    %get3A_39 = vector.load %arg6[%get3A_37, %get3A_38] : memref<1x128xf32, #tpu.memory_space<vmem>>, vector<1x128xf32>
    %add3A_40 = vector.broadcast %get3A_39 : vector<1x128xf32> to vector<1000x128xf32>
    %add3A_41 = arith.addf %dot_general3A_36, %add3A_40 : vector<1000x128xf32>
    %swap3A = arith.constant 0 : index
    %swap3A_42 = arith.constant 0 : index
    %swap3A_43 = vector.load %arg9[%swap3A, %swap3A_42] : memref<1000x128xf32, #tpu.memory_space<vmem>>, vector<1000x128xf32>
    tpu.vector_store %arg9[%swap3A, %swap3A_42], %add3A_41 {strides = array<i32>} : memref<1000x128xf32, #tpu.memory_space<vmem>>, vector<1000x128xf32>,
    %get3A_44 = arith.constant 0 : index
    %get3A_45 = arith.constant 0 : index
    %get3A_46 = vector.load %arg7[%get3A_44, %get3A_45] : memref<128x128xf32, #tpu.memory_space<vmem>>, vector<128x128xf32>
    %dot_general3A_47 = arith.constant dense<0.000000e+00> : vector<1000x128xf32>
    %dot_general3A_48 = tpu.matmul %add3A_32, %get3A_46, %dot_general3A_47 {dimension_numbers = #tpu.dot_dimension_numbers<[1], [0], [0], [1], [0, 0, 1, 1], [], []>, transpose_lhs_hint = false} : vector<1000x128xf32>, vector<128x128xf32>, vector<1000x128xf32> -> vector<1000x128xf32>
    %get3A_49 = arith.constant 0 : index
    %get3A_50 = arith.constant 0 : index
    %get3A_51 = vector.load %arg8[%get3A_49, %get3A_50] : memref<1x128xf32, #tpu.memory_space<vmem>>, vector<1x128xf32>
    %add3A_52 = vector.broadcast %get3A_51 : vector<1x128xf32> to vector<1000x128xf32>
    %add3A_53 = arith.addf %dot_general3A_48, %add3A_52 : vector<1000x128xf32>
    %max3A = arith.constant 0.00999999977 : f32
    %max3A_54 = vector.broadcast %max3A : f32 to vector<1000x128xf32>
    %max3A_55 = arith.maximumf %add3A_53, %max3A_54 : vector<1000x128xf32>
    %swap3A_56 = arith.constant 0 : index
    %swap3A_57 = arith.constant 0 : index
    %swap3A_58 = vector.load %arg10[%swap3A_56, %swap3A_57] : memref<1000x128xf32, #tpu.memory_space<vmem>>, vector<1000x128xf32>
    tpu.vector_store %arg10[%swap3A_56, %swap3A_57], %max3A_55 {strides = array<i32>} : memref<1000x128xf32, #tpu.memory_space<vmem>>, vector<1000x128xf32>,
    return
  }
  func.func @transform_0(%arg0: i32) -> (i32, i32, i32) {
    %c0_i32 = arith.constant 0 : i32
    %c0_i32_0 = arith.constant 0 : i32
    %c0_i32_1 = arith.constant 0 : i32
    return %c0_i32, %arg0, %c0_i32_0 : i32, i32, i32
  }
  func.func @transform_1(%arg0: i32) -> (i32, i32) {
    %c0_i32 = arith.constant 0 : i32
    %c0_i32_0 = arith.constant 0 : i32
    return %arg0, %c0_i32 : i32, i32
  }
  func.func @transform_2(%arg0: i32) -> (i32, i32, i32) {
    %c0_i32 = arith.constant 0 : i32
    %c0_i32_0 = arith.constant 0 : i32
    %c0_i32_1 = arith.constant 0 : i32
    return %c0_i32, %arg0, %c0_i32_0 : i32, i32, i32
  }
  func.func @transform_3(%arg0: i32) -> (i32, i32) {
    %c0_i32 = arith.constant 0 : i32
    %c0_i32_0 = arith.constant 0 : i32
    %c0_i32_1 = arith.constant 0 : i32
    return %c0_i32, %c0_i32_0 : i32, i32
  }
  func.func @transform_4(%arg0: i32) -> (i32, i32) {
    %c0_i32 = arith.constant 0 : i32
    %c0_i32_0 = arith.constant 0 : i32
    %c0_i32_1 = arith.constant 0 : i32
    return %c0_i32, %c0_i32_0 : i32, i32
  }
  func.func @transform_5(%arg0: i32) -> (i32, i32) {
    %c0_i32 = arith.constant 0 : i32
    %c0_i32_0 = arith.constant 0 : i32
    %c0_i32_1 = arith.constant 0 : i32
    return %c0_i32, %c0_i32_0 : i32, i32
  }
  func.func @transform_6(%arg0: i32) -> (i32, i32) {
    %c0_i32 = arith.constant 0 : i32
    %c0_i32_0 = arith.constant 0 : i32
    %c0_i32_1 = arith.constant 0 : i32
    return %c0_i32, %c0_i32_0 : i32, i32
  }
  func.func @transform_7(%arg0: i32) -> (i32, i32) {
    %c0_i32 = arith.constant 0 : i32
    %c0_i32_0 = arith.constant 0 : i32
    %c0_i32_1 = arith.constant 0 : i32
    return %c0_i32, %c0_i32_0 : i32, i32
  }
  func.func @transform_8(%arg0: i32) -> (i32, i32) {
    %c0_i32 = arith.constant 0 : i32
    %c0_i32_0 = arith.constant 0 : i32
    return %arg0, %c0_i32 : i32, i32
  }
  func.func @transform_9(%arg0: i32) -> (i32, i32) {
    %c0_i32 = arith.constant 0 : i32
    %c0_i32_0 = arith.constant 0 : i32
    return %arg0, %c0_i32 : i32, i32
  }
}

</mosaic_0001>

<sc_bundles>
// kernel: kernel.11.cloned.1.call-start
scs
__scs_entry_jumppad:
0x0: {  	(pc) =	sbr.rel $0x88, $3  }
0x1: {  	(tag) =	ssettag $0x0;
	lr =	simm.s32 $0x1  }
0x2: {  	[smem:$0x3F97] =	sst lr;
	_ =	strace $0xD0000000  }
0x3: {  	_ = 	snop  }
0x4: {  	_ = 	snop  }
0x5: {  	_ = 	snop  }
0x6: {  	_ = 	snop  }
0x7: {  	_ = 	snop  }
__scs_overlays_trampoline_lowered:
0x8: {  	[smem:$0x3FA6] =	sst s0  }
0x9: {  	[smem:$0x3FA7] =	sst s1  }
0xa: {  	[smem:$0x3FA8] =	sst s2  }
0xb: {  	[smem:$0x3FA9] =	sst s3  }
0xc: {  	[smem:$0x3FAA] =	sst s4  }
0xd: {  	[smem:$0x3FAB] =	sst s5  }
0xe: {  	[smem:$0x3FAC] =	sst s6  }
0xf: {  	[smem:$0x3FAD] =	sst s7  }
0x10: {  	[smem:$0x3FAE] =	sst s8  }
0x11: {  	[smem:$0x3FAF] =	sst s9;
	s0 =	simm.s32 @!p0 $0x0  }
0x12: {  	s1 =	sld [smem:$0x3F95];
	s0 =	simm.s32 @p0 $0x1  }
0x13: {  	[smem:$0x3FB0] =	sst s0;
	s0 =	simm.s32 @!p1 $0x0  }
0x14: {  	s2 =	sld [smem:$0x3F94];
	s0 =	simm.s32 @p1 $0x1  }
0x15: {  	[smem:$0x3FB1] =	sst s0;
	s0 =	simm.s32 @!p2 $0x0  }
0x16: {  	s3 =	sld [smem:$0x3FDB];
	s0 =	simm.s32 @p2 $0x1  }
0x17: {  	s4 =	simm.s32 $0x1BF5;
	[smem:$0x3FB3] =	sst s0  }
0x18: {  	s0 =	sld [smem:$0x3F96];
	_ =	swait.ge [sflag:s4], $0x0  }
0x19: {  	s7 =	sld [smem:$0x3F97]  }
0x1a: {  	s8 =	sadd.s32 $0xFFFFE003, lr  }
0x1b: {  	s9 =	sadd.s32 $0xFFFFFEF7, lr;
	s5 =	simm.s32 $0xFFFFFFFF;
	p2 =	slt.u32 s8, $0xFFFFF086  }
0x1c: {  	p1 =	slt.u32 s9, $0xF7A;
	s5 =	simm.s32 @!p2 $0x0  }
0x1d: {  	s5 =	simm.s32 @p1 $0x1;
	p0 =	seq.s32 s7, s2  }
0x1e: {  	s7 =	smul.u32 @!p0 $0xF7A, s2;
	p2 =	seq.s32 @!p0 s5, $0x0  }
0x1f: {  	s9 =	smul.u32 $0xF7A, s1;
	s8 =	simm.s32 @!p0 $0x1BF5;
	p2 =	por !p2, p0  }
0x20: {  	[sflag:s8] =	ssyncset.s32 @!p0 $0xFFFFF086;
	s6 =	sadd.s32 @!p0 s3, s7;
	s7 =	simm.s32 @!p0 $0x108  }
0x21: {  	s3 =	sadd.s32 s3, s9;
	s6 =	sadd.s32 @!p0 $0x88, s6;
	s7 =	simm.s32 @p2 $0x1082  }
0x22: {  	[simem:s7], [sflag:s8] =	dma.local @!p0 [hbm:s6], $0xF7A  }
0x23: {  	s9 =	sor.u32 $0xD0000000, s2;
	s6 =	simm.s32 $0x108;
	_ =	swait.ge @!p0 [sflag:s8], $0x0  }
0x24: {  	s3 =	sadd.s32 $0x88, s3;
	s6 =	simm.s32 @!p1 $0x1082;
	[sflag:s4] =	ssyncset.s32 $0xFFFFF086  }
0x25: {  	[simem:s6], [sflag:s4] =	dma.local [hbm:s3], $0xF7A  }
0x26: {  	[smem:$0x3F97] =	sst s1;
	(tag) =	ssettag s2;
	_ =	strace s9  }
0x27: {  	s1 =	sld [smem:$0x3FA7]  }
0x28: {  	s2 =	sld [smem:$0x3FA8]  }
0x29: {  	s4 =	sld [smem:$0x3FAA]  }
0x2a: {  	p0 =	seq.s32 s5, $0x0;
	s5 =	sld [smem:$0x3FAB]  }
0x2b: {  	s6 =	sld [smem:$0x3FAC]  }
0x2c: {  	s7 =	sld [smem:$0x3FAD]  }
0x2d: {  	s3 =	simm.s32 $0x108;
	s8 =	sld [smem:$0x3FAE]  }
0x2e: {  	s3 =	simm.s32 @!p0 $0x1082;
	s9 =	sld [smem:$0x3FAF]  }
0x2f: {  	lr =	sadd.s32 s0, s3;
	s0 =	sld [smem:$0x3FA6]  }
0x30: {  	s3 =	sld [smem:$0x3FA9]  }
0x31: {  	[smem:$0x3FB2] =	sst s10  }
0x32: {  	s10 =	sld [smem:$0x3FB0];
	_ =	sdelay $0x3  }
0x33: {  	p0 =	seq.s32 s10, $0x1;
	s10 =	sld [smem:$0x3FB2];
	_ =	sdelay $0x3  }
0x34: {  	[smem:$0x3FB2] =	sst s10  }
0x35: {  	s10 =	sld [smem:$0x3FB1];
	_ =	sdelay $0x3  }
0x36: {  	p1 =	seq.s32 s10, $0x1;
	s10 =	sld [smem:$0x3FB2];
	_ =	sdelay $0x3  }
0x37: {  	[smem:$0x3FB2] =	sst s10  }
0x38: {  	s10 =	sld [smem:$0x3FB3]  }
0x39: {  	_ = 	snop;
	(pc) =	sbr.ind lr, $3  }
0x3a: {  	_ = 	snop  }
0x3b: {  	_ = 	snop  }
0x3c: {  	p2 =	seq.s32 s10, $0x1;
	s10 =	sld [smem:$0x3FB2]  }
0x3d: {  	_ =	shalt  }
0x3e: {  	_ =	shalt  }
0x3f: {  	_ =	shalt  }
0x40: {  	_ =	shalt  }
0x41: {  	_ =	shalt  }
0x42: {  	_ =	shalt  }
0x43: {  	_ =	shalt  }
0x44: {  	_ =	shalt  }
0x45: {  	_ =	shalt  }
0x46: {  	_ =	shalt  }
0x47: {  	_ =	shalt  }
0x48: {  	_ =	shalt  }
0x49: {  	_ =	shalt  }
0x4a: {  	_ =	shalt  }
0x4b: {  	_ =	shalt  }
0x4c: {  	_ =	shalt  }
0x4d: {  	_ =	shalt  }
0x4e: {  	_ =	shalt  }
0x4f: {  	_ =	shalt  }
0x50: {  	_ =	shalt  }
0x51: {  	_ =	shalt  }
0x52: {  	_ =	shalt  }
0x53: {  	_ =	shalt  }
0x54: {  	_ =	shalt  }
0x55: {  	_ =	shalt  }
0x56: {  	_ =	shalt  }
0x57: {  	_ =	shalt  }
0x58: {  	_ =	shalt  }
0x59: {  	_ =	shalt  }
0x5a: {  	_ =	shalt  }
0x5b: {  	_ =	shalt  }
0x5c: {  	_ =	shalt  }
0x5d: {  	_ =	shalt  }
0x5e: {  	_ =	shalt  }
0x5f: {  	_ =	shalt  }
0x60: {  	_ =	shalt  }
0x61: {  	_ =	shalt  }
0x62: {  	_ =	shalt  }
0x63: {  	_ =	shalt  }
0x64: {  	_ =	shalt  }
0x65: {  	_ =	shalt  }
0x66: {  	_ =	shalt  }
0x67: {  	_ =	shalt  }
0x68: {  	_ =	shalt  }
0x69: {  	_ =	shalt  }
0x6a: {  	_ =	shalt  }
0x6b: {  	_ =	shalt  }
0x6c: {  	_ =	shalt  }
0x6d: {  	_ =	shalt  }
0x6e: {  	_ =	shalt  }
0x6f: {  	_ =	shalt  }
0x70: {  	_ =	shalt  }
0x71: {  	_ =	shalt  }
0x72: {  	_ =	shalt  }
0x73: {  	_ =	shalt  }
0x74: {  	_ =	shalt  }
0x75: {  	_ =	shalt  }
0x76: {  	_ =	shalt  }
0x77: {  	_ =	shalt  }
0x78: {  	_ =	shalt  }
0x79: {  	_ =	shalt  }
0x7a: {  	_ =	shalt  }
0x7b: {  	_ =	shalt  }
0x7c: {  	_ =	shalt  }
0x7d: {  	_ =	shalt  }
0x7e: {  	_ =	shalt  }
0x7f: {  	_ =	shalt  }
0x80: {  	_ =	shalt  }
0x81: {  	_ =	shalt  }
0x82: {  	_ =	shalt  }
0x83: {  	_ =	shalt  }
0x84: {  	_ =	shalt  }
0x85: {  	_ =	shalt  }
0x86: {  	_ =	shalt  }
0x87: {  	_ =	shalt  }
.Lfunc_end0:
.L_simem_size_0:
called_computation.1_lowered:
.L_overlay_start_0:
0x88: {  	s2 =	sld [smem:$0x3FD9]  }
0x89: {  	s3 =	sld [smem:$0x3FFE];
	_ =	sdelay $0x1  }
0x8a: {  	s1 =	srdreg.scid  }
0x8b: {  	s0 =	sand.u32 $0x1, s1  }
0x8c: {  	s14 =	sshll.u32 s0, $0xA;
	s2 =	sadd.s32 s3, s2  }
0x8d: {  	s2 =	sadd.s32 s2, s14  }
0x8e: {  	[smem:$0x3FBE] =	sst s2  }
0x8f: {  	_ = 	snop  }
0x90: {  	s2 =	sld [smem:$0x3FD0];
	_ =	sdelay $0x2  }
0x91: {  	s15 =	simm.s32 $0xA;
	s4 =	simm.s32 $0x10  }
0x92: {  	[smem:s4], [sflag:s15] =	dma.local [hbm:s2], $0x1  }
0x93: {  	_ =	swait.eq [sflag:s15], $0x1  }
0x94: {  	[sflag:s15] =	ssyncset.done $0x0  }
0x95: {  	s16 =	sld [smem:$0x10];
	[sflag:s15] =	ssyncadd.s32 $0xFFFFFFFF  }
0x96: {  	s17 =	sld [smem:$0x11];
	(tm) =	ssettm $0x1  }
0x97: {  	s18 =	sld [smem:$0x3FFB];
	_ =	sdelay $0x3  }
0x98: {  	_ =	strace s18  }
0x99: {  	s4 =	sld [smem:$0x3FFC];
	_ =	sdelay $0x3  }
0x9a: {  	_ =	strace s4  }
0x9b: {  	s4 =	sld [smem:$0x3FFD];
	_ =	sdelay $0x3  }
0x9c: {  	_ =	strace s4  }
0x9d: {  	_ =	strace $0x8FFFFFFF  }
0x9e: {  	s19 =	sld [smem:$0x3FDB];
	_ =	sdelay $0x1  }
0x9f: {  	s5 =	simm.s32 $_scs_section_size  }
0xa0: {  	s6 =	simm.s32 $_size__tile_overlayer_lowered;
	s7 =	simm.s32 $_tile_overlayer_lowered  }
0xa1: {  	s22 =	simm.s32 $0x1BFF;
	s21 =	sshll.u32 s7, $0x1;
	s4 =	sadd.s32 s5, s19  }
0xa2: {  	s8 =	simm.s32 $0x0;
	s20 =	sshll.u32 s6, $0x1;
	s6 =	sadd.s32 s21, s4  }
0xa3: {  	[timem:s8], [sflag:s22] =	dma.local [hbm:s6], s20  }
0xa4: {  	_ =	swait.ge [sflag:s22], s20  }
0xa5: {  	s5 =	ssub.s32 $0x0, s20;
	[sflag:s22] =	ssyncset.done $0x0  }
0xa6: {  	[sflag:s22] =	ssyncadd.s32 s5;
	_ =	sdelay $0x1  }
0xa7: {  	s23 =	simm.s32 $0x1B8B  }
0xa8: {  	_ =	swait.ge [sflag:s23], $0x1  }
0xa9: {  	[sflag:s23] =	ssyncset.done $0x0  }
0xaa: {  	s25 =	simm.s32 $0x1B8E;
	s24 =	sld [smem:$0x3FFE];
	[sflag:s23] =	ssyncadd.s32 $0xFFFFFFFF  }
0xab: {  	s26 =	simm.s32 $execute0_lowered;
	[smem:$0x3FD2] =	sst s25  }
0xac: {  	s6 =	sshll.u32 s26, $0x1;
	_ =	strace $0x80000049;
	[dreg:$0x1] =	wrdreg $0xFFFFFFFF  }
0xad: {  	s28 =	simm.s32 $_size_execute0_lowered;
	s4 =	sadd.s32 s4, s6;
	[dreg:$0x0] =	wrdreg $0x0  }
0xae: {  	s6 =	sshll.u32 s28, $0x1;
	[dreg:$0x2] =	wrdreg s4  }
0xaf: {  	[dreg:$0x3] =	wrdreg s6  }
0xb0: {  	[dreg:$0x4] =	wrdreg $0xC0  }
0xb1: {  	_ =	task [dreg:s8], $0x5FFFF  }
0xb2: {  	[dreg:$0x1] =	wrdreg $0xFFFFFFFF  }
0xb3: {  	[dreg:$0x0] =	wrdreg $0x60  }
0xb4: {  	[dreg:$0x2] =	wrdreg s16  }
0xb5: {  	[dreg:$0x3] =	wrdreg s24  }
0xb6: {  	[dreg:$0x4] =	wrdreg s17  }
0xb7: {  	[dreg:$0x5] =	wrdreg $0xA8000  }
0xb8: {  	[dreg:$0x6] =	wrdreg $0x9  }
0xb9: {  	_ =	task.clear_ibuf [dreg:s8], $0x7FFFF;
	_ =	strace $0x90000049  }
0xba: {  	s29 =	simm.s32 $0x9;
	_ =	strace $0x8000004B  }
0xbb: {  	_ =	swait.ge [sflag:s29], $0x1  }
0xbc: {  	[sflag:s29] =	ssyncadd.s32 $0xFFFFFFFF  }
0xbd: {  	_ =	strace $0x9000004B  }
0xbe: {  	_ =	sfence  }
0xbf: {  	s30 =	sld [smem:$0x0];
	_ =	sdelay $0x2  }
0xc0: {  	s31 =	sshll.u32 s1, $0xD;
	s1 =	sshrl.u32 s1, $0x2  }
0xc1: {  	s3 =	sand.u32 $0x4000, s31;
	s1 =	sadd.s32 s1, s30  }
0xc2: {  	s0 =	sor.u32 s3, s0;
	s1 =	sshll.u32 s1, $0x11  }
0xc3: {  	s0 =	sor.u32 s1, s0  }
0xc4: {  	s0 =	sadd.s32 $0x8F2B, s0  }
0xc5: {  	[sflag:s0] =	ssyncadd.remote.s32 $0x1  }
0xc6: {  	_ =	sfence.sel $0xFFFF  }
0xc7: {  	[dreg:$0x0] =	wrdreg $0xFFFFFFFF;
	(pc) =	sbr.abs _section_cstart, $3  }
0xc8: {  	[dreg:$0x1] =	wrdreg $0xFFFFFFFF  }
0xc9: {  	_ =	task.clear_ibuf [dreg:s8], $0x2FFFF;
	_ =	strace $0x9FFFFFFF  }
0xca: {  	(tm) =	ssettm $0x7FFFFFFF  }
0xcb: {  	_ =	shalt  }
tec
execute0_lowered:
.L_overlay_start_1:
0x0: {  	(tag) =	ssettag $0x1  }
0x1: {  	s1 =	rddreg [dreg:$0x0]  }
0x2: {  	s0 =	rddreg [dreg:$0x1]  }
0x3: {  	s3 =	rddreg [dreg:$0x2]  }
0x4: {  	s2 =	rddreg [dreg:$0x3]  }
0x5: {  	s5 =	srdreg.scid;
	s4 =	simm.s32 $0x0;
	s21 =	stileid.u32  }
0x6: {  	s13 =	sand.u32 $0x1, s5;
	[smem:$0x7FF] =	sst s4;
	s15 =	sadd.s32 $0x3200, s0  }
0x7: {  	s16 =	sadd.s32 $0xD200, s0;
	s0 =	sadd.s32 $0x65400, s0;
	s6 =	smul.u32 $0x4E000, s21  }
0x8: {  	s17 =	smul.u32 $0x13800, s21;
	s23 =	sshll.u32 s21, $0x6;
	s8 =	sadd.s32 $0x138000, s2  }
0x9: {  	s5 =	sshll.u32 s13, $0x4;
	_ =	strace $0x8000004A;
	s18 =	ssub.s32 $0x2, s13  }
0xa: {  	s9 =	sor.u32 s21, s5;
	s7 =	sshrl.u32 s18, $0x1;
	s19 =	sshrl.u32 s6, $0x2  }
0xb: {  	s22 =	sshrl.u32 s17, $0x3;
	s25 =	smul.u32 $0xFFFFFFB0, s9;
	s20 =	ssub.s32 s18, s7  }
0xc: {  	s5 =	sadd.s32 s19, s2;
	s6 =	sadd.s32 s3, s22;
	s12 =	smul.u32 $0x500, s9  }
0xd: {  	s7 =	sor.u32 $0x1C03, s23;
	s14 =	smul.u32 $0x2800, s9;
	s9 =	sadd.s32 $0x27000, s3  }
0xe: {  	s18 =	smul.u32 $0x138800, s13;
	[dreg:$0x5] =	wrdreg s5;
	s20 =	smax.u32 s20, $0x1  }
0xf: {  	p0 =	slt.s32 s25, $0xFFFFF68C;
	s11 =	sadd.s32 s15, s12;
	s12 =	sadd.s32 s16, s12  }
0x10: {  	s24 =	sshrl.u32 s14, $0x3;
	s29 =	sadd.s32 s17, s18;
	s31 =	sshrl.u32 s18, $0x3  }
0x11: {  	s25 =	simm.s32 @!p0 $0xFFFFF68C;
	s3 =	sadd.s32 $0x280, s24;
	s30 =	sshrl.u32 s29, $0x3  }
0x12: {  	p0 =	sne.s32 s21, $0xF;
	s21 =	simm.s32 $0x3;
	s10 =	smin.u32 s25, $0xFFFFF664  }
.Ltmp0:
0x13: {  	s26 =	smax.u32 s25, $0xFFFFF664;
	s28 =	sadd.s32 s15, s3;
	(pc) =	sbr.rel .LBB2_1-.Ltmp0, $4  }
0x14: {  	s3 =	sadd.s32 s16, s3;
	s18 =	sadd.s32 s0, s30;
	s0 =	sadd.s32 s0, s31  }
0x15: {  	p1 =	slt.u32 s25, $0xFFFFF665;
	s25 =	simm.s32 $0x0;
	[dreg:$0x6] =	wrdreg s28  }
0x16: {  	s10 =	sadd.s32 $0x9C4, s10;
	s14 =	sadd.s32 $0x99C, s26;
	[dreg:$0x7] =	wrdreg s3  }
0x17: {  	s19 =	sadd.s32 $0x27000, s0;
	s13 =	sshrl.u32 s10, $0x1;
	s17 =	sshrl.u32 s14, $0x1  }
.LBB2_6:
0x18: {  	s0 =	sadd.s32 @!p2 $0xFFFFFF80, s30;
	s3 =	simm.s32 @!p2 $0x80;
	[sflag:s15] =	ssyncset.done @!p3 $0x0  }
0x19: {  	s5 =	simm.s32 @!p2 $0x6800;
	s16 =	simm.s32 @!p2 $0x1;
	[sflag:s15] =	ssyncadd.s32 @!p3 $0xFFFFC000  }
0x1a: {  	[tilespmem:s5], [sflag:$0x2] =	stream.indirect.gather @!p2 [hbm4b:s1+s3], $0x80, s0, s3, $0xb8;
	[tilespmem:$0x1E080] =	vst v63  }
0x1b: {  	_ =	swait.ge @!p2 [sflag:s16], $0x4000  }
0x1c: {  	s15 =	simm.s32 @!p2 $0x2800;
	p3 =	sge.u32 @!p2 s31, s14;
	[sflag:s16] =	ssyncset.done @!p2 $0x0  }
0x1d: {  	s0 =	sadd.s32 @!p2 $0xFFFFFF80, s29;
	[sflag:s16] =	ssyncadd.s32 @!p2 $0xFFFFC000;
	s16 =	simm.s32 @!p2 $0x4  }
0x1e: {  	[spmem:s2] =	stream.indirect.scatter.add.f32 @!p2 [tilespmem:s15], [sflag:$0x4], $0x80, s0, s3, $0xb8;
	[tilespmem:$0x1E080] =	vst v63  }
0x1f: {  	p3 =	por p3, p2;
	_ =	swait.ge @!p2 [sflag:s16], $0x4000  }
0x20: {  	s0 =	simm.s32 @!p3 $0x80;
	[sflag:s16] =	ssyncset.done @!p2 $0x0  }
0x21: {  	s15 =	simm.s32 @!p3 $0x2800;
	[sflag:s16] =	ssyncadd.s32 @!p2 $0xFFFFC000;
	s16 =	simm.s32 @!p2 $0x2  }
0x22: {  	[tilespmem:s15], [sflag:$0x1] =	stream.indirect.gather @!p3 [hbm4b:s1+s0], $0x80, s30, s0, $0xb8;
	[tilespmem:$0x1E080] =	vst v63  }
0x23: {  	_ =	swait.ge @!p2 [sflag:s16], $0x4000  }
0x24: {  	[sflag:s16] =	ssyncset.done @!p2 $0x0;
	p2 =	por p2, p2  }
0x25: {  	[sflag:s16] =	ssyncadd.s32 @!p2 $0xFFFFC000;
	s0 =	simm.s32 @!p2 $0x3  }
0x26: {  	[spmem:s2] =	stream.indirect.scatter.add.f32 @!p2 [tilespmem:s5], [sflag:$0x3], $0x80, s29, s3, $0xb8;
	[tilespmem:$0x1E080] =	vst v63  }
0x27: {  	_ =	swait.ge @!p2 [sflag:s0], $0x4000  }
0x28: {  	[sflag:s0] =	ssyncset.done @!p2 $0x0  }
0x29: {  	[sflag:s0] =	ssyncadd.s32 @!p2 $0xFFFFC000  }
.LBB2_7:
0x2a: {  	[bflag:$0x0] =	sbarrier.arrive $0xFFFF  }
0x2b: {  	[hbm:s18], [sflag:s7] =	dma.local [spmem:s26], $0x2700  }
0x2c: {  	s25 =	sadd.s32 $0x1, s25;
	_ =	swait.ge [sflag:s21], $0x2700  }
0x2d: {  	p2 =	sne.s32 s25, s20;
	[sflag:s21] =	ssyncset.done $0x0  }
.Ltmp1:
0x2e: {  	s0 =	simm.s32 @!p0 $0x3;
	[sflag:s21] =	ssyncadd.s32 $0xFFFFD900;
	(pc) =	sbr.rel @!p2 .LBB2_8-.Ltmp1, $4  }
0x2f: {  	[hbm:s19], [sflag:s7] =	dma.local @!p0 [spmem:s28], $0x100  }
0x30: {  	_ =	swait.ge @!p0 [sflag:s0], $0x100  }
0x31: {  	[sflag:s0] =	ssyncset.done @!p0 $0x0  }
0x32: {  	[sflag:s0] =	ssyncadd.s32 @!p0 $0xFFFFFF00  }
.LBB2_1:
0x33: {  	s0 =	rddreg [dreg:$0x5]  }
0x34: {  	s26 =	sshrl.u32 s0, $0x3  }
0x35: {  	[spmem:s26], [sflag:s7] =	dma.local [hbm:s6], $0x2700  }
0x36: {  	_ =	swait.ge [sflag:s21], $0x2700  }
0x37: {  	[sflag:s21] =	ssyncset.done $0x0  }
0x38: {  	s28 =	sshrl.u32 @!p0 s8, $0x3;
	s0 =	simm.s32 @!p0 $0x3;
	[sflag:s21] =	ssyncadd.s32 $0xFFFFD900  }
0x39: {  	[spmem:s28], [sflag:s7] =	dma.local @!p0 [hbm:s9], $0x100  }
0x3a: {  	_ =	swait.ge @!p0 [sflag:s0], $0x100  }
0x3b: {  	[sflag:s0] =	ssyncset.done @!p0 $0x0  }
0x3c: {  	[sflag:s0] =	ssyncadd.s32 @!p0 $0xFFFFFF00  }
0x3d: {  	[bflag:$0x0] =	sbarrier.arrive $0xFFFF  }
0x3e: {  	[tilespmem:s4], [sflag:$0x3] =	stream.linear.gather [hbm4b:s11+s4], $0x1400, $0x38;
	[tilespmem:$0x1E080] =	vst v63  }
0x3f: {  	_ =	swait.ge [sflag:s21], $0x1400  }
0x40: {  	[sflag:s21] =	ssyncset.done $0x0  }
0x41: {  	s23 =	simm.s32 $0x1400;
	[sflag:s21] =	ssyncadd.s32 $0xFFFFEC00  }
0x42: {  	[tilespmem:s23], [sflag:$0x3] =	stream.linear.gather [hbm4b:s12+s4], $0x1400, $0x38;
	[tilespmem:$0x1E080] =	vst v63  }
0x43: {  	_ =	swait.ge [sflag:s21], $0x1400  }
0x44: {  	s24 =	simm.s32 $0x80;
	p2 =	sle.u32 s13, $0x0;
	[sflag:s21] =	ssyncset.done $0x0  }
0x45: {  	s3 =	simm.s32 $0x2800;
	s15 =	simm.s32 @!p2 $0x6800;
	[sflag:s21] =	ssyncadd.s32 $0xFFFFEC00  }
0x46: {  	[tilespmem:s3], [sflag:$0x1] =	stream.indirect.gather [hbm4b:s1+s24], $0x80, s4, s24, $0xb8;
	[tilespmem:$0x1E080] =	vst v63  }
0x47: {  	s29 =	simm.s32 @!p2 $0x1;
	s0 =	simm.s32 @!p2 $0x80;
	s3 =	simm.s32 @!p2 $0x80  }
0x48: {  	[tilespmem:s15], [sflag:$0x2] =	stream.indirect.gather @!p2 [hbm4b:s1+s3], $0x80, s0, s3, $0xb8;
	[tilespmem:$0x1E080] =	vst v63  }
0x49: {  	_ =	swait.ge @!p2 [sflag:s29], $0x4000  }
0x4a: {  	s30 =	simm.s32 @!p2 $0x2800;
	p3 =	sle.u32 @!p2 s10, $0x2;
	[sflag:s29] =	ssyncset.done @!p2 $0x0  }
0x4b: {  	s0 =	simm.s32 @!p2 $0x1400;
	[sflag:s29] =	ssyncadd.s32 @!p2 $0xFFFFC000;
	s29 =	simm.s32 @!p2 $0x4  }
0x4c: {  	[spmem:s2] =	stream.indirect.scatter.add.f32 @!p2 [tilespmem:s30], [sflag:$0x4], $0x80, s0, s3, $0xb8;
	[tilespmem:$0x1E080] =	vst v63  }
0x4d: {  	p3 =	por p3, p2;
	_ =	swait.ge @!p2 [sflag:s29], $0x4000  }
0x4e: {  	s31 =	simm.s32 @!p3 $0x2800;
	s0 =	simm.s32 $0x100;
	[sflag:s29] =	ssyncset.done @!p2 $0x0  }
0x4f: {  	s30 =	simm.s32 @!p3 $0x80;
	[sflag:s29] =	ssyncadd.s32 @!p2 $0xFFFFC000;
	s29 =	simm.s32 @!p2 $0x2  }
0x50: {  	[tilespmem:s31], [sflag:$0x1] =	stream.indirect.gather @!p3 [hbm4b:s1+s30], $0x80, s0, s30, $0xb8;
	[tilespmem:$0x1E080] =	vst v63  }
0x51: {  	_ =	swait.ge @!p2 [sflag:s29], $0x4000  }
0x52: {  	s30 =	simm.s32 $0x1480;
	p3 =	por p2, p2;
	[sflag:s29] =	ssyncset.done @!p2 $0x0  }
0x53: {  	s31 =	simm.s32 $0x4;
	s0 =	simm.s32 $0x6;
	[sflag:s29] =	ssyncadd.s32 @!p3 $0xFFFFC000  }
0x54: {  	[spmem:s2] =	stream.indirect.scatter.add.f32 @!p3 [tilespmem:s15], [sflag:$0x3], $0x80, s30, s3, $0xb8;
	[tilespmem:$0x1E080] =	vst v63  }
0x55: {  	p2 =	sle.u32 s13, $0x1;
	s29 =	simm.s32 $0x1580;
	s15 =	simm.s32 @!p3 $0x3  }
0x56: {  	s3 =	simm.s32 $0x1;
	s30 =	simm.s32 $0x200;
	_ =	swait.ge @!p3 [sflag:s15], $0x4000  }
.LBB2_2:
0x57: {  	s16 =	sadd.s32 @!p2 $0xFFFFFF80, s30;
	s22 =	simm.s32 @!p2 $0x80;
	[sflag:s15] =	ssyncset.done @!p3 $0x0  }
0x58: {  	s23 =	simm.s32 @!p2 $0x6800;
	s24 =	simm.s32 @!p2 $0x1;
	[sflag:s15] =	ssyncadd.s32 @!p3 $0xFFFFC000  }
0x59: {  	[tilespmem:s23], [sflag:$0x2] =	stream.indirect.gather @!p2 [hbm4b:s1+s22], $0x80, s16, s22, $0xb8;
	[tilespmem:$0x1E080] =	vst v63  }
0x5a: {  	s15 =	smov.u32 s0;
	s0 =	sadd.s32 $0x2, s0;
	_ =	swait.ge @!p2 [sflag:s24], $0x4000  }
0x5b: {  	s5 =	simm.s32 @!p2 $0x2800;
	s16 =	sadd.s32 @!p2 $0xFFFFFF80, s29;
	[sflag:s24] =	ssyncset.done @!p2 $0x0  }
0x5c: {  	p3 =	sge.u32 @!p2 s31, s10;
	[sflag:s24] =	ssyncadd.s32 @!p2 $0xFFFFC000;
	s24 =	simm.s32 @!p2 $0x4  }
0x5d: {  	[spmem:s2] =	stream.indirect.scatter.add.f32 @!p2 [tilespmem:s5], [sflag:$0x4], $0x80, s16, s22, $0xb8;
	[tilespmem:$0x1E080] =	vst v63  }
0x5e: {  	p4 =	sne.s32 s0, $0x2A;
	p3 =	por p3, p2;
	_ =	swait.ge @!p2 [sflag:s24], $0x4000  }
0x5f: {  	s5 =	simm.s32 @!p3 $0x80;
	s16 =	simm.s32 @!p3 $0x2800;
	[sflag:s24] =	ssyncset.done @!p2 $0x0  }
0x60: {  	s31 =	smov.u32 s15;
	[sflag:s24] =	ssyncadd.s32 @!p2 $0xFFFFC000;
	s24 =	simm.s32 @!p2 $0x2  }
0x61: {  	[tilespmem:s16], [sflag:$0x1] =	stream.indirect.gather @!p3 [hbm4b:s1+s5], $0x80, s30, s5, $0xb8;
	[tilespmem:$0x1E080] =	vst v63  }
.Ltmp2:
0x62: {  	s5 =	smov.u32 s29;
	_ =	swait.ge @!p2 [sflag:s24], $0x4000;
	(pc) =	sbr.rel @p4 .LBB2_2-.Ltmp2, $4  }
0x63: {  	s29 =	sadd.s32 $0x100, s29;
	p3 =	por p2, p2;
	[sflag:s24] =	ssyncset.done @!p2 $0x0  }
0x64: {  	s3 =	sadd.s32 $0x1, s3;
	s15 =	simm.s32 @!p3 $0x3;
	[sflag:s24] =	ssyncadd.s32 @!p3 $0xFFFFC000  }
0x65: {  	[spmem:s2] =	stream.indirect.scatter.add.f32 @!p3 [tilespmem:s23], [sflag:$0x3], $0x80, s5, s22, $0xb8;
	[tilespmem:$0x1E080] =	vst v63  }
0x66: {  	s30 =	sadd.s32 $0x100, s30;
	p2 =	sge.u32 s3, s13;
	_ =	swait.ge @!p3 [sflag:s15], $0x4000  }
0x67: {  	s0 =	sadd.s32 @!p2 $0xFFFFFF80, s30;
	s3 =	simm.s32 @!p2 $0x80;
	[sflag:s15] =	ssyncset.done @!p3 $0x0  }
0x68: {  	s5 =	simm.s32 @!p2 $0x6800;
	s16 =	simm.s32 @!p2 $0x1;
	[sflag:s15] =	ssyncadd.s32 @!p3 $0xFFFFC000  }
0x69: {  	[tilespmem:s5], [sflag:$0x2] =	stream.indirect.gather @!p2 [hbm4b:s1+s3], $0x80, s0, s3, $0xb8;
	[tilespmem:$0x1E080] =	vst v63  }
0x6a: {  	_ =	swait.ge @!p2 [sflag:s16], $0x4000  }
0x6b: {  	s15 =	simm.s32 @!p2 $0x2800;
	p3 =	sge.u32 @!p2 s31, s10;
	[sflag:s16] =	ssyncset.done @!p2 $0x0  }
0x6c: {  	s0 =	sadd.s32 @!p2 $0xFFFFFF80, s29;
	[sflag:s16] =	ssyncadd.s32 @!p2 $0xFFFFC000;
	s16 =	simm.s32 @!p2 $0x4  }
0x6d: {  	[spmem:s2] =	stream.indirect.scatter.add.f32 @!p2 [tilespmem:s15], [sflag:$0x4], $0x80, s0, s3, $0xb8;
	[tilespmem:$0x1E080] =	vst v63  }
0x6e: {  	p3 =	por p3, p2;
	_ =	swait.ge @!p2 [sflag:s16], $0x4000  }
0x6f: {  	s0 =	simm.s32 @!p3 $0x80;
	[sflag:s16] =	ssyncset.done @!p2 $0x0  }
0x70: {  	s15 =	simm.s32 @!p3 $0x2800;
	[sflag:s16] =	ssyncadd.s32 @!p2 $0xFFFFC000;
	s16 =	simm.s32 @!p2 $0x2  }
0x71: {  	[tilespmem:s15], [sflag:$0x1] =	stream.indirect.gather @!p3 [hbm4b:s1+s0], $0x80, s30, s0, $0xb8;
	[tilespmem:$0x1E080] =	vst v63  }
0x72: {  	_ =	swait.ge @!p2 [sflag:s16], $0x4000  }
0x73: {  	[sflag:s16] =	ssyncset.done @!p2 $0x0;
	p2 =	por p2, p2  }
.Ltmp3:
0x74: {  	[sflag:s16] =	ssyncadd.s32 @!p2 $0xFFFFC000;
	s0 =	simm.s32 @!p2 $0x3;
	(pc) =	sbr.rel @p1 .LBB2_7-.Ltmp3, $4  }
0x75: {  	[spmem:s2] =	stream.indirect.scatter.add.f32 @!p2 [tilespmem:s5], [sflag:$0x3], $0x80, s29, s3, $0xb8;
	[tilespmem:$0x1E080] =	vst v63  }
0x76: {  	_ =	swait.ge @!p2 [sflag:s0], $0x4000  }
0x77: {  	[sflag:s0] =	ssyncset.done @!p2 $0x0  }
0x78: {  	[sflag:s0] =	ssyncadd.s32 @!p2 $0xFFFFC000  }
0x79: {  	s0 =	simm.s32 $0x0;
	s3 =	rddreg [dreg:$0x6]  }
0x7a: {  	[tilespmem:s0], [sflag:$0x3] =	stream.linear.gather [hbm4b:s3+s0], $0x1400, $0x38;
	[tilespmem:$0x1E080] =	vst v63  }
0x7b: {  	_ =	swait.ge [sflag:s21], $0x1400  }
0x7c: {  	[sflag:s21] =	ssyncset.done $0x0  }
0x7d: {  	s5 =	simm.s32 $0x1400;
	s22 =	rddreg [dreg:$0x7];
	[sflag:s21] =	ssyncadd.s32 $0xFFFFEC00  }
0x7e: {  	[tilespmem:s5], [sflag:$0x3] =	stream.linear.gather [hbm4b:s22+s0], $0x1400, $0x38;
	[tilespmem:$0x1E080] =	vst v63  }
0x7f: {  	_ =	swait.ge [sflag:s21], $0x1400  }
0x80: {  	s23 =	simm.s32 $0x80;
	p2 =	sle.u32 s17, $0x0;
	[sflag:s21] =	ssyncset.done $0x0  }
0x81: {  	s24 =	simm.s32 $0x2800;
	s3 =	simm.s32 @!p2 $0x80;
	[sflag:s21] =	ssyncadd.s32 $0xFFFFEC00  }
0x82: {  	[tilespmem:s24], [sflag:$0x1] =	stream.indirect.gather [hbm4b:s1+s23], $0x80, s0, s23, $0xb8;
	[tilespmem:$0x1E080] =	vst v63  }
0x83: {  	s15 =	simm.s32 @!p2 $0x1;
	s5 =	simm.s32 @!p2 $0x6800;
	s0 =	simm.s32 @!p2 $0x80  }
0x84: {  	[tilespmem:s5], [sflag:$0x2] =	stream.indirect.gather @!p2 [hbm4b:s1+s3], $0x80, s0, s3, $0xb8;
	[tilespmem:$0x1E080] =	vst v63  }
0x85: {  	_ =	swait.ge @!p2 [sflag:s15], $0x4000  }
0x86: {  	s16 =	simm.s32 @!p2 $0x2800;
	p3 =	sle.u32 @!p2 s14, $0x2;
	[sflag:s15] =	ssyncset.done @!p2 $0x0  }
0x87: {  	s0 =	simm.s32 @!p2 $0x1400;
	[sflag:s15] =	ssyncadd.s32 @!p2 $0xFFFFC000;
	s15 =	simm.s32 @!p2 $0x4  }
0x88: {  	[spmem:s2] =	stream.indirect.scatter.add.f32 @!p2 [tilespmem:s16], [sflag:$0x4], $0x80, s0, s3, $0xb8;
	[tilespmem:$0x1E080] =	vst v63  }
0x89: {  	s31 =	simm.s32 $0x4;
	p3 =	por p3, p2;
	_ =	swait.ge @!p2 [sflag:s15], $0x4000  }
0x8a: {  	s22 =	simm.s32 @!p3 $0x2800;
	s0 =	simm.s32 $0x100;
	[sflag:s15] =	ssyncset.done @!p2 $0x0  }
0x8b: {  	s16 =	simm.s32 @!p3 $0x80;
	[sflag:s15] =	ssyncadd.s32 @!p2 $0xFFFFC000;
	s15 =	simm.s32 @!p2 $0x2  }
0x8c: {  	[tilespmem:s22], [sflag:$0x1] =	stream.indirect.gather @!p3 [hbm4b:s1+s16], $0x80, s0, s16, $0xb8;
	[tilespmem:$0x1E080] =	vst v63  }
0x8d: {  	s29 =	simm.s32 $0x1580;
	s30 =	simm.s32 $0x200;
	_ =	swait.ge @!p2 [sflag:s15], $0x4000  }
0x8e: {  	s16 =	simm.s32 $0x1480;
	p3 =	por p2, p2;
	[sflag:s15] =	ssyncset.done @!p2 $0x0  }
0x8f: {  	s0 =	simm.s32 $0x6;
	[sflag:s15] =	ssyncadd.s32 @!p3 $0xFFFFC000;
	s15 =	simm.s32 @!p3 $0x3  }
0x90: {  	[spmem:s2] =	stream.indirect.scatter.add.f32 @!p3 [tilespmem:s5], [sflag:$0x3], $0x80, s16, s3, $0xb8;
	[tilespmem:$0x1E080] =	vst v63  }
0x91: {  	p2 =	sle.u32 s17, $0x1;
	s3 =	simm.s32 $0x1;
	_ =	swait.ge @!p3 [sflag:s15], $0x4000  }
.LBB2_5:
0x92: {  	s5 =	sadd.s32 @!p2 $0xFFFFFF80, s30;
	s16 =	simm.s32 @!p2 $0x80;
	[sflag:s15] =	ssyncset.done @!p3 $0x0  }
0x93: {  	s22 =	simm.s32 @!p2 $0x6800;
	s23 =	simm.s32 @!p2 $0x1;
	[sflag:s15] =	ssyncadd.s32 @!p3 $0xFFFFC000  }
0x94: {  	[tilespmem:s22], [sflag:$0x2] =	stream.indirect.gather @!p2 [hbm4b:s1+s16], $0x80, s5, s16, $0xb8;
	[tilespmem:$0x1E080] =	vst v63  }
0x95: {  	s5 =	smov.u32 s0;
	s0 =	sadd.s32 $0x2, s0;
	_ =	swait.ge @!p2 [sflag:s23], $0x4000  }
0x96: {  	s24 =	simm.s32 @!p2 $0x2800;
	s15 =	sadd.s32 @!p2 $0xFFFFFF80, s29;
	[sflag:s23] =	ssyncset.done @!p2 $0x0  }
0x97: {  	p3 =	sge.u32 @!p2 s31, s14;
	[sflag:s23] =	ssyncadd.s32 @!p2 $0xFFFFC000;
	s23 =	simm.s32 @!p2 $0x4  }
0x98: {  	[spmem:s2] =	stream.indirect.scatter.add.f32 @!p2 [tilespmem:s24], [sflag:$0x4], $0x80, s15, s16, $0xb8;
	[tilespmem:$0x1E080] =	vst v63  }
0x99: {  	p3 =	por p3, p2;
	p4 =	sne.s32 s0, $0x2A;
	_ =	swait.ge @!p2 [sflag:s23], $0x4000  }
0x9a: {  	s15 =	simm.s32 @!p3 $0x80;
	s24 =	simm.s32 @!p3 $0x2800;
	[sflag:s23] =	ssyncset.done @!p2 $0x0  }
0x9b: {  	s31 =	smov.u32 s5;
	[sflag:s23] =	ssyncadd.s32 @!p2 $0xFFFFC000;
	s23 =	simm.s32 @!p2 $0x2  }
0x9c: {  	[tilespmem:s24], [sflag:$0x1] =	stream.indirect.gather @!p3 [hbm4b:s1+s15], $0x80, s30, s15, $0xb8;
	[tilespmem:$0x1E080] =	vst v63  }
.Ltmp4:
0x9d: {  	s5 =	smov.u32 s29;
	_ =	swait.ge @!p2 [sflag:s23], $0x4000;
	(pc) =	sbr.rel @p4 .LBB2_5-.Ltmp4, $4  }
0x9e: {  	s29 =	sadd.s32 $0x100, s29;
	p3 =	por p2, p2;
	[sflag:s23] =	ssyncset.done @!p2 $0x0  }
0x9f: {  	s3 =	sadd.s32 $0x1, s3;
	s15 =	simm.s32 @!p3 $0x3;
	[sflag:s23] =	ssyncadd.s32 @!p3 $0xFFFFC000  }
0xa0: {  	[spmem:s2] =	stream.indirect.scatter.add.f32 @!p3 [tilespmem:s22], [sflag:$0x3], $0x80, s5, s16, $0xb8;
	[tilespmem:$0x1E080] =	vst v63  }
0xa1: {  	s30 =	sadd.s32 $0x100, s30;
	p2 =	sge.u32 s3, s17;
	_ =	swait.ge @!p3 [sflag:s15], $0x4000  }
.Ltmp5:
0xa2: {  	_ = 	snop;
	(pc) =	sbr.rel .LBB2_6-.Ltmp5, $1  }
0xa3: {  	_ =	sdelay $0x3  }
.LBB2_8:
0xa4: {  	_ =	sfence.sel $0x180000  }
0xa5: {  	[bflag:$0x0] =	sbarrier.arrive $0xFFFF  }
0xa6: {  	_ =	strace $0x9000004A  }
0xa7: {  	s0 =	stileid.u32;
	[bflag:$0x2] =	sbarrier.arrive $0xFFFF  }
0xa8: {  	p0 =	sne.s32 s0, $0x0;
	s0 =	rddreg [dreg:$0x4]  }
0xa9: {  	s0 =	sadd.s32 @!p0 $0x100000, s0  }
0xaa: {  	[sflag:s0] =	ssyncadd.tile.s32 @!p0 $0x1;
	_ =	shalt  }
.Lfunc_end2:
_tile_overlayer_lowered:
.L_overlay_start_2:
0xab: {  	(tag) =	ssettag $0x2  }
0xac: {  	s0 =	rddreg [dreg:$0x0];
	s2 =	stileid.u32  }
0xad: {  	s1 =	rddreg [dreg:$0x1];
	p0 =	sne.s32 s2, $0x0  }
0xae: {  	s3 =	rddreg [dreg:$0x2];
	[bflag:$0x3] =	sbarrier.arrive $0xFFFF;
	s2 =	simm.s32 @!p0 $0x1C03  }
0xaf: {  	[timem:s3], [sflag:s2] =	dma.local @!p0 [hbm:s0], s1  }
0xb0: {  	s0 =	simm.s32 @!p0 $0x3  }
0xb1: {  	_ =	swait.ge @!p0 [sflag:s0], s1  }
0xb2: {  	s1 =	ssub.s32 @!p0 $0x0, s1;
	[sflag:s0] =	ssyncset.done @!p0 $0x0  }
0xb3: {  	[sflag:s0] =	ssyncadd.s32 @!p0 s1  }
0xb4: {  	[bflag:$0x3] =	sbarrier.arrive $0xFFFF  }
0xb5: {  	_ =	shalt  }

// kernel: kernel.14.cloned.1.call-start
scs
__scs_entry_jumppad:
0x0: {  	(pc) =	sbr.rel $0x88, $3  }
0x1: {  	(tag) =	ssettag $0x0;
	lr =	simm.s32 $0x1  }
0x2: {  	[smem:$0x3F97] =	sst lr;
	_ =	strace $0xD0000000  }
0x3: {  	_ = 	snop  }
0x4: {  	_ = 	snop  }
0x5: {  	_ = 	snop  }
0x6: {  	_ = 	snop  }
0x7: {  	_ = 	snop  }
__scs_overlays_trampoline_lowered:
0x8: {  	[smem:$0x3FA6] =	sst s0  }
0x9: {  	[smem:$0x3FA7] =	sst s1  }
0xa: {  	[smem:$0x3FA8] =	sst s2  }
0xb: {  	[smem:$0x3FA9] =	sst s3  }
0xc: {  	[smem:$0x3FAA] =	sst s4  }
0xd: {  	[smem:$0x3FAB] =	sst s5  }
0xe: {  	[smem:$0x3FAC] =	sst s6  }
0xf: {  	[smem:$0x3FAD] =	sst s7  }
0x10: {  	[smem:$0x3FAE] =	sst s8  }
0x11: {  	[smem:$0x3FAF] =	sst s9;
	s0 =	simm.s32 @!p0 $0x0  }
0x12: {  	s1 =	sld [smem:$0x3F95];
	s0 =	simm.s32 @p0 $0x1  }
0x13: {  	[smem:$0x3FB0] =	sst s0;
	s0 =	simm.s32 @!p1 $0x0  }
0x14: {  	s2 =	sld [smem:$0x3F94];
	s0 =	simm.s32 @p1 $0x1  }
0x15: {  	[smem:$0x3FB1] =	sst s0;
	s0 =	simm.s32 @!p2 $0x0  }
0x16: {  	s3 =	sld [smem:$0x3FDB];
	s0 =	simm.s32 @p2 $0x1  }
0x17: {  	s4 =	simm.s32 $0x1BF5;
	[smem:$0x3FB3] =	sst s0  }
0x18: {  	s0 =	sld [smem:$0x3F96];
	_ =	swait.ge [sflag:s4], $0x0  }
0x19: {  	s7 =	sld [smem:$0x3F97]  }
0x1a: {  	s8 =	sadd.s32 $0xFFFFE003, lr  }
0x1b: {  	s9 =	sadd.s32 $0xFFFFFEF7, lr;
	s5 =	simm.s32 $0xFFFFFFFF;
	p2 =	slt.u32 s8, $0xFFFFF086  }
0x1c: {  	p1 =	slt.u32 s9, $0xF7A;
	s5 =	simm.s32 @!p2 $0x0  }
0x1d: {  	s5 =	simm.s32 @p1 $0x1;
	p0 =	seq.s32 s7, s2  }
0x1e: {  	s7 =	smul.u32 @!p0 $0xF7A, s2;
	p2 =	seq.s32 @!p0 s5, $0x0  }
0x1f: {  	s9 =	smul.u32 $0xF7A, s1;
	s8 =	simm.s32 @!p0 $0x1BF5;
	p2 =	por !p2, p0  }
0x20: {  	[sflag:s8] =	ssyncset.s32 @!p0 $0xFFFFF086;
	s6 =	sadd.s32 @!p0 s3, s7;
	s7 =	simm.s32 @!p0 $0x108  }
0x21: {  	s3 =	sadd.s32 s3, s9;
	s6 =	sadd.s32 @!p0 $0x88, s6;
	s7 =	simm.s32 @p2 $0x1082  }
0x22: {  	[simem:s7], [sflag:s8] =	dma.local @!p0 [hbm:s6], $0xF7A  }
0x23: {  	s9 =	sor.u32 $0xD0000000, s2;
	s6 =	simm.s32 $0x108;
	_ =	swait.ge @!p0 [sflag:s8], $0x0  }
0x24: {  	s3 =	sadd.s32 $0x88, s3;
	s6 =	simm.s32 @!p1 $0x1082;
	[sflag:s4] =	ssyncset.s32 $0xFFFFF086  }
0x25: {  	[simem:s6], [sflag:s4] =	dma.local [hbm:s3], $0xF7A  }
0x26: {  	[smem:$0x3F97] =	sst s1;
	(tag) =	ssettag s2;
	_ =	strace s9  }
0x27: {  	s1 =	sld [smem:$0x3FA7]  }
0x28: {  	s2 =	sld [smem:$0x3FA8]  }
0x29: {  	s4 =	sld [smem:$0x3FAA]  }
0x2a: {  	p0 =	seq.s32 s5, $0x0;
	s5 =	sld [smem:$0x3FAB]  }
0x2b: {  	s6 =	sld [smem:$0x3FAC]  }
0x2c: {  	s7 =	sld [smem:$0x3FAD]  }
0x2d: {  	s3 =	simm.s32 $0x108;
	s8 =	sld [smem:$0x3FAE]  }
0x2e: {  	s3 =	simm.s32 @!p0 $0x1082;
	s9 =	sld [smem:$0x3FAF]  }
0x2f: {  	lr =	sadd.s32 s0, s3;
	s0 =	sld [smem:$0x3FA6]  }
0x30: {  	s3 =	sld [smem:$0x3FA9]  }
0x31: {  	[smem:$0x3FB2] =	sst s10  }
0x32: {  	s10 =	sld [smem:$0x3FB0];
	_ =	sdelay $0x3  }
0x33: {  	p0 =	seq.s32 s10, $0x1;
	s10 =	sld [smem:$0x3FB2];
	_ =	sdelay $0x3  }
0x34: {  	[smem:$0x3FB2] =	sst s10  }
0x35: {  	s10 =	sld [smem:$0x3FB1];
	_ =	sdelay $0x3  }
0x36: {  	p1 =	seq.s32 s10, $0x1;
	s10 =	sld [smem:$0x3FB2];
	_ =	sdelay $0x3  }
0x37: {  	[smem:$0x3FB2] =	sst s10  }
0x38: {  	s10 =	sld [smem:$0x3FB3]  }
0x39: {  	_ = 	snop;
	(pc) =	sbr.ind lr, $3  }
0x3a: {  	_ = 	snop  }
0x3b: {  	_ = 	snop  }
0x3c: {  	p2 =	seq.s32 s10, $0x1;
	s10 =	sld [smem:$0x3FB2]  }
0x3d: {  	_ =	shalt  }
0x3e: {  	_ =	shalt  }
0x3f: {  	_ =	shalt  }
0x40: {  	_ =	shalt  }
0x41: {  	_ =	shalt  }
0x42: {  	_ =	shalt  }
0x43: {  	_ =	shalt  }
0x44: {  	_ =	shalt  }
0x45: {  	_ =	shalt  }
0x46: {  	_ =	shalt  }
0x47: {  	_ =	shalt  }
0x48: {  	_ =	shalt  }
0x49: {  	_ =	shalt  }
0x4a: {  	_ =	shalt  }
0x4b: {  	_ =	shalt  }
0x4c: {  	_ =	shalt  }
0x4d: {  	_ =	shalt  }
0x4e: {  	_ =	shalt  }
0x4f: {  	_ =	shalt  }
0x50: {  	_ =	shalt  }
0x51: {  	_ =	shalt  }
0x52: {  	_ =	shalt  }
0x53: {  	_ =	shalt  }
0x54: {  	_ =	shalt  }
0x55: {  	_ =	shalt  }
0x56: {  	_ =	shalt  }
0x57: {  	_ =	shalt  }
0x58: {  	_ =	shalt  }
0x59: {  	_ =	shalt  }
0x5a: {  	_ =	shalt  }
0x5b: {  	_ =	shalt  }
0x5c: {  	_ =	shalt  }
0x5d: {  	_ =	shalt  }
0x5e: {  	_ =	shalt  }
0x5f: {  	_ =	shalt  }
0x60: {  	_ =	shalt  }
0x61: {  	_ =	shalt  }
0x62: {  	_ =	shalt  }
0x63: {  	_ =	shalt  }
0x64: {  	_ =	shalt  }
0x65: {  	_ =	shalt  }
0x66: {  	_ =	shalt  }
0x67: {  	_ =	shalt  }
0x68: {  	_ =	shalt  }
0x69: {  	_ =	shalt  }
0x6a: {  	_ =	shalt  }
0x6b: {  	_ =	shalt  }
0x6c: {  	_ =	shalt  }
0x6d: {  	_ =	shalt  }
0x6e: {  	_ =	shalt  }
0x6f: {  	_ =	shalt  }
0x70: {  	_ =	shalt  }
0x71: {  	_ =	shalt  }
0x72: {  	_ =	shalt  }
0x73: {  	_ =	shalt  }
0x74: {  	_ =	shalt  }
0x75: {  	_ =	shalt  }
0x76: {  	_ =	shalt  }
0x77: {  	_ =	shalt  }
0x78: {  	_ =	shalt  }
0x79: {  	_ =	shalt  }
0x7a: {  	_ =	shalt  }
0x7b: {  	_ =	shalt  }
0x7c: {  	_ =	shalt  }
0x7d: {  	_ =	shalt  }
0x7e: {  	_ =	shalt  }
0x7f: {  	_ =	shalt  }
0x80: {  	_ =	shalt  }
0x81: {  	_ =	shalt  }
0x82: {  	_ =	shalt  }
0x83: {  	_ =	shalt  }
0x84: {  	_ =	shalt  }
0x85: {  	_ =	shalt  }
0x86: {  	_ =	shalt  }
0x87: {  	_ =	shalt  }
.Lfunc_end0:
.L_simem_size_0:
called_computation.2_lowered:
.L_overlay_start_0:
0x88: {  	s2 =	sld [smem:$0x3FD9]  }
0x89: {  	s3 =	sld [smem:$0x3FFE];
	_ =	sdelay $0x1  }
0x8a: {  	s1 =	srdreg.scid  }
0x8b: {  	s0 =	sand.u32 $0x1, s1  }
0x8c: {  	s14 =	sshll.u32 s0, $0xA;
	s2 =	sadd.s32 s3, s2  }
0x8d: {  	s2 =	sadd.s32 s2, s14  }
0x8e: {  	[smem:$0x3FBE] =	sst s2  }
0x8f: {  	_ = 	snop  }
0x90: {  	s2 =	sld [smem:$0x3FD0];
	_ =	sdelay $0x2  }
0x91: {  	s15 =	simm.s32 $0xA;
	s4 =	simm.s32 $0x10  }
0x92: {  	[smem:s4], [sflag:s15] =	dma.local [hbm:s2], $0x1  }
0x93: {  	_ =	swait.eq [sflag:s15], $0x1  }
0x94: {  	[sflag:s15] =	ssyncset.done $0x0  }
0x95: {  	s16 =	sld [smem:$0x10];
	[sflag:s15] =	ssyncadd.s32 $0xFFFFFFFF  }
0x96: {  	s17 =	sld [smem:$0x11];
	(tm) =	ssettm $0x1  }
0x97: {  	s18 =	sld [smem:$0x3FFB];
	_ =	sdelay $0x3  }
0x98: {  	_ =	strace s18  }
0x99: {  	s4 =	sld [smem:$0x3FFC];
	_ =	sdelay $0x3  }
0x9a: {  	_ =	strace s4  }
0x9b: {  	s4 =	sld [smem:$0x3FFD];
	_ =	sdelay $0x3  }
0x9c: {  	_ =	strace s4  }
0x9d: {  	_ =	strace $0x8FFFFFFF  }
0x9e: {  	s19 =	sld [smem:$0x3FDB];
	_ =	sdelay $0x1  }
0x9f: {  	s5 =	simm.s32 $_scs_section_size  }
0xa0: {  	s6 =	simm.s32 $_size__tile_overlayer_lowered;
	s7 =	simm.s32 $_tile_overlayer_lowered  }
0xa1: {  	s22 =	simm.s32 $0x1BFF;
	s21 =	sshll.u32 s7, $0x1;
	s4 =	sadd.s32 s5, s19  }
0xa2: {  	s8 =	simm.s32 $0x0;
	s20 =	sshll.u32 s6, $0x1;
	s6 =	sadd.s32 s21, s4  }
0xa3: {  	[timem:s8], [sflag:s22] =	dma.local [hbm:s6], s20  }
0xa4: {  	_ =	swait.ge [sflag:s22], s20  }
0xa5: {  	s5 =	ssub.s32 $0x0, s20;
	[sflag:s22] =	ssyncset.done $0x0  }
0xa6: {  	[sflag:s22] =	ssyncadd.s32 s5;
	_ =	sdelay $0x1  }
0xa7: {  	s23 =	simm.s32 $0x1B8B  }
0xa8: {  	_ =	swait.ge [sflag:s23], $0x1  }
0xa9: {  	[sflag:s23] =	ssyncset.done $0x0  }
0xaa: {  	s25 =	simm.s32 $0x1B8E;
	s24 =	sld [smem:$0x3FFE];
	[sflag:s23] =	ssyncadd.s32 $0xFFFFFFFF  }
0xab: {  	s26 =	simm.s32 $execute0_lowered;
	[smem:$0x3FD2] =	sst s25  }
0xac: {  	s6 =	sshll.u32 s26, $0x1;
	_ =	strace $0x8000004C;
	[dreg:$0x1] =	wrdreg $0xFFFFFFFF  }
0xad: {  	s28 =	simm.s32 $_size_execute0_lowered;
	s4 =	sadd.s32 s4, s6;
	[dreg:$0x0] =	wrdreg $0x0  }
0xae: {  	s6 =	sshll.u32 s28, $0x1;
	[dreg:$0x2] =	wrdreg s4  }
0xaf: {  	[dreg:$0x3] =	wrdreg s6  }
0xb0: {  	[dreg:$0x4] =	wrdreg $0xC0  }
0xb1: {  	_ =	task [dreg:s8], $0x5FFFF  }
0xb2: {  	[dreg:$0x1] =	wrdreg $0xFFFFFFFF  }
0xb3: {  	[dreg:$0x0] =	wrdreg $0x60  }
0xb4: {  	[dreg:$0x2] =	wrdreg s16  }
0xb5: {  	[dreg:$0x3] =	wrdreg s24  }
0xb6: {  	[dreg:$0x4] =	wrdreg s17  }
0xb7: {  	[dreg:$0x5] =	wrdreg $0xA8000  }
0xb8: {  	[dreg:$0x6] =	wrdreg $0x9  }
0xb9: {  	_ =	task.clear_ibuf [dreg:s8], $0x7FFFF;
	_ =	strace $0x9000004C  }
0xba: {  	s29 =	simm.s32 $0x9;
	_ =	strace $0x8000004E  }
0xbb: {  	_ =	swait.ge [sflag:s29], $0x1  }
0xbc: {  	[sflag:s29] =	ssyncadd.s32 $0xFFFFFFFF  }
0xbd: {  	_ =	strace $0x9000004E  }
0xbe: {  	_ =	sfence  }
0xbf: {  	s30 =	sld [smem:$0x0];
	_ =	sdelay $0x2  }
0xc0: {  	s31 =	sshll.u32 s1, $0xD;
	s1 =	sshrl.u32 s1, $0x2  }
0xc1: {  	s3 =	sand.u32 $0x4000, s31;
	s1 =	sadd.s32 s1, s30  }
0xc2: {  	s0 =	sor.u32 s3, s0;
	s1 =	sshll.u32 s1, $0x11  }
0xc3: {  	s0 =	sor.u32 s1, s0  }
0xc4: {  	s0 =	sadd.s32 $0x8F2B, s0  }
0xc5: {  	[sflag:s0] =	ssyncadd.remote.s32 $0x1  }
0xc6: {  	_ =	sfence.sel $0xFFFF  }
0xc7: {  	[dreg:$0x0] =	wrdreg $0xFFFFFFFF;
	(pc) =	sbr.abs _section_cstart, $3  }
0xc8: {  	[dreg:$0x1] =	wrdreg $0xFFFFFFFF  }
0xc9: {  	_ =	task.clear_ibuf [dreg:s8], $0x2FFFF;
	_ =	strace $0x9FFFFFFF  }
0xca: {  	(tm) =	ssettm $0x7FFFFFFF  }
0xcb: {  	_ =	shalt  }
tec
execute0_lowered:
.L_overlay_start_1:
0x0: {  	(tag) =	ssettag $0x1  }
0x1: {  	s1 =	rddreg [dreg:$0x0]  }
0x2: {  	s0 =	rddreg [dreg:$0x1]  }
0x3: {  	s3 =	rddreg [dreg:$0x2]  }
0x4: {  	s2 =	rddreg [dreg:$0x3]  }
0x5: {  	s5 =	srdreg.scid;
	s4 =	simm.s32 $0x0;
	s21 =	stileid.u32  }
0x6: {  	s13 =	sand.u32 $0x1, s5;
	[smem:$0x7FF] =	sst s4;
	s15 =	sadd.s32 $0x3200, s0  }
0x7: {  	s16 =	sadd.s32 $0xD200, s0;
	s0 =	sadd.s32 $0x65400, s0;
	s6 =	smul.u32 $0x4E000, s21  }
0x8: {  	s17 =	smul.u32 $0x13800, s21;
	s23 =	sshll.u32 s21, $0x6;
	s8 =	sadd.s32 $0x138000, s2  }
0x9: {  	s5 =	sshll.u32 s13, $0x4;
	_ =	strace $0x8000004D;
	s18 =	ssub.s32 $0x2, s13  }
0xa: {  	s9 =	sor.u32 s21, s5;
	s7 =	sshrl.u32 s18, $0x1;
	s19 =	sshrl.u32 s6, $0x2  }
0xb: {  	s22 =	sshrl.u32 s17, $0x3;
	s25 =	smul.u32 $0xFFFFFFB0, s9;
	s20 =	ssub.s32 s18, s7  }
0xc: {  	s5 =	sadd.s32 s19, s2;
	s6 =	sadd.s32 s3, s22;
	s12 =	smul.u32 $0x500, s9  }
0xd: {  	s7 =	sor.u32 $0x1C03, s23;
	s14 =	smul.u32 $0x2800, s9;
	s9 =	sadd.s32 $0x27000, s3  }
0xe: {  	s18 =	smul.u32 $0x138800, s13;
	[dreg:$0x5] =	wrdreg s5;
	s20 =	smax.u32 s20, $0x1  }
0xf: {  	p0 =	slt.s32 s25, $0xFFFFF68C;
	s11 =	sadd.s32 s15, s12;
	s12 =	sadd.s32 s16, s12  }
0x10: {  	s24 =	sshrl.u32 s14, $0x3;
	s29 =	sadd.s32 s17, s18;
	s31 =	sshrl.u32 s18, $0x3  }
0x11: {  	s25 =	simm.s32 @!p0 $0xFFFFF68C;
	s3 =	sadd.s32 $0x280, s24;
	s30 =	sshrl.u32 s29, $0x3  }
0x12: {  	p0 =	sne.s32 s21, $0xF;
	s21 =	simm.s32 $0x3;
	s10 =	smin.u32 s25, $0xFFFFF664  }
.Ltmp0:
0x13: {  	s26 =	smax.u32 s25, $0xFFFFF664;
	s28 =	sadd.s32 s15, s3;
	(pc) =	sbr.rel .LBB2_1-.Ltmp0, $4  }
0x14: {  	s3 =	sadd.s32 s16, s3;
	s18 =	sadd.s32 s0, s30;
	s0 =	sadd.s32 s0, s31  }
0x15: {  	p1 =	slt.u32 s25, $0xFFFFF665;
	s25 =	simm.s32 $0x0;
	[dreg:$0x6] =	wrdreg s28  }
0x16: {  	s10 =	sadd.s32 $0x9C4, s10;
	s14 =	sadd.s32 $0x99C, s26;
	[dreg:$0x7] =	wrdreg s3  }
0x17: {  	s19 =	sadd.s32 $0x27000, s0;
	s13 =	sshrl.u32 s10, $0x1;
	s17 =	sshrl.u32 s14, $0x1  }
.LBB2_6:
0x18: {  	s0 =	sadd.s32 @!p2 $0xFFFFFF80, s30;
	s3 =	simm.s32 @!p2 $0x80;
	[sflag:s15] =	ssyncset.done @!p3 $0x0  }
0x19: {  	s5 =	simm.s32 @!p2 $0x6800;
	s16 =	simm.s32 @!p2 $0x1;
	[sflag:s15] =	ssyncadd.s32 @!p3 $0xFFFFC000  }
0x1a: {  	[tilespmem:s5], [sflag:$0x2] =	stream.indirect.gather @!p2 [hbm4b:s1+s3], $0x80, s0, s3, $0xb8;
	[tilespmem:$0x1E080] =	vst v63  }
0x1b: {  	_ =	swait.ge @!p2 [sflag:s16], $0x4000  }
0x1c: {  	s15 =	simm.s32 @!p2 $0x2800;
	p3 =	sge.u32 @!p2 s31, s14;
	[sflag:s16] =	ssyncset.done @!p2 $0x0  }
0x1d: {  	s0 =	sadd.s32 @!p2 $0xFFFFFF80, s29;
	[sflag:s16] =	ssyncadd.s32 @!p2 $0xFFFFC000;
	s16 =	simm.s32 @!p2 $0x4  }
0x1e: {  	[spmem:s2] =	stream.indirect.scatter.add.f32 @!p2 [tilespmem:s15], [sflag:$0x4], $0x80, s0, s3, $0xb8;
	[tilespmem:$0x1E080] =	vst v63  }
0x1f: {  	p3 =	por p3, p2;
	_ =	swait.ge @!p2 [sflag:s16], $0x4000  }
0x20: {  	s0 =	simm.s32 @!p3 $0x80;
	[sflag:s16] =	ssyncset.done @!p2 $0x0  }
0x21: {  	s15 =	simm.s32 @!p3 $0x2800;
	[sflag:s16] =	ssyncadd.s32 @!p2 $0xFFFFC000;
	s16 =	simm.s32 @!p2 $0x2  }
0x22: {  	[tilespmem:s15], [sflag:$0x1] =	stream.indirect.gather @!p3 [hbm4b:s1+s0], $0x80, s30, s0, $0xb8;
	[tilespmem:$0x1E080] =	vst v63  }
0x23: {  	_ =	swait.ge @!p2 [sflag:s16], $0x4000  }
0x24: {  	[sflag:s16] =	ssyncset.done @!p2 $0x0;
	p2 =	por p2, p2  }
0x25: {  	[sflag:s16] =	ssyncadd.s32 @!p2 $0xFFFFC000;
	s0 =	simm.s32 @!p2 $0x3  }
0x26: {  	[spmem:s2] =	stream.indirect.scatter.add.f32 @!p2 [tilespmem:s5], [sflag:$0x3], $0x80, s29, s3, $0xb8;
	[tilespmem:$0x1E080] =	vst v63  }
0x27: {  	_ =	swait.ge @!p2 [sflag:s0], $0x4000  }
0x28: {  	[sflag:s0] =	ssyncset.done @!p2 $0x0  }
0x29: {  	[sflag:s0] =	ssyncadd.s32 @!p2 $0xFFFFC000  }
.LBB2_7:
0x2a: {  	[bflag:$0x0] =	sbarrier.arrive $0xFFFF  }
0x2b: {  	[hbm:s18], [sflag:s7] =	dma.local [spmem:s26], $0x2700  }
0x2c: {  	s25 =	sadd.s32 $0x1, s25;
	_ =	swait.ge [sflag:s21], $0x2700  }
0x2d: {  	p2 =	sne.s32 s25, s20;
	[sflag:s21] =	ssyncset.done $0x0  }
.Ltmp1:
0x2e: {  	s0 =	simm.s32 @!p0 $0x3;
	[sflag:s21] =	ssyncadd.s32 $0xFFFFD900;
	(pc) =	sbr.rel @!p2 .LBB2_8-.Ltmp1, $4  }
0x2f: {  	[hbm:s19], [sflag:s7] =	dma.local @!p0 [spmem:s28], $0x100  }
0x30: {  	_ =	swait.ge @!p0 [sflag:s0], $0x100  }
0x31: {  	[sflag:s0] =	ssyncset.done @!p0 $0x0  }
0x32: {  	[sflag:s0] =	ssyncadd.s32 @!p0 $0xFFFFFF00  }
.LBB2_1:
0x33: {  	s0 =	rddreg [dreg:$0x5]  }
0x34: {  	s26 =	sshrl.u32 s0, $0x3  }
0x35: {  	[spmem:s26], [sflag:s7] =	dma.local [hbm:s6], $0x2700  }
0x36: {  	_ =	swait.ge [sflag:s21], $0x2700  }
0x37: {  	[sflag:s21] =	ssyncset.done $0x0  }
0x38: {  	s28 =	sshrl.u32 @!p0 s8, $0x3;
	s0 =	simm.s32 @!p0 $0x3;
	[sflag:s21] =	ssyncadd.s32 $0xFFFFD900  }
0x39: {  	[spmem:s28], [sflag:s7] =	dma.local @!p0 [hbm:s9], $0x100  }
0x3a: {  	_ =	swait.ge @!p0 [sflag:s0], $0x100  }
0x3b: {  	[sflag:s0] =	ssyncset.done @!p0 $0x0  }
0x3c: {  	[sflag:s0] =	ssyncadd.s32 @!p0 $0xFFFFFF00  }
0x3d: {  	[bflag:$0x0] =	sbarrier.arrive $0xFFFF  }
0x3e: {  	[tilespmem:s4], [sflag:$0x3] =	stream.linear.gather [hbm4b:s11+s4], $0x1400, $0x38;
	[tilespmem:$0x1E080] =	vst v63  }
0x3f: {  	_ =	swait.ge [sflag:s21], $0x1400  }
0x40: {  	[sflag:s21] =	ssyncset.done $0x0  }
0x41: {  	s23 =	simm.s32 $0x1400;
	[sflag:s21] =	ssyncadd.s32 $0xFFFFEC00  }
0x42: {  	[tilespmem:s23], [sflag:$0x3] =	stream.linear.gather [hbm4b:s12+s4], $0x1400, $0x38;
	[tilespmem:$0x1E080] =	vst v63  }
0x43: {  	_ =	swait.ge [sflag:s21], $0x1400  }
0x44: {  	s24 =	simm.s32 $0x80;
	p2 =	sle.u32 s13, $0x0;
	[sflag:s21] =	ssyncset.done $0x0  }
0x45: {  	s3 =	simm.s32 $0x2800;
	s15 =	simm.s32 @!p2 $0x6800;
	[sflag:s21] =	ssyncadd.s32 $0xFFFFEC00  }
0x46: {  	[tilespmem:s3], [sflag:$0x1] =	stream.indirect.gather [hbm4b:s1+s24], $0x80, s4, s24, $0xb8;
	[tilespmem:$0x1E080] =	vst v63  }
0x47: {  	s29 =	simm.s32 @!p2 $0x1;
	s0 =	simm.s32 @!p2 $0x80;
	s3 =	simm.s32 @!p2 $0x80  }
0x48: {  	[tilespmem:s15], [sflag:$0x2] =	stream.indirect.gather @!p2 [hbm4b:s1+s3], $0x80, s0, s3, $0xb8;
	[tilespmem:$0x1E080] =	vst v63  }
0x49: {  	_ =	swait.ge @!p2 [sflag:s29], $0x4000  }
0x4a: {  	s30 =	simm.s32 @!p2 $0x2800;
	p3 =	sle.u32 @!p2 s10, $0x2;
	[sflag:s29] =	ssyncset.done @!p2 $0x0  }
0x4b: {  	s0 =	simm.s32 @!p2 $0x1400;
	[sflag:s29] =	ssyncadd.s32 @!p2 $0xFFFFC000;
	s29 =	simm.s32 @!p2 $0x4  }
0x4c: {  	[spmem:s2] =	stream.indirect.scatter.add.f32 @!p2 [tilespmem:s30], [sflag:$0x4], $0x80, s0, s3, $0xb8;
	[tilespmem:$0x1E080] =	vst v63  }
0x4d: {  	p3 =	por p3, p2;
	_ =	swait.ge @!p2 [sflag:s29], $0x4000  }
0x4e: {  	s31 =	simm.s32 @!p3 $0x2800;
	s0 =	simm.s32 $0x100;
	[sflag:s29] =	ssyncset.done @!p2 $0x0  }
0x4f: {  	s30 =	simm.s32 @!p3 $0x80;
	[sflag:s29] =	ssyncadd.s32 @!p2 $0xFFFFC000;
	s29 =	simm.s32 @!p2 $0x2  }
0x50: {  	[tilespmem:s31], [sflag:$0x1] =	stream.indirect.gather @!p3 [hbm4b:s1+s30], $0x80, s0, s30, $0xb8;
	[tilespmem:$0x1E080] =	vst v63  }
0x51: {  	_ =	swait.ge @!p2 [sflag:s29], $0x4000  }
0x52: {  	s30 =	simm.s32 $0x1480;
	p3 =	por p2, p2;
	[sflag:s29] =	ssyncset.done @!p2 $0x0  }
0x53: {  	s31 =	simm.s32 $0x4;
	s0 =	simm.s32 $0x6;
	[sflag:s29] =	ssyncadd.s32 @!p3 $0xFFFFC000  }
0x54: {  	[spmem:s2] =	stream.indirect.scatter.add.f32 @!p3 [tilespmem:s15], [sflag:$0x3], $0x80, s30, s3, $0xb8;
	[tilespmem:$0x1E080] =	vst v63  }
0x55: {  	p2 =	sle.u32 s13, $0x1;
	s29 =	simm.s32 $0x1580;
	s15 =	simm.s32 @!p3 $0x3  }
0x56: {  	s3 =	simm.s32 $0x1;
	s30 =	simm.s32 $0x200;
	_ =	swait.ge @!p3 [sflag:s15], $0x4000  }
.LBB2_2:
0x57: {  	s16 =	sadd.s32 @!p2 $0xFFFFFF80, s30;
	s22 =	simm.s32 @!p2 $0x80;
	[sflag:s15] =	ssyncset.done @!p3 $0x0  }
0x58: {  	s23 =	simm.s32 @!p2 $0x6800;
	s24 =	simm.s32 @!p2 $0x1;
	[sflag:s15] =	ssyncadd.s32 @!p3 $0xFFFFC000  }
0x59: {  	[tilespmem:s23], [sflag:$0x2] =	stream.indirect.gather @!p2 [hbm4b:s1+s22], $0x80, s16, s22, $0xb8;
	[tilespmem:$0x1E080] =	vst v63  }
0x5a: {  	s15 =	smov.u32 s0;
	s0 =	sadd.s32 $0x2, s0;
	_ =	swait.ge @!p2 [sflag:s24], $0x4000  }
0x5b: {  	s5 =	simm.s32 @!p2 $0x2800;
	s16 =	sadd.s32 @!p2 $0xFFFFFF80, s29;
	[sflag:s24] =	ssyncset.done @!p2 $0x0  }
0x5c: {  	p3 =	sge.u32 @!p2 s31, s10;
	[sflag:s24] =	ssyncadd.s32 @!p2 $0xFFFFC000;
	s24 =	simm.s32 @!p2 $0x4  }
0x5d: {  	[spmem:s2] =	stream.indirect.scatter.add.f32 @!p2 [tilespmem:s5], [sflag:$0x4], $0x80, s16, s22, $0xb8;
	[tilespmem:$0x1E080] =	vst v63  }
0x5e: {  	p4 =	sne.s32 s0, $0x2A;
	p3 =	por p3, p2;
	_ =	swait.ge @!p2 [sflag:s24], $0x4000  }
0x5f: {  	s5 =	simm.s32 @!p3 $0x80;
	s16 =	simm.s32 @!p3 $0x2800;
	[sflag:s24] =	ssyncset.done @!p2 $0x0  }
0x60: {  	s31 =	smov.u32 s15;
	[sflag:s24] =	ssyncadd.s32 @!p2 $0xFFFFC000;
	s24 =	simm.s32 @!p2 $0x2  }
0x61: {  	[tilespmem:s16], [sflag:$0x1] =	stream.indirect.gather @!p3 [hbm4b:s1+s5], $0x80, s30, s5, $0xb8;
	[tilespmem:$0x1E080] =	vst v63  }
.Ltmp2:
0x62: {  	s5 =	smov.u32 s29;
	_ =	swait.ge @!p2 [sflag:s24], $0x4000;
	(pc) =	sbr.rel @p4 .LBB2_2-.Ltmp2, $4  }
0x63: {  	s29 =	sadd.s32 $0x100, s29;
	p3 =	por p2, p2;
	[sflag:s24] =	ssyncset.done @!p2 $0x0  }
0x64: {  	s3 =	sadd.s32 $0x1, s3;
	s15 =	simm.s32 @!p3 $0x3;
	[sflag:s24] =	ssyncadd.s32 @!p3 $0xFFFFC000  }
0x65: {  	[spmem:s2] =	stream.indirect.scatter.add.f32 @!p3 [tilespmem:s23], [sflag:$0x3], $0x80, s5, s22, $0xb8;
	[tilespmem:$0x1E080] =	vst v63  }
0x66: {  	s30 =	sadd.s32 $0x100, s30;
	p2 =	sge.u32 s3, s13;
	_ =	swait.ge @!p3 [sflag:s15], $0x4000  }
0x67: {  	s0 =	sadd.s32 @!p2 $0xFFFFFF80, s30;
	s3 =	simm.s32 @!p2 $0x80;
	[sflag:s15] =	ssyncset.done @!p3 $0x0  }
0x68: {  	s5 =	simm.s32 @!p2 $0x6800;
	s16 =	simm.s32 @!p2 $0x1;
	[sflag:s15] =	ssyncadd.s32 @!p3 $0xFFFFC000  }
0x69: {  	[tilespmem:s5], [sflag:$0x2] =	stream.indirect.gather @!p2 [hbm4b:s1+s3], $0x80, s0, s3, $0xb8;
	[tilespmem:$0x1E080] =	vst v63  }
0x6a: {  	_ =	swait.ge @!p2 [sflag:s16], $0x4000  }
0x6b: {  	s15 =	simm.s32 @!p2 $0x2800;
	p3 =	sge.u32 @!p2 s31, s10;
	[sflag:s16] =	ssyncset.done @!p2 $0x0  }
0x6c: {  	s0 =	sadd.s32 @!p2 $0xFFFFFF80, s29;
	[sflag:s16] =	ssyncadd.s32 @!p2 $0xFFFFC000;
	s16 =	simm.s32 @!p2 $0x4  }
0x6d: {  	[spmem:s2] =	stream.indirect.scatter.add.f32 @!p2 [tilespmem:s15], [sflag:$0x4], $0x80, s0, s3, $0xb8;
	[tilespmem:$0x1E080] =	vst v63  }
0x6e: {  	p3 =	por p3, p2;
	_ =	swait.ge @!p2 [sflag:s16], $0x4000  }
0x6f: {  	s0 =	simm.s32 @!p3 $0x80;
	[sflag:s16] =	ssyncset.done @!p2 $0x0  }
0x70: {  	s15 =	simm.s32 @!p3 $0x2800;
	[sflag:s16] =	ssyncadd.s32 @!p2 $0xFFFFC000;
	s16 =	simm.s32 @!p2 $0x2  }
0x71: {  	[tilespmem:s15], [sflag:$0x1] =	stream.indirect.gather @!p3 [hbm4b:s1+s0], $0x80, s30, s0, $0xb8;
	[tilespmem:$0x1E080] =	vst v63  }
0x72: {  	_ =	swait.ge @!p2 [sflag:s16], $0x4000  }
0x73: {  	[sflag:s16] =	ssyncset.done @!p2 $0x0;
	p2 =	por p2, p2  }
.Ltmp3:
0x74: {  	[sflag:s16] =	ssyncadd.s32 @!p2 $0xFFFFC000;
	s0 =	simm.s32 @!p2 $0x3;
	(pc) =	sbr.rel @p1 .LBB2_7-.Ltmp3, $4  }
0x75: {  	[spmem:s2] =	stream.indirect.scatter.add.f32 @!p2 [tilespmem:s5], [sflag:$0x3], $0x80, s29, s3, $0xb8;
	[tilespmem:$0x1E080] =	vst v63  }
0x76: {  	_ =	swait.ge @!p2 [sflag:s0], $0x4000  }
0x77: {  	[sflag:s0] =	ssyncset.done @!p2 $0x0  }
0x78: {  	[sflag:s0] =	ssyncadd.s32 @!p2 $0xFFFFC000  }
0x79: {  	s0 =	simm.s32 $0x0;
	s3 =	rddreg [dreg:$0x6]  }
0x7a: {  	[tilespmem:s0], [sflag:$0x3] =	stream.linear.gather [hbm4b:s3+s0], $0x1400, $0x38;
	[tilespmem:$0x1E080] =	vst v63  }
0x7b: {  	_ =	swait.ge [sflag:s21], $0x1400  }
0x7c: {  	[sflag:s21] =	ssyncset.done $0x0  }
0x7d: {  	s5 =	simm.s32 $0x1400;
	s22 =	rddreg [dreg:$0x7];
	[sflag:s21] =	ssyncadd.s32 $0xFFFFEC00  }
0x7e: {  	[tilespmem:s5], [sflag:$0x3] =	stream.linear.gather [hbm4b:s22+s0], $0x1400, $0x38;
	[tilespmem:$0x1E080] =	vst v63  }
0x7f: {  	_ =	swait.ge [sflag:s21], $0x1400  }
0x80: {  	s23 =	simm.s32 $0x80;
	p2 =	sle.u32 s17, $0x0;
	[sflag:s21] =	ssyncset.done $0x0  }
0x81: {  	s24 =	simm.s32 $0x2800;
	s3 =	simm.s32 @!p2 $0x80;
	[sflag:s21] =	ssyncadd.s32 $0xFFFFEC00  }
0x82: {  	[tilespmem:s24], [sflag:$0x1] =	stream.indirect.gather [hbm4b:s1+s23], $0x80, s0, s23, $0xb8;
	[tilespmem:$0x1E080] =	vst v63  }
0x83: {  	s15 =	simm.s32 @!p2 $0x1;
	s5 =	simm.s32 @!p2 $0x6800;
	s0 =	simm.s32 @!p2 $0x80  }
0x84: {  	[tilespmem:s5], [sflag:$0x2] =	stream.indirect.gather @!p2 [hbm4b:s1+s3], $0x80, s0, s3, $0xb8;
	[tilespmem:$0x1E080] =	vst v63  }
0x85: {  	_ =	swait.ge @!p2 [sflag:s15], $0x4000  }
0x86: {  	s16 =	simm.s32 @!p2 $0x2800;
	p3 =	sle.u32 @!p2 s14, $0x2;
	[sflag:s15] =	ssyncset.done @!p2 $0x0  }
0x87: {  	s0 =	simm.s32 @!p2 $0x1400;
	[sflag:s15] =	ssyncadd.s32 @!p2 $0xFFFFC000;
	s15 =	simm.s32 @!p2 $0x4  }
0x88: {  	[spmem:s2] =	stream.indirect.scatter.add.f32 @!p2 [tilespmem:s16], [sflag:$0x4], $0x80, s0, s3, $0xb8;
	[tilespmem:$0x1E080] =	vst v63  }
0x89: {  	s31 =	simm.s32 $0x4;
	p3 =	por p3, p2;
	_ =	swait.ge @!p2 [sflag:s15], $0x4000  }
0x8a: {  	s22 =	simm.s32 @!p3 $0x2800;
	s0 =	simm.s32 $0x100;
	[sflag:s15] =	ssyncset.done @!p2 $0x0  }
0x8b: {  	s16 =	simm.s32 @!p3 $0x80;
	[sflag:s15] =	ssyncadd.s32 @!p2 $0xFFFFC000;
	s15 =	simm.s32 @!p2 $0x2  }
0x8c: {  	[tilespmem:s22], [sflag:$0x1] =	stream.indirect.gather @!p3 [hbm4b:s1+s16], $0x80, s0, s16, $0xb8;
	[tilespmem:$0x1E080] =	vst v63  }
0x8d: {  	s29 =	simm.s32 $0x1580;
	s30 =	simm.s32 $0x200;
	_ =	swait.ge @!p2 [sflag:s15], $0x4000  }
0x8e: {  	s16 =	simm.s32 $0x1480;
	p3 =	por p2, p2;
	[sflag:s15] =	ssyncset.done @!p2 $0x0  }
0x8f: {  	s0 =	simm.s32 $0x6;
	[sflag:s15] =	ssyncadd.s32 @!p3 $0xFFFFC000;
	s15 =	simm.s32 @!p3 $0x3  }
0x90: {  	[spmem:s2] =	stream.indirect.scatter.add.f32 @!p3 [tilespmem:s5], [sflag:$0x3], $0x80, s16, s3, $0xb8;
	[tilespmem:$0x1E080] =	vst v63  }
0x91: {  	p2 =	sle.u32 s17, $0x1;
	s3 =	simm.s32 $0x1;
	_ =	swait.ge @!p3 [sflag:s15], $0x4000  }
.LBB2_5:
0x92: {  	s5 =	sadd.s32 @!p2 $0xFFFFFF80, s30;
	s16 =	simm.s32 @!p2 $0x80;
	[sflag:s15] =	ssyncset.done @!p3 $0x0  }
0x93: {  	s22 =	simm.s32 @!p2 $0x6800;
	s23 =	simm.s32 @!p2 $0x1;
	[sflag:s15] =	ssyncadd.s32 @!p3 $0xFFFFC000  }
0x94: {  	[tilespmem:s22], [sflag:$0x2] =	stream.indirect.gather @!p2 [hbm4b:s1+s16], $0x80, s5, s16, $0xb8;
	[tilespmem:$0x1E080] =	vst v63  }
0x95: {  	s5 =	smov.u32 s0;
	s0 =	sadd.s32 $0x2, s0;
	_ =	swait.ge @!p2 [sflag:s23], $0x4000  }
0x96: {  	s24 =	simm.s32 @!p2 $0x2800;
	s15 =	sadd.s32 @!p2 $0xFFFFFF80, s29;
	[sflag:s23] =	ssyncset.done @!p2 $0x0  }
0x97: {  	p3 =	sge.u32 @!p2 s31, s14;
	[sflag:s23] =	ssyncadd.s32 @!p2 $0xFFFFC000;
	s23 =	simm.s32 @!p2 $0x4  }
0x98: {  	[spmem:s2] =	stream.indirect.scatter.add.f32 @!p2 [tilespmem:s24], [sflag:$0x4], $0x80, s15, s16, $0xb8;
	[tilespmem:$0x1E080] =	vst v63  }
0x99: {  	p3 =	por p3, p2;
	p4 =	sne.s32 s0, $0x2A;
	_ =	swait.ge @!p2 [sflag:s23], $0x4000  }
0x9a: {  	s15 =	simm.s32 @!p3 $0x80;
	s24 =	simm.s32 @!p3 $0x2800;
	[sflag:s23] =	ssyncset.done @!p2 $0x0  }
0x9b: {  	s31 =	smov.u32 s5;
	[sflag:s23] =	ssyncadd.s32 @!p2 $0xFFFFC000;
	s23 =	simm.s32 @!p2 $0x2  }
0x9c: {  	[tilespmem:s24], [sflag:$0x1] =	stream.indirect.gather @!p3 [hbm4b:s1+s15], $0x80, s30, s15, $0xb8;
	[tilespmem:$0x1E080] =	vst v63  }
.Ltmp4:
0x9d: {  	s5 =	smov.u32 s29;
	_ =	swait.ge @!p2 [sflag:s23], $0x4000;
	(pc) =	sbr.rel @p4 .LBB2_5-.Ltmp4, $4  }
0x9e: {  	s29 =	sadd.s32 $0x100, s29;
	p3 =	por p2, p2;
	[sflag:s23] =	ssyncset.done @!p2 $0x0  }
0x9f: {  	s3 =	sadd.s32 $0x1, s3;
	s15 =	simm.s32 @!p3 $0x3;
	[sflag:s23] =	ssyncadd.s32 @!p3 $0xFFFFC000  }
0xa0: {  	[spmem:s2] =	stream.indirect.scatter.add.f32 @!p3 [tilespmem:s22], [sflag:$0x3], $0x80, s5, s16, $0xb8;
	[tilespmem:$0x1E080] =	vst v63  }
0xa1: {  	s30 =	sadd.s32 $0x100, s30;
	p2 =	sge.u32 s3, s17;
	_ =	swait.ge @!p3 [sflag:s15], $0x4000  }
.Ltmp5:
0xa2: {  	_ = 	snop;
	(pc) =	sbr.rel .LBB2_6-.Ltmp5, $1  }
0xa3: {  	_ =	sdelay $0x3  }
.LBB2_8:
0xa4: {  	_ =	sfence.sel $0x180000  }
0xa5: {  	[bflag:$0x0] =	sbarrier.arrive $0xFFFF  }
0xa6: {  	_ =	strace $0x9000004D  }
0xa7: {  	s0 =	stileid.u32;
	[bflag:$0x2] =	sbarrier.arrive $0xFFFF  }
0xa8: {  	p0 =	sne.s32 s0, $0x0;
	s0 =	rddreg [dreg:$0x4]  }
0xa9: {  	s0 =	sadd.s32 @!p0 $0x100000, s0  }
0xaa: {  	[sflag:s0] =	ssyncadd.tile.s32 @!p0 $0x1;
	_ =	shalt  }
.Lfunc_end2:
_tile_overlayer_lowered:
.L_overlay_start_2:
0xab: {  	(tag) =	ssettag $0x2  }
0xac: {  	s0 =	rddreg [dreg:$0x0];
	s2 =	stileid.u32  }
0xad: {  	s1 =	rddreg [dreg:$0x1];
	p0 =	sne.s32 s2, $0x0  }
0xae: {  	s3 =	rddreg [dreg:$0x2];
	[bflag:$0x3] =	sbarrier.arrive $0xFFFF;
	s2 =	simm.s32 @!p0 $0x1C03  }
0xaf: {  	[timem:s3], [sflag:s2] =	dma.local @!p0 [hbm:s0], s1  }
0xb0: {  	s0 =	simm.s32 @!p0 $0x3  }
0xb1: {  	_ =	swait.ge @!p0 [sflag:s0], s1  }
0xb2: {  	s1 =	ssub.s32 @!p0 $0x0, s1;
	[sflag:s0] =	ssyncset.done @!p0 $0x0  }
0xb3: {  	[sflag:s0] =	ssyncadd.s32 @!p0 s1  }
0xb4: {  	[bflag:$0x3] =	sbarrier.arrive $0xFFFF  }
0xb5: {  	_ =	shalt  }

// kernel: kernel.8.cloned.1.call-start
scs
__scs_entry_jumppad:
0x0: {  	(pc) =	sbr.rel $0x88, $3  }
0x1: {  	(tag) =	ssettag $0x0;
	lr =	simm.s32 $0x1  }
0x2: {  	[smem:$0x3F97] =	sst lr;
	_ =	strace $0xD0000000  }
0x3: {  	_ = 	snop  }
0x4: {  	_ = 	snop  }
0x5: {  	_ = 	snop  }
0x6: {  	_ = 	snop  }
0x7: {  	_ = 	snop  }
__scs_overlays_trampoline_lowered:
0x8: {  	[smem:$0x3FA6] =	sst s0  }
0x9: {  	[smem:$0x3FA7] =	sst s1  }
0xa: {  	[smem:$0x3FA8] =	sst s2  }
0xb: {  	[smem:$0x3FA9] =	sst s3  }
0xc: {  	[smem:$0x3FAA] =	sst s4  }
0xd: {  	[smem:$0x3FAB] =	sst s5  }
0xe: {  	[smem:$0x3FAC] =	sst s6  }
0xf: {  	[smem:$0x3FAD] =	sst s7  }
0x10: {  	[smem:$0x3FAE] =	sst s8  }
0x11: {  	[smem:$0x3FAF] =	sst s9;
	s0 =	simm.s32 @!p0 $0x0  }
0x12: {  	s1 =	sld [smem:$0x3F95];
	s0 =	simm.s32 @p0 $0x1  }
0x13: {  	[smem:$0x3FB0] =	sst s0;
	s0 =	simm.s32 @!p1 $0x0  }
0x14: {  	s2 =	sld [smem:$0x3F94];
	s0 =	simm.s32 @p1 $0x1  }
0x15: {  	[smem:$0x3FB1] =	sst s0;
	s0 =	simm.s32 @!p2 $0x0  }
0x16: {  	s3 =	sld [smem:$0x3FDB];
	s0 =	simm.s32 @p2 $0x1  }
0x17: {  	s4 =	simm.s32 $0x1BF5;
	[smem:$0x3FB3] =	sst s0  }
0x18: {  	s0 =	sld [smem:$0x3F96];
	_ =	swait.ge [sflag:s4], $0x0  }
0x19: {  	s7 =	sld [smem:$0x3F97]  }
0x1a: {  	s8 =	sadd.s32 $0xFFFFE003, lr  }
0x1b: {  	s9 =	sadd.s32 $0xFFFFFEF7, lr;
	s5 =	simm.s32 $0xFFFFFFFF;
	p2 =	slt.u32 s8, $0xFFFFF086  }
0x1c: {  	p1 =	slt.u32 s9, $0xF7A;
	s5 =	simm.s32 @!p2 $0x0  }
0x1d: {  	s5 =	simm.s32 @p1 $0x1;
	p0 =	seq.s32 s7, s2  }
0x1e: {  	s7 =	smul.u32 @!p0 $0xF7A, s2;
	p2 =	seq.s32 @!p0 s5, $0x0  }
0x1f: {  	s9 =	smul.u32 $0xF7A, s1;
	s8 =	simm.s32 @!p0 $0x1BF5;
	p2 =	por !p2, p0  }
0x20: {  	[sflag:s8] =	ssyncset.s32 @!p0 $0xFFFFF086;
	s6 =	sadd.s32 @!p0 s3, s7;
	s7 =	simm.s32 @!p0 $0x108  }
0x21: {  	s3 =	sadd.s32 s3, s9;
	s6 =	sadd.s32 @!p0 $0x88, s6;
	s7 =	simm.s32 @p2 $0x1082  }
0x22: {  	[simem:s7], [sflag:s8] =	dma.local @!p0 [hbm:s6], $0xF7A  }
0x23: {  	s9 =	sor.u32 $0xD0000000, s2;
	s6 =	simm.s32 $0x108;
	_ =	swait.ge @!p0 [sflag:s8], $0x0  }
0x24: {  	s3 =	sadd.s32 $0x88, s3;
	s6 =	simm.s32 @!p1 $0x1082;
	[sflag:s4] =	ssyncset.s32 $0xFFFFF086  }
0x25: {  	[simem:s6], [sflag:s4] =	dma.local [hbm:s3], $0xF7A  }
0x26: {  	[smem:$0x3F97] =	sst s1;
	(tag) =	ssettag s2;
	_ =	strace s9  }
0x27: {  	s1 =	sld [smem:$0x3FA7]  }
0x28: {  	s2 =	sld [smem:$0x3FA8]  }
0x29: {  	s4 =	sld [smem:$0x3FAA]  }
0x2a: {  	p0 =	seq.s32 s5, $0x0;
	s5 =	sld [smem:$0x3FAB]  }
0x2b: {  	s6 =	sld [smem:$0x3FAC]  }
0x2c: {  	s7 =	sld [smem:$0x3FAD]  }
0x2d: {  	s3 =	simm.s32 $0x108;
	s8 =	sld [smem:$0x3FAE]  }
0x2e: {  	s3 =	simm.s32 @!p0 $0x1082;
	s9 =	sld [smem:$0x3FAF]  }
0x2f: {  	lr =	sadd.s32 s0, s3;
	s0 =	sld [smem:$0x3FA6]  }
0x30: {  	s3 =	sld [smem:$0x3FA9]  }
0x31: {  	[smem:$0x3FB2] =	sst s10  }
0x32: {  	s10 =	sld [smem:$0x3FB0];
	_ =	sdelay $0x3  }
0x33: {  	p0 =	seq.s32 s10, $0x1;
	s10 =	sld [smem:$0x3FB2];
	_ =	sdelay $0x3  }
0x34: {  	[smem:$0x3FB2] =	sst s10  }
0x35: {  	s10 =	sld [smem:$0x3FB1];
	_ =	sdelay $0x3  }
0x36: {  	p1 =	seq.s32 s10, $0x1;
	s10 =	sld [smem:$0x3FB2];
	_ =	sdelay $0x3  }
0x37: {  	[smem:$0x3FB2] =	sst s10  }
0x38: {  	s10 =	sld [smem:$0x3FB3]  }
0x39: {  	_ = 	snop;
	(pc) =	sbr.ind lr, $3  }
0x3a: {  	_ = 	snop  }
0x3b: {  	_ = 	snop  }
0x3c: {  	p2 =	seq.s32 s10, $0x1;
	s10 =	sld [smem:$0x3FB2]  }
0x3d: {  	_ =	shalt  }
0x3e: {  	_ =	shalt  }
0x3f: {  	_ =	shalt  }
0x40: {  	_ =	shalt  }
0x41: {  	_ =	shalt  }
0x42: {  	_ =	shalt  }
0x43: {  	_ =	shalt  }
0x44: {  	_ =	shalt  }
0x45: {  	_ =	shalt  }
0x46: {  	_ =	shalt  }
0x47: {  	_ =	shalt  }
0x48: {  	_ =	shalt  }
0x49: {  	_ =	shalt  }
0x4a: {  	_ =	shalt  }
0x4b: {  	_ =	shalt  }
0x4c: {  	_ =	shalt  }
0x4d: {  	_ =	shalt  }
0x4e: {  	_ =	shalt  }
0x4f: {  	_ =	shalt  }
0x50: {  	_ =	shalt  }
0x51: {  	_ =	shalt  }
0x52: {  	_ =	shalt  }
0x53: {  	_ =	shalt  }
0x54: {  	_ =	shalt  }
0x55: {  	_ =	shalt  }
0x56: {  	_ =	shalt  }
0x57: {  	_ =	shalt  }
0x58: {  	_ =	shalt  }
0x59: {  	_ =	shalt  }
0x5a: {  	_ =	shalt  }
0x5b: {  	_ =	shalt  }
0x5c: {  	_ =	shalt  }
0x5d: {  	_ =	shalt  }
0x5e: {  	_ =	shalt  }
0x5f: {  	_ =	shalt  }
0x60: {  	_ =	shalt  }
0x61: {  	_ =	shalt  }
0x62: {  	_ =	shalt  }
0x63: {  	_ =	shalt  }
0x64: {  	_ =	shalt  }
0x65: {  	_ =	shalt  }
0x66: {  	_ =	shalt  }
0x67: {  	_ =	shalt  }
0x68: {  	_ =	shalt  }
0x69: {  	_ =	shalt  }
0x6a: {  	_ =	shalt  }
0x6b: {  	_ =	shalt  }
0x6c: {  	_ =	shalt  }
0x6d: {  	_ =	shalt  }
0x6e: {  	_ =	shalt  }
0x6f: {  	_ =	shalt  }
0x70: {  	_ =	shalt  }
0x71: {  	_ =	shalt  }
0x72: {  	_ =	shalt  }
0x73: {  	_ =	shalt  }
0x74: {  	_ =	shalt  }
0x75: {  	_ =	shalt  }
0x76: {  	_ =	shalt  }
0x77: {  	_ =	shalt  }
0x78: {  	_ =	shalt  }
0x79: {  	_ =	shalt  }
0x7a: {  	_ =	shalt  }
0x7b: {  	_ =	shalt  }
0x7c: {  	_ =	shalt  }
0x7d: {  	_ =	shalt  }
0x7e: {  	_ =	shalt  }
0x7f: {  	_ =	shalt  }
0x80: {  	_ =	shalt  }
0x81: {  	_ =	shalt  }
0x82: {  	_ =	shalt  }
0x83: {  	_ =	shalt  }
0x84: {  	_ =	shalt  }
0x85: {  	_ =	shalt  }
0x86: {  	_ =	shalt  }
0x87: {  	_ =	shalt  }
.Lfunc_end0:
.L_simem_size_0:
called_computation_lowered:
.L_overlay_start_0:
0x88: {  	s2 =	sld [smem:$0x3FD9]  }
0x89: {  	s3 =	sld [smem:$0x3FFE];
	_ =	sdelay $0x1  }
0x8a: {  	s1 =	srdreg.scid  }
0x8b: {  	s0 =	sand.u32 $0x1, s1  }
0x8c: {  	s14 =	sshll.u32 s0, $0xA;
	s2 =	sadd.s32 s3, s2  }
0x8d: {  	s2 =	sadd.s32 s2, s14  }
0x8e: {  	[smem:$0x3FBE] =	sst s2  }
0x8f: {  	_ = 	snop  }
0x90: {  	s2 =	sld [smem:$0x3FD0];
	_ =	sdelay $0x2  }
0x91: {  	s15 =	simm.s32 $0xA;
	s4 =	simm.s32 $0x10  }
0x92: {  	[smem:s4], [sflag:s15] =	dma.local [hbm:s2], $0x1  }
0x93: {  	_ =	swait.eq [sflag:s15], $0x1  }
0x94: {  	[sflag:s15] =	ssyncset.done $0x0  }
0x95: {  	s16 =	sld [smem:$0x10];
	[sflag:s15] =	ssyncadd.s32 $0xFFFFFFFF  }
0x96: {  	s17 =	sld [smem:$0x11];
	(tm) =	ssettm $0x1  }
0x97: {  	s18 =	sld [smem:$0x3FFB];
	_ =	sdelay $0x3  }
0x98: {  	_ =	strace s18  }
0x99: {  	s4 =	sld [smem:$0x3FFC];
	_ =	sdelay $0x3  }
0x9a: {  	_ =	strace s4  }
0x9b: {  	s4 =	sld [smem:$0x3FFD];
	_ =	sdelay $0x3  }
0x9c: {  	_ =	strace s4  }
0x9d: {  	_ =	strace $0x8FFFFFFF  }
0x9e: {  	s19 =	sld [smem:$0x3FDB];
	_ =	sdelay $0x1  }
0x9f: {  	s5 =	simm.s32 $_scs_section_size  }
0xa0: {  	s6 =	simm.s32 $_size__tile_overlayer_lowered;
	s7 =	simm.s32 $_tile_overlayer_lowered  }
0xa1: {  	s22 =	simm.s32 $0x1BFF;
	s21 =	sshll.u32 s7, $0x1;
	s4 =	sadd.s32 s5, s19  }
0xa2: {  	s8 =	simm.s32 $0x0;
	s20 =	sshll.u32 s6, $0x1;
	s6 =	sadd.s32 s21, s4  }
0xa3: {  	[timem:s8], [sflag:s22] =	dma.local [hbm:s6], s20  }
0xa4: {  	_ =	swait.ge [sflag:s22], s20  }
0xa5: {  	s5 =	ssub.s32 $0x0, s20;
	[sflag:s22] =	ssyncset.done $0x0  }
0xa6: {  	[sflag:s22] =	ssyncadd.s32 s5;
	_ =	sdelay $0x1  }
0xa7: {  	s23 =	simm.s32 $0x1B8B  }
0xa8: {  	_ =	swait.ge [sflag:s23], $0x1  }
0xa9: {  	[sflag:s23] =	ssyncset.done $0x0  }
0xaa: {  	s25 =	simm.s32 $0x1B8E;
	s24 =	sld [smem:$0x3FFE];
	[sflag:s23] =	ssyncadd.s32 $0xFFFFFFFF  }
0xab: {  	s26 =	simm.s32 $execute0_lowered;
	[smem:$0x3FD2] =	sst s25  }
0xac: {  	s6 =	sshll.u32 s26, $0x1;
	_ =	strace $0x80000046;
	[dreg:$0x1] =	wrdreg $0xFFFFFFFF  }
0xad: {  	s28 =	simm.s32 $_size_execute0_lowered;
	s4 =	sadd.s32 s4, s6;
	[dreg:$0x0] =	wrdreg $0x0  }
0xae: {  	s6 =	sshll.u32 s28, $0x1;
	[dreg:$0x2] =	wrdreg s4  }
0xaf: {  	[dreg:$0x3] =	wrdreg s6  }
0xb0: {  	[dreg:$0x4] =	wrdreg $0xC0  }
0xb1: {  	_ =	task [dreg:s8], $0x5FFFF  }
0xb2: {  	[dreg:$0x1] =	wrdreg $0xFFFFFFFF  }
0xb3: {  	[dreg:$0x0] =	wrdreg $0x60  }
0xb4: {  	[dreg:$0x2] =	wrdreg s24  }
0xb5: {  	[dreg:$0x3] =	wrdreg s16  }
0xb6: {  	[dreg:$0x4] =	wrdreg s17  }
0xb7: {  	[dreg:$0x5] =	wrdreg $0x68000  }
0xb8: {  	[dreg:$0x6] =	wrdreg $0x9  }
0xb9: {  	_ =	task.clear_ibuf [dreg:s8], $0x7FFFF;
	_ =	strace $0x90000046  }
0xba: {  	s29 =	simm.s32 $0x9;
	_ =	strace $0x80000048  }
0xbb: {  	_ =	swait.ge [sflag:s29], $0x1  }
0xbc: {  	[sflag:s29] =	ssyncadd.s32 $0xFFFFFFFF  }
0xbd: {  	_ =	strace $0x90000048  }
0xbe: {  	_ =	sfence  }
0xbf: {  	s30 =	sld [smem:$0x0];
	_ =	sdelay $0x2  }
0xc0: {  	s31 =	sshll.u32 s1, $0xD;
	s1 =	sshrl.u32 s1, $0x2  }
0xc1: {  	s3 =	sand.u32 $0x4000, s31;
	s1 =	sadd.s32 s1, s30  }
0xc2: {  	s0 =	sor.u32 s3, s0;
	s1 =	sshll.u32 s1, $0x11  }
0xc3: {  	s0 =	sor.u32 s1, s0  }
0xc4: {  	s0 =	sadd.s32 $0x8F2B, s0  }
0xc5: {  	[sflag:s0] =	ssyncadd.remote.s32 $0x1  }
0xc6: {  	_ =	sfence.sel $0xFFFF  }
0xc7: {  	[dreg:$0x0] =	wrdreg $0xFFFFFFFF;
	(pc) =	sbr.abs _section_cstart, $3  }
0xc8: {  	[dreg:$0x1] =	wrdreg $0xFFFFFFFF  }
0xc9: {  	_ =	task.clear_ibuf [dreg:s8], $0x2FFFF;
	_ =	strace $0x9FFFFFFF  }
0xca: {  	(tm) =	ssettm $0x7FFFFFFF  }
0xcb: {  	_ =	shalt  }
tec
execute0_lowered:
.L_overlay_start_1:
0x0: {  	(tag) =	ssettag $0x1  }
0x1: {  	s5 =	rddreg [dreg:$0x0]  }
0x2: {  	s0 =	rddreg [dreg:$0x1]  }
0x3: {  	s1 =	srdreg.scid;
	s8 =	rddreg [dreg:$0x2]  }
0x4: {  	s3 =	rddreg [dreg:$0x3];
	s2 =	stileid.u32;
	s4 =	simm.s32 $0x0  }
0x5: {  	s16 =	simm.s32 $0x2800;
	s6 =	sand.u32 $0x1, s1;
	s1 =	rddreg [dreg:$0x4]  }
0x6: {  	s17 =	simm.s32 $0x0;
	[smem:$0x7FF] =	sst s4;
	s12 =	smul.u32 $0x4E000, s2  }
0x7: {  	s13 =	sadd.s32 $0x17200, s5;
	s24 =	smul.u32 $0x13800, s2;
	s15 =	sadd.s32 $0x138000, s3  }
0x8: {  	p0 =	sne.s32 s2, $0xF;
	s31 =	sshll.u32 s2, $0x6;
	s7 =	sshll.u32 s6, $0x4  }
0x9: {  	_ =	strace $0x80000047;
	s10 =	ssub.s32 $0x2, s6;
	s26 =	smul.u32 $0x138800, s6  }
0xa: {  	s15 =	sshrl.u32 @!p0 s15, $0x3;
	s7 =	sor.u32 s2, s7;
	s11 =	sshrl.u32 s10, $0x1  }
0xb: {  	s25 =	sshrl.u32 s12, $0x2;
	s28 =	sshrl.u32 s24, $0x3;
	s9 =	smul.u32 $0x500, s7  }
0xc: {  	s12 =	simm.s32 $0x1;
	s7 =	smul.u32 $0xFFFFFFB0, s7;
	s11 =	ssub.s32 s10, s11  }
0xd: {  	s14 =	sadd.s32 s25, s3;
	s29 =	sadd.s32 s24, s26;
	s30 =	sshrl.u32 s26, $0x3  }
0xe: {  	s10 =	sadd.s32 s13, s30;
	s11 =	smax.u32 s11, $0x1;
	s14 =	sshrl.u32 s14, $0x3  }
0xf: {  	s9 =	sadd.s32 s9, s5;
	s5 =	sadd.s32 $0x9C4, s7;
	s7 =	sadd.s32 s8, s28  }
0x10: {  	s8 =	sadd.s32 $0x27000, s8;
	s6 =	sadd.s32 $0xD200, s9;
	s9 =	sshrl.u32 s29, $0x3  }
0x11: {  	s10 =	sadd.s32 $0x27000, s10;
	s9 =	sadd.s32 s13, s9;
	s13 =	sor.u32 $0x1C01, s31  }
.LBB2_1:
0x12: {  	[tilespmem:s4], [sflag:$0x1] =	stream.linear.gather [hbm4b:s6+s4], $0x2800, $0x38;
	[tilespmem:$0x1A080] =	vst v63  }
0x13: {  	_ =	swait.ge [sflag:s12], $0x2800  }
0x14: {  	[sflag:s12] =	ssyncset.done $0x0  }
0x15: {  	[sflag:s12] =	ssyncadd.s32 $0xFFFFD800  }
0x16: {  	[spmem:s14], [sflag:s13] =	dma.local [hbm:s7], $0x2700  }
0x17: {  	_ =	swait.ge [sflag:s12], $0x2700  }
0x18: {  	[sflag:s12] =	ssyncset.done $0x0  }
0x19: {  	s18 =	simm.s32 @!p0 $0x1;
	[sflag:s12] =	ssyncadd.s32 $0xFFFFD900  }
0x1a: {  	[spmem:s15], [sflag:s13] =	dma.local @!p0 [hbm:s8], $0x100  }
0x1b: {  	_ =	swait.ge @!p0 [sflag:s18], $0x100  }
0x1c: {  	[sflag:s18] =	ssyncset.done @!p0 $0x0  }
0x1d: {  	[sflag:s18] =	ssyncadd.s32 @!p0 $0xFFFFFF00  }
0x1e: {  	[tilespmem:s16], [sflag:$0x1] =	stream.linear.gather [hbm4b:s0+s4], $0x4000, $0x38;
	[tilespmem:$0x1A080] =	vst v63  }
0x1f: {  	_ =	swait.ge [sflag:s12], $0x4000  }
0x20: {  	p1 =	sle.u32 s5, $0x0;
	[sflag:s12] =	ssyncset.done $0x0  }
0x21: {  	s19 =	simm.s32 @!p1 $0x2800;
	[sflag:s12] =	ssyncadd.s32 $0xFFFFC000  }
0x22: {  	s20 =	simm.s32 @!p1 $0x1;
	s18 =	simm.s32 @!p1 $0x80;
	[bflag:$0x0] =	sbarrier.arrive $0xFFFF  }
0x23: {  	[spmem:s3] =	stream.indirect.scatter.add.f32 @!p1 [tilespmem:s19], [sflag:$0x1], $0x80, s4, s18, $0xb8;
	[tilespmem:$0x1A080] =	vst v63  }
0x24: {  	_ =	swait.ge @!p1 [sflag:s20], $0x4000  }
0x25: {  	s18 =	simm.s32 $0x1;
	s19 =	simm.s32 $0x0;
	[sflag:s20] =	ssyncset.done @!p1 $0x0  }
.LBB2_2:
0x26: {  	[sflag:s20] =	ssyncadd.s32 @!p1 $0xFFFFC000;
	s20 =	smov.u32 s18;
	s18 =	sadd.s32 $0x1, s18  }
0x27: {  	s19 =	sadd.s32 $0x80, s19;
	p2 =	sne.s32 s18, $0x50  }
.Ltmp0:
0x28: {  	p1 =	sle.u32 s5, s20;
	(pc) =	sbr.rel @p2 .LBB2_2-.Ltmp0, $4  }
0x29: {  	s21 =	simm.s32 @!p1 $0x80;
	s22 =	simm.s32 @!p1 $0x2800;
	s20 =	simm.s32 @!p1 $0x1  }
0x2a: {  	[spmem:s3] =	stream.indirect.scatter.add.f32 @!p1 [tilespmem:s22], [sflag:$0x1], $0x80, s19, s21, $0xb8;
	[tilespmem:$0x1A080] =	vst v63  }
0x2b: {  	_ =	swait.ge @!p1 [sflag:s20], $0x4000  }
0x2c: {  	[sflag:s20] =	ssyncset.done @!p1 $0x0  }
0x2d: {  	[sflag:s20] =	ssyncadd.s32 @!p1 $0xFFFFC000  }
0x2e: {  	[bflag:$0x0] =	sbarrier.arrive $0xFFFF  }
0x2f: {  	[hbm:s9], [sflag:s13] =	dma.local [spmem:s14], $0x2700  }
0x30: {  	s17 =	sadd.s32 $0x1, s17;
	_ =	swait.ge [sflag:s12], $0x2700  }
0x31: {  	p1 =	sne.s32 s17, s11;
	[sflag:s12] =	ssyncset.done $0x0  }
.Ltmp1:
0x32: {  	s18 =	simm.s32 @!p0 $0x1;
	[sflag:s12] =	ssyncadd.s32 $0xFFFFD900;
	(pc) =	sbr.rel @p1 .LBB2_1-.Ltmp1, $4  }
0x33: {  	[hbm:s10], [sflag:s13] =	dma.local @!p0 [spmem:s15], $0x100  }
0x34: {  	_ =	swait.ge @!p0 [sflag:s18], $0x100  }
0x35: {  	[sflag:s18] =	ssyncset.done @!p0 $0x0  }
0x36: {  	[sflag:s18] =	ssyncadd.s32 @!p0 $0xFFFFFF00  }
0x37: {  	_ =	sfence.sel $0x180000  }
0x38: {  	[bflag:$0x0] =	sbarrier.arrive $0xFFFF  }
0x39: {  	p0 =	sne.s32 s2, $0x0;
	_ =	strace $0x90000047  }
0x3a: {  	s0 =	sadd.s32 @!p0 $0x100000, s1;
	[bflag:$0x2] =	sbarrier.arrive $0xFFFF  }
0x3b: {  	[sflag:s0] =	ssyncadd.tile.s32 @!p0 $0x1;
	_ =	shalt  }
.Lfunc_end2:
_tile_overlayer_lowered:
.L_overlay_start_2:
0x3c: {  	(tag) =	ssettag $0x2  }
0x3d: {  	s0 =	rddreg [dreg:$0x0];
	s2 =	stileid.u32  }
0x3e: {  	s1 =	rddreg [dreg:$0x1];
	p0 =	sne.s32 s2, $0x0  }
0x3f: {  	s3 =	rddreg [dreg:$0x2];
	[bflag:$0x3] =	sbarrier.arrive $0xFFFF;
	s2 =	simm.s32 @!p0 $0x1C01  }
0x40: {  	[timem:s3], [sflag:s2] =	dma.local @!p0 [hbm:s0], s1  }
0x41: {  	s0 =	simm.s32 @!p0 $0x1  }
0x42: {  	_ =	swait.ge @!p0 [sflag:s0], s1  }
0x43: {  	s1 =	ssub.s32 @!p0 $0x0, s1;
	[sflag:s0] =	ssyncset.done @!p0 $0x0  }
0x44: {  	[sflag:s0] =	ssyncadd.s32 @!p0 s1  }
0x45: {  	[bflag:$0x3] =	sbarrier.arrive $0xFFFF  }
0x46: {  	_ =	shalt  }

</sc_bundles>
